<compile_context>
chip_gen: v7x
topology: tpu7x:2x2x1
jax: 0.10.2.dev20260603
libtpu: 0.0.44.dev20260713+nightly
codegen_flags: <defaults>
</compile_context>

<pallas_src>
import functools

import jax
import jax.numpy as jnp
from jax import lax
from jax.experimental import pallas as pl
from jax.experimental.pallas import tpu as pltpu
from jax.experimental.pallas import tpu_sc as plsc

_N = 10000
_E = 320000
_D = 128
_NW = 32
_EPW = _E // _NW
_C = 40
_NCH = _EPW // _C
_NPS = _N // 16
_TN = 1000
_TEB = 4000

_SC_PARAMS = pltpu.CompilerParams(needs_layout_passes=False)


def _dot(a, b, precision=jax.lax.Precision.DEFAULT):
    return jax.lax.dot_general(a, b, (((1,), (0,)), ((), ())),
                               precision=precision,
                               preferred_element_type=jnp.float32)


def _mesh():
    return plsc.VectorSubcoreMesh(core_axis_name="c", subcore_axis_name="s")


def _tca_body(x_ref, p_ref, wa_ref, wb_ref, wf_ref, xa_ref, xb_ref):
    x = x_ref[...]
    pf = _dot(p_ref[...], wf_ref[...])
    xa_ref[...] = _dot(x, wa_ref[...]) + pf
    xb_ref[...] = _dot(x, wb_ref[...]) - pf


def _tca(x, p4, wa, wb, wf4):
    return pl.pallas_call(
        _tca_body,
        grid=(_N // _TN,),
        in_specs=[
            pl.BlockSpec((_TN, _D), lambda t: (t, 0)),
            pl.BlockSpec((_TN, 4), lambda t: (t, 0)),
            pl.BlockSpec((_D, _D), lambda t: (0, 0)),
            pl.BlockSpec((_D, _D), lambda t: (0, 0)),
            pl.BlockSpec((4, _D), lambda t: (0, 0)),
        ],
        out_specs=[
            pl.BlockSpec((_TN, _D), lambda t: (t, 0)),
            pl.BlockSpec((_TN, _D), lambda t: (t, 0)),
        ],
        out_shape=[
            jax.ShapeDtypeStruct((_N, _D), jnp.float32),
            jax.ShapeDtypeStruct((_N, _D), jnp.float32),
        ],
    )(x, p4, wa, wb, wf4)


def _sc1_body(xa_hbm, xb_hbm, pos_hbm, gi2_hbm, gj2_hbm, s_hbm, nsq_hbm,
              idx2_i, idx2_j, ra0, rb0, ra1, rb1, sb0, sb1, nsq0, nsq1,
              pos4v, sga0, sgb0, sga1, sgb1, so0, so1):
    wid = lax.axis_index("s") * 2 + lax.axis_index("c")
    pltpu.sync_copy(pos_hbm, pos4v)
    pltpu.sync_copy(gi2_hbm.at[wid], idx2_i)
    pltpu.sync_copy(gj2_hbm.at[wid], idx2_j)
    ras = (ra0, ra1)
    rbs = (rb0, rb1)
    sbs = (sb0, sb1)
    nsqs = (nsq0, nsq1)
    sgas = (sga0, sga1)
    sgbs = (sgb0, sgb1)
    sos = (so0, so1)

    def start_g(t, b):
        pltpu.async_copy(xa_hbm.at[idx2_i.at[t]], ras[b], sgas[b])
        pltpu.async_copy(xb_hbm.at[idx2_j.at[t]], rbs[b], sgbs[b])

    def process(t, b):
        base = wid * _EPW + t * _C

        @pl.when(t >= 2)
        def _():
            pltpu.make_async_copy(sbs[b], s_hbm.at[pl.ds(base, _C)],
                                  sos[b]).wait()
            pltpu.make_async_copy(nsqs[b], nsq_hbm.at[pl.ds(base, _C)],
                                  sos[b]).wait()

        def grp(k, c2):
            start = jnp.minimum(k * 16, _C - 16)
            sl = pl.ds(start, 16)
            ji = idx2_i[t, sl] * 3
            jj = idx2_j[t, sl] * 3
            d0 = (plsc.load_gather(pos4v, [ji])
                  - plsc.load_gather(pos4v, [jj]))
            d1 = (plsc.load_gather(pos4v, [ji + 1])
                  - plsc.load_gather(pos4v, [jj + 1]))
            d2 = (plsc.load_gather(pos4v, [ji + 2])
                  - plsc.load_gather(pos4v, [jj + 2]))
            nsqs[b][sl] = d0 * d0 + d1 * d1 + d2 * d2
            return c2

        lax.fori_loop(0, (_C + 15) // 16, grp, 0)
        pltpu.make_async_copy(xa_hbm.at[idx2_i.at[t]], ras[b],
                              sgas[b]).wait()
        pltpu.make_async_copy(xb_hbm.at[idx2_j.at[t]], rbs[b],
                              sgbs[b]).wait()

        def row(r, c2):
            for cc in range(8):
                sl = pl.ds(cc * 16, 16)
                sbs[b][r, sl] = ras[b][r, sl] + rbs[b][r, sl]
            return c2

        lax.fori_loop(0, _C, row, 0)

        @pl.when(t + 2 < _NCH)
        def _():
            start_g(t + 2, b)

        pltpu.async_copy(sbs[b], s_hbm.at[pl.ds(base, _C)], sos[b])
        pltpu.async_copy(nsqs[b], nsq_hbm.at[pl.ds(base, _C)], sos[b])

    start_g(0, 0)
    start_g(1, 1)

    def pair(p, carry):
        process(2 * p, 0)
        process(2 * p + 1, 1)
        return carry

    lax.fori_loop(0, _NCH // 2, pair, 0)
    base0 = wid * _EPW + (_NCH - 2) * _C
    base1 = wid * _EPW + (_NCH - 1) * _C
    pltpu.make_async_copy(sb0, s_hbm.at[pl.ds(base0, _C)], so0).wait()
    pltpu.make_async_copy(nsq0, nsq_hbm.at[pl.ds(base0, _C)], so0).wait()
    pltpu.make_async_copy(sb1, s_hbm.at[pl.ds(base1, _C)], so1).wait()
    pltpu.make_async_copy(nsq1, nsq_hbm.at[pl.ds(base1, _C)], so1).wait()


def _sc1(xa, xb, pos4, gi2, gj2):
    f = functools.partial(
        pl.kernel,
        mesh=_mesh(),
        compiler_params=_SC_PARAMS,
        out_type=[
            jax.ShapeDtypeStruct((_E, _D), jnp.float32),
            jax.ShapeDtypeStruct((_E,), jnp.float32),
        ],
        scratch_types=[
            pltpu.VMEM((_NCH, _C), jnp.int32),
            pltpu.VMEM((_NCH, _C), jnp.int32),
            pltpu.VMEM((_C, _D), jnp.float32),
            pltpu.VMEM((_C, _D), jnp.float32),
            pltpu.VMEM((_C, _D), jnp.float32),
            pltpu.VMEM((_C, _D), jnp.float32),
            pltpu.VMEM((_C, _D), jnp.float32),
            pltpu.VMEM((_C, _D), jnp.float32),
            pltpu.VMEM((_C,), jnp.float32),
            pltpu.VMEM((_C,), jnp.float32),
            pltpu.VMEM((3 * _N,), jnp.float32),
            pltpu.SemaphoreType.DMA,
            pltpu.SemaphoreType.DMA,
            pltpu.SemaphoreType.DMA,
            pltpu.SemaphoreType.DMA,
            pltpu.SemaphoreType.DMA,
            pltpu.SemaphoreType.DMA,
        ],
    )(_sc1_body)
    return f(xa, xb, pos4, gi2, gj2)


def _tcb_body(s_ref, nsq_ref, wnrm_ref, b0_ref, w1_ref, b1_ref,
              we0_ref, be0_ref, we1_ref, be1_ref, m_ref, wexp_ref):
    nsq = nsq_ref[...]
    nrm = nsq * lax.rsqrt(nsq + 1e-30)
    h = s_ref[...] + nrm * wnrm_ref[...] + b0_ref[...]
    h = jnp.maximum(h, 0.0)
    ee = _dot(h, w1_ref[...]) + b1_ref[...]
    mu = jnp.mean(ee, axis=-1, keepdims=True)
    var = jnp.mean((ee - mu) * (ee - mu), axis=-1, keepdims=True)
    ee = (ee - mu) * lax.rsqrt(var + 1e-5)
    z = jnp.maximum(_dot(ee, we0_ref[...]) + be0_ref[...], 0.0)
    w = jnp.sum(z * we1_ref[...], axis=-1, keepdims=True) + be1_ref[...]
    wexp = jnp.exp(w)
    m_ref[...] = (ee + 1.0) * wexp
    wexp_ref[...] = wexp


def _tcb(s, nsq, wnrm, b0, w1, b1, we0, be0, we1row, be1):
    full = lambda a, b: pl.BlockSpec((a, b), lambda t: (0, 0))
    return pl.pallas_call(
        _tcb_body,
        grid=(_E // _TEB,),
        in_specs=[
            pl.BlockSpec((_TEB, _D), lambda t: (t, 0)),
            pl.BlockSpec((_TEB, 1), lambda t: (t, 0)),
            full(1, _D), full(1, _D),
            full(_D, _D), full(1, _D),
            full(_D, _D), full(1, _D), full(1, _D), full(1, 1),
        ],
        out_specs=[
            pl.BlockSpec((_TEB, _D), lambda t: (t, 0)),
            pl.BlockSpec((_TEB, 1), lambda t: (t, 0)),
        ],
        out_shape=[
            jax.ShapeDtypeStruct((_E, _D), jnp.float32),
            jax.ShapeDtypeStruct((_E, 1), jnp.float32),
        ],
    )(s, nsq, wnrm, b0, w1, b1, we0, be0, we1row, be1)


def _sc2_body(m_hbm, gj2_hbm, aggr_hbm, idx2_j, mbuf0, mbuf1, zbuf,
              sm0, sm1, aggr_sh):
    cid = lax.axis_index("c")
    sid = lax.axis_index("s")
    wid = sid * 2 + cid

    def zrow(r, c2):
        for cc in range(8):
            zbuf[r, pl.ds(cc * 16, 16)] = jnp.zeros((16,), jnp.float32)
        return c2

    lax.fori_loop(0, 16, zrow, 0)

    def zcp(q, c2):
        pltpu.sync_copy(zbuf, aggr_sh.at[pl.ds(sid * 624 + q * 16, 16)])
        return c2

    lax.fori_loop(0, 40, zcp, 0)
    plsc.subcore_barrier()

    pltpu.sync_copy(gj2_hbm.at[wid], idx2_j)
    mbufs = (mbuf0, mbuf1)
    sms = (sm0, sm1)

    def start_m(t, b):
        base = wid * _EPW + t * _C
        pltpu.async_copy(m_hbm.at[pl.ds(base, _C)], mbufs[b], sms[b])

    def process(t, b):
        base = wid * _EPW + t * _C
        pltpu.make_async_copy(m_hbm.at[pl.ds(base, _C)], mbufs[b],
                              sms[b]).wait()
        pltpu.sync_copy(mbufs[b], aggr_sh.at[idx2_j.at[t]], add=True)

        @pl.when(t + 2 < _NCH)
        def _():
            start_m(t + 2, b)

    start_m(0, 0)
    start_m(1, 1)

    def pair(p, carry):
        process(2 * p, 0)
        process(2 * p + 1, 1)
        return carry

    lax.fori_loop(0, _NCH // 2, pair, 0)
    plsc.subcore_barrier()

    pltpu.sync_copy(aggr_sh.at[pl.ds(sid * 624, 640)],
                    aggr_hbm.at[pl.ds(cid * _N + sid * 624, 640)])


def _sc2(m, gj2):
    f = functools.partial(
        pl.kernel,
        mesh=_mesh(),
        compiler_params=_SC_PARAMS,
        out_type=[jax.ShapeDtypeStruct((2 * _N, _D), jnp.float32)],
        scratch_types=[
            pltpu.VMEM((_NCH, _C), jnp.int32),
            pltpu.VMEM((_C, _D), jnp.float32),
            pltpu.VMEM((_C, _D), jnp.float32),
            pltpu.VMEM((16, _D), jnp.float32),
            pltpu.SemaphoreType.DMA,
            pltpu.SemaphoreType.DMA,
            pltpu.VMEM_SHARED((_N, _D), jnp.float32),
        ],
    )(_sc2_body)
    return f(m, gj2)


def _tcc_body(x_ref, a0_ref, a1_ref, wg0a_ref, wg0b_ref, bg0_ref, wg1_ref,
              bg1_ref, wn0a_ref, wn0b_ref, bn0_ref, wn1_ref, bn1_ref,
              gn_ref, tinv_ref, out_ref, seg_ref, acc_ref, yh_ref):
    t = pl.program_id(0)
    a = a0_ref[...] + a1_ref[...]
    seg = jnp.sum(a, axis=-1, keepdims=True) * (1.0 / _D)
    safe = jnp.where(seg > 0.0, seg, 1.0)
    aggr = (a - seg) / safe
    x = x_ref[...]

    hg = jnp.maximum(_dot(x, wg0a_ref[...]) + _dot(aggr, wg0b_ref[...])
                     + bg0_ref[...], 0.0)
    lg = _dot(hg, wg1_ref[...]) + bg1_ref[...]
    part = jnp.sum(lg, axis=0, keepdims=True)

    @pl.when(t == 0)
    def _():
        acc_ref[...] = part

    @pl.when(t > 0)
    def _():
        acc_ref[...] = acc_ref[...] + part

    hn = jnp.maximum(_dot(x, wn0a_ref[...]) + _dot(aggr, wn0b_ref[...])
                     + bn0_ref[...], 0.0)
    o = _dot(hn, wn1_ref[...]) + bn1_ref[...]
    mu = jnp.mean(o, axis=-1, keepdims=True)
    var = jnp.mean((o - mu) * (o - mu), axis=-1, keepdims=True)
    out_ref[...] = (o - mu) * lax.rsqrt(var + 1e-5) + x
    seg_ref[...] = seg

    @pl.when(t == (_N // _TN) - 1)
    def _():
        y = (acc_ref[...] * (1.0 / _N) + gn_ref[...]) * tinv_ref[...]
        mx = jnp.max(y, axis=-1, keepdims=True)
        e = jnp.exp(y - mx)
        ys = e / jnp.sum(e, axis=-1, keepdims=True)
        am = jnp.argmax(ys, axis=-1)[:, None]
        io = jax.lax.broadcasted_iota(jnp.int32, (1, 2), 1)
        oh = (io == am).astype(jnp.float32)
        yh_ref[...] = (oh - ys) + ys


def _tcc(x, a, wg0a, wg0b, bg0, wg1, bg1, wn0a, wn0b, bn0, wn1, bn1,
         gn, tinv):
    full = lambda a_, b_: pl.BlockSpec((a_, b_), lambda t: (0, 0))
    nt = _N // _TN
    return pl.pallas_call(
        _tcc_body,
        grid=(nt,),
        in_specs=[
            pl.BlockSpec((_TN, _D), lambda t: (t, 0)),
            pl.BlockSpec((_TN, _D), lambda t: (t, 0)),
            pl.BlockSpec((_TN, _D), lambda t: (t + nt, 0)),
            full(_D, _D), full(_D, _D), full(1, _D),
            full(_D, 2), full(1, 2),
            full(_D, _D), full(_D, _D), full(1, _D),
            full(_D, _D), full(1, _D),
            full(1, 2), full(1, 1),
        ],
        out_specs=[
            pl.BlockSpec((_TN, _D), lambda t: (t, 0)),
            pl.BlockSpec((_TN, 1), lambda t: (t, 0)),
            pl.BlockSpec((1, 2), lambda t: (0, 0)),
            pl.BlockSpec((1, 2), lambda t: (0, 0)),
        ],
        out_shape=[
            jax.ShapeDtypeStruct((_N, _D), jnp.float32),
            jax.ShapeDtypeStruct((_N, 1), jnp.float32),
            jax.ShapeDtypeStruct((1, 2), jnp.float32),
            jax.ShapeDtypeStruct((1, 2), jnp.float32),
        ],
    )(x, a, a, wg0a, wg0b, bg0, wg1, bg1, wn0a, wn0b, bn0, wn1, bn1,
      gn, tinv)


def _sc3_body(wexp_hbm, gj_hbm, seg_hbm, wn_hbm, segv, idx_j, wbuf):
    wid = lax.axis_index("s") * 2 + lax.axis_index("c")
    base = wid * _EPW
    pltpu.sync_copy(seg_hbm, segv)
    pltpu.sync_copy(gj_hbm.at[pl.ds(base, _EPW)], idx_j)
    pltpu.sync_copy(wexp_hbm.at[pl.ds(base, _EPW)], wbuf)

    def grp(k, c2):
        sl = pl.ds(k * 16, 16)
        sv = plsc.load_gather(segv, [idx_j[sl]])
        wbuf[sl] = wbuf[sl] / sv
        return c2

    lax.fori_loop(0, _EPW // 16, grp, 0)
    pltpu.sync_copy(wbuf, wn_hbm.at[pl.ds(base, _EPW)])


def _sc3(wexp, gj, seg):
    f = functools.partial(
        pl.kernel,
        mesh=_mesh(),
        compiler_params=_SC_PARAMS,
        out_type=[jax.ShapeDtypeStruct((_E,), jnp.float32)],
        scratch_types=[
            pltpu.VMEM((_N,), jnp.float32),
            pltpu.VMEM((_EPW,), jnp.int32),
            pltpu.VMEM((_EPW,), jnp.float32),
        ],
    )(_sc3_body)
    return f(wexp, gj, seg)


def kernel(x, g, pos, temp, W_ei0, b_ei0, W_ei1, b_ei1, W_ew0, b_ew0,
           W_ew1, b_ew1, W_g0, b_g0, W_g1, b_g1, W_nd0, b_nd0, W_nd1,
           b_nd1):
    gi = g[0].astype(jnp.int32)
    gj = g[1].astype(jnp.int32)
    gi2 = gi.reshape(_NW, _NCH, _C)
    gj2 = gj.reshape(_NW, _NCH, _C)
    p4 = jnp.pad(pos.astype(jnp.float32), ((0, 0), (0, 1)))
    pos3 = pos.astype(jnp.float32).reshape(3 * _N)

    wa = W_ei0[4:4 + _D]
    wb = W_ei0[4 + _D:4 + 2 * _D]
    wf4 = jnp.pad(W_ei0[0:3], ((0, 1), (0, 0)))
    wnrm = W_ei0[3:4]
    b0 = b_ei0.reshape(1, _D)
    b1 = b_ei1.reshape(1, _D)
    be0 = b_ew0.reshape(1, _D)
    we1row = W_ew1.reshape(1, _D)
    be1 = b_ew1.reshape(1, 1)
    wg0a = W_g0[:_D]
    wg0b = W_g0[_D:]
    bg0 = b_g0.reshape(1, _D)
    bg1 = b_g1.reshape(1, 2)
    wn0a = W_nd0[:_D]
    wn0b = W_nd0[_D:]
    bn0 = b_nd0.reshape(1, _D)
    bn1 = b_nd1.reshape(1, _D)

    u = jax.random.uniform(jax.random.key(42), (2,), minval=1e-10,
                           maxval=1.0)
    gn = (-jnp.log(-jnp.log(u))).reshape(1, 2)
    tinv = (1.0 / jnp.asarray(temp, jnp.float32)).reshape(1, 1)

    xa, xb = _tca(x, p4, wa, wb, wf4)
    s, nsq = _sc1(xa, xb, pos3, gi2, gj2)
    m, wexp = _tcb(s, nsq.reshape(_E, 1), wnrm, b0, W_ei1, b1, W_ew0,
                   be0, we1row, be1)
    (a,) = _sc2(m, gj2)
    out, seg, _acc, yh = _tcc(x, a, wg0a, wg0b, bg0, W_g1, bg1, wn0a,
                              wn0b, bn0, W_nd1, bn1, gn, tinv)
    (wn,) = _sc3(wexp.reshape(_E), gj, seg.reshape(_N))
    return out, wn.reshape(_E, 1), yh.reshape(2)

# --- scband reference (transcript-rebuilt; emitter-appended) ---
"""Pipeline reference for scband-evo-mesh-20718922236071 (READ-ONLY COPY).

The authoritative reference and input builder live on the scoring server;
editing this copy changes nothing except your own understanding.
"""

import jax, jax.numpy as jnp
import numpy as np

N = 10000
E = 320000
D = 128
P = 3

def _mlp(h, Ws, bs, ln):
    for k in range(len(Ws) - 1):
        h = jax.nn.relu(h @ Ws[k] + bs[k])
    h = h @ Ws[-1] + bs[-1]
    if ln:
        m = jnp.mean(h, axis=-1, keepdims=True)
        v = jnp.var(h, axis=-1, keepdims=True)
        h = (h - m) / jnp.sqrt(v + 1e-5)
    return h

def _w(key, i, shape):
    return jax.random.normal(jax.random.fold_in(key, i), shape, dtype=jnp.float32) * 0.05

def setup_inputs(seed: int = 0):
    key = jax.random.key(seed)
    k1, k2, k3 = jax.random.split(key, 3)
    inp = {}
    inp['x'] = jax.random.normal(k1, (N, D), dtype=jnp.float32)
    inp['g'] = jax.random.randint(k2, (2, E), 0, N, dtype=jnp.int64) if jax.config.jax_enable_x64 else jax.random.randint(k2, (2, E), 0, N, dtype=jnp.int32)
    inp['pos'] = jax.random.normal(k3, (N, P), dtype=jnp.float32)
    inp['temp'] = 1
    wk = jax.random.key(7)
    ein = 2 * D + P + 1  # 260, lagrangian=False
    inp['W_ei0'] = _w(wk, 0, (ein, D)); inp['b_ei0'] = _w(wk, 1, (D,))
    inp['W_ei1'] = _w(wk, 2, (D, D));   inp['b_ei1'] = _w(wk, 3, (D,))
    inp['W_ew0'] = _w(wk, 4, (D, D));   inp['b_ew0'] = _w(wk, 5, (D,))
    inp['W_ew1'] = _w(wk, 6, (D, 1));   inp['b_ew1'] = _w(wk, 7, (1,))
    inp['W_g0'] = _w(wk, 8, (2 * D, D)); inp['b_g0'] = _w(wk, 9, (D,))
    inp['W_g1'] = _w(wk, 10, (D, 2));    inp['b_g1'] = _w(wk, 11, (2,))
    inp['W_nd0'] = _w(wk, 12, (2 * D, D)); inp['b_nd0'] = _w(wk, 13, (D,))
    inp['W_nd1'] = _w(wk, 14, (D, D));     inp['b_nd1'] = _w(wk, 15, (D,))
    return inp

def reference(x, g, pos, temp, W_ei0, b_ei0, W_ei1, b_ei1, W_ew0, b_ew0, W_ew1, b_ew1, W_g0, b_g0, W_g1, b_g1, W_nd0, b_nd0, W_nd1, b_nd1):
    i = g[0]
    j = g[1]
    x_i = x[i]
    x_j = x[j]
    pi = pos[i]
    pj = pos[j]
    dirv = pi - pj
    norm = jnp.linalg.norm(dirv, axis=-1, keepdims=True)
    fiber = jnp.concatenate([dirv, norm], axis=-1)
    tmp_e = jnp.concatenate([fiber, x_i, x_j], axis=-1)
    edge_embedding = _mlp(tmp_e, [W_ei0, W_ei1], [b_ei0, b_ei1], True)
    edge_weight = _mlp(edge_embedding, [W_ew0, W_ew1], [b_ew0, b_ew1], False)
    # scatter_softmax over destination j
    seg_max = jax.ops.segment_max(edge_weight, j, num_segments=N)
    wexp = jnp.exp(edge_weight - seg_max[j])
    seg_sum = jax.ops.segment_sum(wexp, j, num_segments=N)
    edge_weight = wexp / seg_sum[j]
    edge_embedding = edge_embedding * edge_weight
    aggr_out = jax.ops.segment_sum(edge_embedding, j, num_segments=N)
    tmp = jnp.concatenate([x, aggr_out], axis=-1)
    logits = _mlp(tmp, [W_g0, W_g1], [b_g0, b_g1], False)
    logits = jnp.mean(logits, axis=0)
    # gumbel softmax (hard=True, straight-through)
    u = jax.random.uniform(jax.random.key(42), logits.shape, minval=1e-10, maxval=1.0)
    gn = -jnp.log(-jnp.log(u))
    y_soft = jax.nn.softmax((logits + gn) / temp, axis=-1)
    idx = jnp.argmax(y_soft, axis=-1)
    y_hard = jax.nn.one_hot(idx, y_soft.shape[-1], dtype=y_soft.dtype)
    y_hard = y_hard - jax.lax.stop_gradient(y_soft) + y_soft
    out = _mlp(tmp, [W_nd0, W_nd1], [b_nd0, b_nd1], True) + x
    return (out, edge_weight, y_hard)

if __name__ == "__main__":
    import jax
    _d = setup_inputs()
    print(jax.jit(kernel)(*tuple(_d.values())))

</pallas_src>

<mosaic_0001>
#map = affine_map<(d0, d1) -> (0)>
module attributes {stable_mosaic.version = 14 : i64} {
  func.func @_sc3_body(%arg0: i32, %arg1: i32, %arg2: memref<320000xf32, #tpu.memory_space<hbm>>, %arg3: memref<320000xi32, #tpu.memory_space<hbm>>, %arg4: memref<10000xf32, #tpu.memory_space<hbm>>, %arg5: memref<320000xf32, #tpu.memory_space<hbm>>, %arg6: memref<10000xf32, #tpu.memory_space<vmem>>, %arg7: memref<10000xi32, #tpu.memory_space<vmem>>, %arg8: memref<10000xf32, #tpu.memory_space<vmem>>) attributes {dimension_semantics = [#tpu.dimension_semantics<core_parallel>, #tpu.dimension_semantics<subcore_parallel>], iteration_bounds = array<i64: 2, 16>, scalar_prefetch = 0 : i64, scratch_operands = 3 : i64, tpu.core_type = #tpu.core_type<sc_vector_subcore>, window_params = [{transform_indices = #map}, {transform_indices = #map}, {transform_indices = #map}, {transform_indices = #map}]} {
    %mul3A = arith.constant 2 : i32
    %mul3A_0 = arith.muli %arg1, %mul3A : i32
    %add3A = arith.addi %mul3A_0, %arg0 : i32
    %mul3A_1 = arith.constant 10000 : i32
    %mul3A_2 = arith.muli %add3A, %mul3A_1 : i32
    "tpu.region"() ({
      %run_scoped3A = tpu.sem_alloc : memref<!tpu.dma_semaphore, #tpu.memory_space<semaphore_mem>>
      tpu.enqueue_dma source(%arg4 : memref<10000xf32, #tpu.memory_space<hbm>>) target(%arg6 : memref<10000xf32, #tpu.memory_space<vmem>>) target_semaphore(%run_scoped3A : memref<!tpu.dma_semaphore, #tpu.memory_space<semaphore_mem>>)
      tpu.wait_dma2 semaphore(%run_scoped3A : memref<!tpu.dma_semaphore, #tpu.memory_space<semaphore_mem>>) src(%arg4 : memref<10000xf32, #tpu.memory_space<hbm>>) dst(%arg6 : memref<10000xf32, #tpu.memory_space<vmem>>)
      tpu.yield
    }) : () -> ()
    "tpu.region"() ({
      %run_scoped3A = tpu.sem_alloc : memref<!tpu.dma_semaphore, #tpu.memory_space<semaphore_mem>>
      %dma_start3A = tpu.memref_slice %arg3[%mul3A_2] : memref<320000xi32, #tpu.memory_space<hbm>> -> memref<10000xi32, #tpu.memory_space<hbm>>
      %dma_start3A_8 = tpu.memref_slice %arg3[%mul3A_2] : memref<320000xi32, #tpu.memory_space<hbm>> -> memref<10000xi32, #tpu.memory_space<hbm>>
      tpu.enqueue_dma source(%dma_start3A_8 : memref<10000xi32, #tpu.memory_space<hbm>>) target(%arg7 : memref<10000xi32, #tpu.memory_space<vmem>>) target_semaphore(%run_scoped3A : memref<!tpu.dma_semaphore, #tpu.memory_space<semaphore_mem>>)
      %dma_wait3A = tpu.memref_slice %arg3[%mul3A_2] : memref<320000xi32, #tpu.memory_space<hbm>> -> memref<10000xi32, #tpu.memory_space<hbm>>
      %dma_wait3A_9 = tpu.memref_slice %arg3[%mul3A_2] : memref<320000xi32, #tpu.memory_space<hbm>> -> memref<10000xi32, #tpu.memory_space<hbm>>
      tpu.wait_dma2 semaphore(%run_scoped3A : memref<!tpu.dma_semaphore, #tpu.memory_space<semaphore_mem>>) src(%dma_wait3A_9 : memref<10000xi32, #tpu.memory_space<hbm>>) dst(%arg7 : memref<10000xi32, #tpu.memory_space<vmem>>)
      tpu.yield
    }) : () -> ()
    "tpu.region"() ({
      %run_scoped3A = tpu.sem_alloc : memref<!tpu.dma_semaphore, #tpu.memory_space<semaphore_mem>>
      %dma_start3A = tpu.memref_slice %arg2[%mul3A_2] : memref<320000xf32, #tpu.memory_space<hbm>> -> memref<10000xf32, #tpu.memory_space<hbm>>
      %dma_start3A_8 = tpu.memref_slice %arg2[%mul3A_2] : memref<320000xf32, #tpu.memory_space<hbm>> -> memref<10000xf32, #tpu.memory_space<hbm>>
      tpu.enqueue_dma source(%dma_start3A_8 : memref<10000xf32, #tpu.memory_space<hbm>>) target(%arg8 : memref<10000xf32, #tpu.memory_space<vmem>>) target_semaphore(%run_scoped3A : memref<!tpu.dma_semaphore, #tpu.memory_space<semaphore_mem>>)
      %dma_wait3A = tpu.memref_slice %arg2[%mul3A_2] : memref<320000xf32, #tpu.memory_space<hbm>> -> memref<10000xf32, #tpu.memory_space<hbm>>
      %dma_wait3A_9 = tpu.memref_slice %arg2[%mul3A_2] : memref<320000xf32, #tpu.memory_space<hbm>> -> memref<10000xf32, #tpu.memory_space<hbm>>
      tpu.wait_dma2 semaphore(%run_scoped3A : memref<!tpu.dma_semaphore, #tpu.memory_space<semaphore_mem>>) src(%dma_wait3A_9 : memref<10000xf32, #tpu.memory_space<hbm>>) dst(%arg8 : memref<10000xf32, #tpu.memory_space<vmem>>)
      tpu.yield
    }) : () -> ()
    %scan3A = arith.constant 0 : i32
    %scan3A_3 = arith.constant 0 : i32
    %scan3A_4 = arith.constant 625 : i32
    %scan3A_5 = arith.addi %scan3A_3, %scan3A_4 : i32
    %scan3A_6 = arith.constant 1 : i32
    scf.for %scan3A_8 = %scan3A_3 to %scan3A_5 step %scan3A_6  : i32 {
      %mul3A_9 = arith.constant 16 : i32
      %mul3A_10 = arith.muli %scan3A_8, %mul3A_9 : i32
      %get3A = arith.index_cast %mul3A_10 : i32 to index
      %get3A_11 = tpu.vector_load %arg7[%get3A] {strides = array<i32>} : memref<10000xi32, #tpu.memory_space<vmem>>, vector<16xi32>,
      %gather3A = tpu.vector_load_idx %arg6[%get3A_11] : memref<10000xf32, #tpu.memory_space<vmem>>[vector<16xi32>], vector<16xf32>,
      %get3A_12 = arith.index_cast %mul3A_10 : i32 to index
      %get3A_13 = tpu.vector_load %arg8[%get3A_12] {strides = array<i32>} : memref<10000xf32, #tpu.memory_space<vmem>>, vector<16xf32>,
      %div3A = arith.divf %get3A_13, %gather3A : vector<16xf32>
      %swap3A = arith.index_cast %mul3A_10 : i32 to index
      %swap3A_14 = tpu.vector_load %arg8[%swap3A] {strides = array<i32>} : memref<10000xf32, #tpu.memory_space<vmem>>, vector<16xf32>,
      tpu.vector_store %arg8[%swap3A], %div3A {strides = array<i32>} : memref<10000xf32, #tpu.memory_space<vmem>>, vector<16xf32>,
    }
    %scan3A_7 = arith.constant 625 : i32
    "tpu.region"() ({
      %run_scoped3A = tpu.sem_alloc : memref<!tpu.dma_semaphore, #tpu.memory_space<semaphore_mem>>
      %dma_start3A = tpu.memref_slice %arg5[%mul3A_2] : memref<320000xf32, #tpu.memory_space<hbm>> -> memref<10000xf32, #tpu.memory_space<hbm>>
      %dma_start3A_8 = tpu.memref_slice %arg5[%mul3A_2] : memref<320000xf32, #tpu.memory_space<hbm>> -> memref<10000xf32, #tpu.memory_space<hbm>>
      tpu.enqueue_dma source(%arg8 : memref<10000xf32, #tpu.memory_space<vmem>>) target(%dma_start3A_8 : memref<10000xf32, #tpu.memory_space<hbm>>) target_semaphore(%run_scoped3A : memref<!tpu.dma_semaphore, #tpu.memory_space<semaphore_mem>>)
      %dma_wait3A = tpu.memref_slice %arg5[%mul3A_2] : memref<320000xf32, #tpu.memory_space<hbm>> -> memref<10000xf32, #tpu.memory_space<hbm>>
      %dma_wait3A_9 = tpu.memref_slice %arg5[%mul3A_2] : memref<320000xf32, #tpu.memory_space<hbm>> -> memref<10000xf32, #tpu.memory_space<hbm>>
      tpu.wait_dma2 semaphore(%run_scoped3A : memref<!tpu.dma_semaphore, #tpu.memory_space<semaphore_mem>>) src(%arg8 : memref<10000xf32, #tpu.memory_space<vmem>>) dst(%dma_wait3A_9 : memref<10000xf32, #tpu.memory_space<hbm>>)
      tpu.yield
    }) : () -> ()
    return
  }
}

#map = affine_map<(d0, d1) -> (0, 0)>
#map1 = affine_map<(d0, d1) -> (0, 0, 0)>
module attributes {stable_mosaic.version = 14 : i64} {
  func.func @_sc2_body(%arg0: i32, %arg1: i32, %arg2: memref<320000x128xf32, #tpu.memory_space<hbm>>, %arg3: memref<32x250x40xi32, #tpu.memory_space<hbm>>, %arg4: memref<20000x128xf32, #tpu.memory_space<hbm>>, %arg5: memref<250x40xi32, #tpu.memory_space<vmem>>, %arg6: memref<40x128xf32, #tpu.memory_space<vmem>>, %arg7: memref<40x128xf32, #tpu.memory_space<vmem>>, %arg8: memref<16x128xf32, #tpu.memory_space<vmem>>, %arg9: memref<!tpu.dma_semaphore, #tpu.memory_space<semaphore_mem>>, %arg10: memref<!tpu.dma_semaphore, #tpu.memory_space<semaphore_mem>>, %arg11: memref<10000x128xf32, #tpu.memory_space<vmem_shared>>) attributes {dimension_semantics = [#tpu.dimension_semantics<core_parallel>, #tpu.dimension_semantics<subcore_parallel>], iteration_bounds = array<i64: 2, 16>, scalar_prefetch = 0 : i64, scratch_operands = 7 : i64, tpu.core_type = #tpu.core_type<sc_vector_subcore>, window_params = [{transform_indices = #map}, {transform_indices = #map1}, {transform_indices = #map}]} {
    %mul3A = arith.constant 2 : i32
    %mul3A_0 = arith.muli %arg1, %mul3A : i32
    %add3A = arith.addi %mul3A_0, %arg0 : i32
    %scan3A = arith.constant 0 : i32
    %scan3A_1 = arith.constant 0 : i32
    %scan3A_2 = arith.constant 16 : i32
    %scan3A_3 = arith.addi %scan3A_1, %scan3A_2 : i32
    %scan3A_4 = arith.constant 1 : i32
    scf.for %scan3A_41 = %scan3A_1 to %scan3A_3 step %scan3A_4  : i32 {
      %broadcast_in_dim3A = arith.constant 0.000000e+00 : f32
      %broadcast_in_dim3A_42 = vector.broadcast %broadcast_in_dim3A : f32 to vector<16xf32>
      %swap3A = arith.index_cast %scan3A_41 : i32 to index
      %swap3A_43 = arith.constant 0 : index
      %swap3A_44 = tpu.vector_load %arg8[%swap3A, %swap3A_43] {strides = array<i32>} : memref<16x128xf32, #tpu.memory_space<vmem>>, vector<16xf32>,
      tpu.vector_store %arg8[%swap3A, %swap3A_43], %broadcast_in_dim3A_42 {strides = array<i32>} : memref<16x128xf32, #tpu.memory_space<vmem>>, vector<16xf32>,
      %broadcast_in_dim3A_45 = arith.constant 0.000000e+00 : f32
      %broadcast_in_dim3A_46 = vector.broadcast %broadcast_in_dim3A_45 : f32 to vector<16xf32>
      %swap3A_47 = arith.index_cast %scan3A_41 : i32 to index
      %swap3A_48 = arith.constant 16 : index
      %swap3A_49 = tpu.vector_load %arg8[%swap3A_47, %swap3A_48] {strides = array<i32>} : memref<16x128xf32, #tpu.memory_space<vmem>>, vector<16xf32>,
      tpu.vector_store %arg8[%swap3A_47, %swap3A_48], %broadcast_in_dim3A_46 {strides = array<i32>} : memref<16x128xf32, #tpu.memory_space<vmem>>, vector<16xf32>,
      %broadcast_in_dim3A_50 = arith.constant 0.000000e+00 : f32
      %broadcast_in_dim3A_51 = vector.broadcast %broadcast_in_dim3A_50 : f32 to vector<16xf32>
      %swap3A_52 = arith.index_cast %scan3A_41 : i32 to index
      %swap3A_53 = arith.constant 32 : index
      %swap3A_54 = tpu.vector_load %arg8[%swap3A_52, %swap3A_53] {strides = array<i32>} : memref<16x128xf32, #tpu.memory_space<vmem>>, vector<16xf32>,
      tpu.vector_store %arg8[%swap3A_52, %swap3A_53], %broadcast_in_dim3A_51 {strides = array<i32>} : memref<16x128xf32, #tpu.memory_space<vmem>>, vector<16xf32>,
      %broadcast_in_dim3A_55 = arith.constant 0.000000e+00 : f32
      %broadcast_in_dim3A_56 = vector.broadcast %broadcast_in_dim3A_55 : f32 to vector<16xf32>
      %swap3A_57 = arith.index_cast %scan3A_41 : i32 to index
      %swap3A_58 = arith.constant 48 : index
      %swap3A_59 = tpu.vector_load %arg8[%swap3A_57, %swap3A_58] {strides = array<i32>} : memref<16x128xf32, #tpu.memory_space<vmem>>, vector<16xf32>,
      tpu.vector_store %arg8[%swap3A_57, %swap3A_58], %broadcast_in_dim3A_56 {strides = array<i32>} : memref<16x128xf32, #tpu.memory_space<vmem>>, vector<16xf32>,
      %broadcast_in_dim3A_60 = arith.constant 0.000000e+00 : f32
      %broadcast_in_dim3A_61 = vector.broadcast %broadcast_in_dim3A_60 : f32 to vector<16xf32>
      %swap3A_62 = arith.index_cast %scan3A_41 : i32 to index
      %swap3A_63 = arith.constant 64 : index
      %swap3A_64 = tpu.vector_load %arg8[%swap3A_62, %swap3A_63] {strides = array<i32>} : memref<16x128xf32, #tpu.memory_space<vmem>>, vector<16xf32>,
      tpu.vector_store %arg8[%swap3A_62, %swap3A_63], %broadcast_in_dim3A_61 {strides = array<i32>} : memref<16x128xf32, #tpu.memory_space<vmem>>, vector<16xf32>,
      %broadcast_in_dim3A_65 = arith.constant 0.000000e+00 : f32
      %broadcast_in_dim3A_66 = vector.broadcast %broadcast_in_dim3A_65 : f32 to vector<16xf32>
      %swap3A_67 = arith.index_cast %scan3A_41 : i32 to index
      %swap3A_68 = arith.constant 80 : index
      %swap3A_69 = tpu.vector_load %arg8[%swap3A_67, %swap3A_68] {strides = array<i32>} : memref<16x128xf32, #tpu.memory_space<vmem>>, vector<16xf32>,
      tpu.vector_store %arg8[%swap3A_67, %swap3A_68], %broadcast_in_dim3A_66 {strides = array<i32>} : memref<16x128xf32, #tpu.memory_space<vmem>>, vector<16xf32>,
      %broadcast_in_dim3A_70 = arith.constant 0.000000e+00 : f32
      %broadcast_in_dim3A_71 = vector.broadcast %broadcast_in_dim3A_70 : f32 to vector<16xf32>
      %swap3A_72 = arith.index_cast %scan3A_41 : i32 to index
      %swap3A_73 = arith.constant 96 : index
      %swap3A_74 = tpu.vector_load %arg8[%swap3A_72, %swap3A_73] {strides = array<i32>} : memref<16x128xf32, #tpu.memory_space<vmem>>, vector<16xf32>,
      tpu.vector_store %arg8[%swap3A_72, %swap3A_73], %broadcast_in_dim3A_71 {strides = array<i32>} : memref<16x128xf32, #tpu.memory_space<vmem>>, vector<16xf32>,
      %broadcast_in_dim3A_75 = arith.constant 0.000000e+00 : f32
      %broadcast_in_dim3A_76 = vector.broadcast %broadcast_in_dim3A_75 : f32 to vector<16xf32>
      %swap3A_77 = arith.index_cast %scan3A_41 : i32 to index
      %swap3A_78 = arith.constant 112 : index
      %swap3A_79 = tpu.vector_load %arg8[%swap3A_77, %swap3A_78] {strides = array<i32>} : memref<16x128xf32, #tpu.memory_space<vmem>>, vector<16xf32>,
      tpu.vector_store %arg8[%swap3A_77, %swap3A_78], %broadcast_in_dim3A_76 {strides = array<i32>} : memref<16x128xf32, #tpu.memory_space<vmem>>, vector<16xf32>,
    }
    %scan3A_5 = arith.constant 16 : i32
    %scan3A_6 = arith.constant 0 : i32
    %scan3A_7 = arith.constant 0 : i32
    %scan3A_8 = arith.constant 40 : i32
    %scan3A_9 = arith.addi %scan3A_7, %scan3A_8 : i32
    %scan3A_10 = arith.constant 1 : i32
    scf.for %scan3A_41 = %scan3A_7 to %scan3A_9 step %scan3A_10  : i32 {
      %mul3A_42 = arith.constant 624 : i32
      %mul3A_43 = arith.muli %arg1, %mul3A_42 : i32
      %mul3A_44 = arith.constant 16 : i32
      %mul3A_45 = arith.muli %scan3A_41, %mul3A_44 : i32
      %add3A_46 = arith.addi %mul3A_43, %mul3A_45 : i32
      "tpu.region"() ({
        %run_scoped3A = tpu.sem_alloc : memref<!tpu.dma_semaphore, #tpu.memory_space<semaphore_mem>>
        %dma_start3A_47 = arith.constant 0 : i32
        %dma_start3A_48 = tpu.memref_slice %arg11[%add3A_46, %dma_start3A_47] : memref<10000x128xf32, #tpu.memory_space<vmem_shared>> -> memref<16x128xf32, #tpu.memory_space<vmem_shared>>
        %dma_start3A_49 = arith.constant 0 : i32
        %dma_start3A_50 = tpu.memref_slice %arg11[%add3A_46, %dma_start3A_49] : memref<10000x128xf32, #tpu.memory_space<vmem_shared>> -> memref<16x128xf32, #tpu.memory_space<vmem_shared>>
        tpu.enqueue_dma source(%arg8 : memref<16x128xf32, #tpu.memory_space<vmem>>) target(%dma_start3A_50 : memref<16x128xf32, #tpu.memory_space<vmem_shared>>) target_semaphore(%run_scoped3A : memref<!tpu.dma_semaphore, #tpu.memory_space<semaphore_mem>>)
        %dma_wait3A = arith.constant 0 : i32
        %dma_wait3A_51 = tpu.memref_slice %arg11[%add3A_46, %dma_wait3A] : memref<10000x128xf32, #tpu.memory_space<vmem_shared>> -> memref<16x128xf32, #tpu.memory_space<vmem_shared>>
        %dma_wait3A_52 = arith.constant 0 : i32
        %dma_wait3A_53 = tpu.memref_slice %arg11[%add3A_46, %dma_wait3A_52] : memref<10000x128xf32, #tpu.memory_space<vmem_shared>> -> memref<16x128xf32, #tpu.memory_space<vmem_shared>>
        tpu.wait_dma2 semaphore(%run_scoped3A : memref<!tpu.dma_semaphore, #tpu.memory_space<semaphore_mem>>) src(%arg8 : memref<16x128xf32, #tpu.memory_space<vmem>>) dst(%dma_wait3A_53 : memref<16x128xf32, #tpu.memory_space<vmem_shared>>)
        tpu.yield
      }) : () -> ()
    }
    %scan3A_11 = arith.constant 40 : i32
    %barrier3A = arith.constant 0 : index
    tpu.barrier barrier_id(%barrier3A)
    "tpu.region"() ({
      %run_scoped3A = tpu.sem_alloc : memref<!tpu.dma_semaphore, #tpu.memory_space<semaphore_mem>>
      %dma_start3A_41 = arith.constant 0 : i32
      %dma_start3A_42 = arith.constant 0 : i32
      %dma_start3A_43 = tpu.memref_slice %arg3[%add3A, %dma_start3A_41, %dma_start3A_42] : memref<32x250x40xi32, #tpu.memory_space<hbm>> -> memref<1x250x40xi32, #tpu.memory_space<hbm>>
      %dma_start3A_44 = tpu.memref_squeeze %dma_start3A_43 : memref<1x250x40xi32, #tpu.memory_space<hbm>> -> memref<250x40xi32, #tpu.memory_space<hbm>>
      %dma_start3A_45 = arith.constant 0 : i32
      %dma_start3A_46 = arith.constant 0 : i32
      %dma_start3A_47 = tpu.memref_slice %arg3[%add3A, %dma_start3A_45, %dma_start3A_46] : memref<32x250x40xi32, #tpu.memory_space<hbm>> -> memref<1x250x40xi32, #tpu.memory_space<hbm>>
      %dma_start3A_48 = tpu.memref_squeeze %dma_start3A_47 : memref<1x250x40xi32, #tpu.memory_space<hbm>> -> memref<250x40xi32, #tpu.memory_space<hbm>>
      tpu.enqueue_dma source(%dma_start3A_48 : memref<250x40xi32, #tpu.memory_space<hbm>>) target(%arg5 : memref<250x40xi32, #tpu.memory_space<vmem>>) target_semaphore(%run_scoped3A : memref<!tpu.dma_semaphore, #tpu.memory_space<semaphore_mem>>)
      %dma_wait3A = arith.constant 0 : i32
      %dma_wait3A_49 = arith.constant 0 : i32
      %dma_wait3A_50 = tpu.memref_slice %arg3[%add3A, %dma_wait3A, %dma_wait3A_49] : memref<32x250x40xi32, #tpu.memory_space<hbm>> -> memref<1x250x40xi32, #tpu.memory_space<hbm>>
      %dma_wait3A_51 = tpu.memref_squeeze %dma_wait3A_50 : memref<1x250x40xi32, #tpu.memory_space<hbm>> -> memref<250x40xi32, #tpu.memory_space<hbm>>
      %dma_wait3A_52 = arith.constant 0 : i32
      %dma_wait3A_53 = arith.constant 0 : i32
      %dma_wait3A_54 = tpu.memref_slice %arg3[%add3A, %dma_wait3A_52, %dma_wait3A_53] : memref<32x250x40xi32, #tpu.memory_space<hbm>> -> memref<1x250x40xi32, #tpu.memory_space<hbm>>
      %dma_wait3A_55 = tpu.memref_squeeze %dma_wait3A_54 : memref<1x250x40xi32, #tpu.memory_space<hbm>> -> memref<250x40xi32, #tpu.memory_space<hbm>>
      tpu.wait_dma2 semaphore(%run_scoped3A : memref<!tpu.dma_semaphore, #tpu.memory_space<semaphore_mem>>) src(%dma_wait3A_55 : memref<250x40xi32, #tpu.memory_space<hbm>>) dst(%arg5 : memref<250x40xi32, #tpu.memory_space<vmem>>)
      tpu.yield
    }) : () -> ()
    %mul3A_12 = arith.constant 10000 : i32
    %mul3A_13 = arith.muli %add3A, %mul3A_12 : i32
    %add3A_14 = arith.constant 0 : i32
    %add3A_15 = arith.addi %mul3A_13, %add3A_14 : i32
    %dma_start3A = arith.constant 0 : i32
    %dma_start3A_16 = tpu.memref_slice %arg2[%add3A_15, %dma_start3A] : memref<320000x128xf32, #tpu.memory_space<hbm>> -> memref<40x128xf32, #tpu.memory_space<hbm>>
    %dma_start3A_17 = arith.constant 0 : i32
    %dma_start3A_18 = tpu.memref_slice %arg2[%add3A_15, %dma_start3A_17] : memref<320000x128xf32, #tpu.memory_space<hbm>> -> memref<40x128xf32, #tpu.memory_space<hbm>>
    tpu.enqueue_dma source(%dma_start3A_18 : memref<40x128xf32, #tpu.memory_space<hbm>>) target(%arg6 : memref<40x128xf32, #tpu.memory_space<vmem>>) target_semaphore(%arg9 : memref<!tpu.dma_semaphore, #tpu.memory_space<semaphore_mem>>)
    %mul3A_19 = arith.constant 10000 : i32
    %mul3A_20 = arith.muli %add3A, %mul3A_19 : i32
    %add3A_21 = arith.constant 40 : i32
    %add3A_22 = arith.addi %mul3A_20, %add3A_21 : i32
    %dma_start3A_23 = arith.constant 0 : i32
    %dma_start3A_24 = tpu.memref_slice %arg2[%add3A_22, %dma_start3A_23] : memref<320000x128xf32, #tpu.memory_space<hbm>> -> memref<40x128xf32, #tpu.memory_space<hbm>>
    %dma_start3A_25 = arith.constant 0 : i32
    %dma_start3A_26 = tpu.memref_slice %arg2[%add3A_22, %dma_start3A_25] : memref<320000x128xf32, #tpu.memory_space<hbm>> -> memref<40x128xf32, #tpu.memory_space<hbm>>
    tpu.enqueue_dma source(%dma_start3A_26 : memref<40x128xf32, #tpu.memory_space<hbm>>) target(%arg7 : memref<40x128xf32, #tpu.memory_space<vmem>>) target_semaphore(%arg10 : memref<!tpu.dma_semaphore, #tpu.memory_space<semaphore_mem>>)
    %scan3A_27 = arith.constant 0 : i32
    %scan3A_28 = arith.constant 0 : i32
    %scan3A_29 = arith.constant 125 : i32
    %scan3A_30 = arith.addi %scan3A_28, %scan3A_29 : i32
    %scan3A_31 = arith.constant 1 : i32
    scf.for %scan3A_41 = %scan3A_28 to %scan3A_30 step %scan3A_31  : i32 {
      %mul3A_42 = arith.constant 2 : i32
      %mul3A_43 = arith.muli %mul3A_42, %scan3A_41 : i32
      %mul3A_44 = arith.constant 10000 : i32
      %mul3A_45 = arith.muli %add3A, %mul3A_44 : i32
      %mul3A_46 = arith.constant 40 : i32
      %mul3A_47 = arith.muli %mul3A_43, %mul3A_46 : i32
      %add3A_48 = arith.addi %mul3A_45, %mul3A_47 : i32
      %dma_wait3A = arith.constant 0 : i32
      %dma_wait3A_49 = tpu.memref_slice %arg2[%add3A_48, %dma_wait3A] : memref<320000x128xf32, #tpu.memory_space<hbm>> -> memref<40x128xf32, #tpu.memory_space<hbm>>
      %dma_wait3A_50 = arith.constant 0 : i32
      %dma_wait3A_51 = tpu.memref_slice %arg2[%add3A_48, %dma_wait3A_50] : memref<320000x128xf32, #tpu.memory_space<hbm>> -> memref<40x128xf32, #tpu.memory_space<hbm>>
      tpu.wait_dma2 semaphore(%arg9 : memref<!tpu.dma_semaphore, #tpu.memory_space<semaphore_mem>>) src(%dma_wait3A_51 : memref<40x128xf32, #tpu.memory_space<hbm>>) dst(%arg6 : memref<40x128xf32, #tpu.memory_space<vmem>>)
      "tpu.region"() ({
        %run_scoped3A = tpu.sem_alloc : memref<!tpu.dma_semaphore, #tpu.memory_space<semaphore_mem>>
        %dma_start3A_76 = arith.constant 0 : i32
        %dma_start3A_77 = tpu.memref_slice %arg5[%mul3A_43, %dma_start3A_76] : memref<250x40xi32, #tpu.memory_space<vmem>> -> memref<1x40xi32, #tpu.memory_space<vmem>>
        %dma_start3A_78 = tpu.memref_squeeze %dma_start3A_77 : memref<1x40xi32, #tpu.memory_space<vmem>> -> memref<40xi32, #tpu.memory_space<vmem>>
        %dma_start3A_79 = arith.constant 0 : i32
        %dma_start3A_80 = arith.constant 0 : i32
        %dma_start3A_81 = tpu.memref_slice %arg11[%dma_start3A_79, %dma_start3A_80] : memref<10000x128xf32, #tpu.memory_space<vmem_shared>> -> memref<10000x128xf32, #tpu.memory_space<vmem_shared>>
        tpu.enqueue_indirect_dma source(%arg6 : memref<40x128xf32, #tpu.memory_space<vmem>>) target(%dma_start3A_81 : memref<10000x128xf32, #tpu.memory_space<vmem_shared>>) offsets(%dma_start3A_78 : memref<40xi32, #tpu.memory_space<vmem>>) semaphore(%run_scoped3A : memref<!tpu.dma_semaphore, #tpu.memory_space<semaphore_mem>>) {add = true}
        %dma_wait3A_82 = arith.constant 0 : i32
        %dma_wait3A_83 = tpu.memref_slice %arg5[%mul3A_43, %dma_wait3A_82] : memref<250x40xi32, #tpu.memory_space<vmem>> -> memref<1x40xi32, #tpu.memory_space<vmem>>
        %dma_wait3A_84 = tpu.memref_squeeze %dma_wait3A_83 : memref<1x40xi32, #tpu.memory_space<vmem>> -> memref<40xi32, #tpu.memory_space<vmem>>
        %dma_wait3A_85 = arith.constant 0 : i32
        %dma_wait3A_86 = arith.constant 0 : i32
        %dma_wait3A_87 = tpu.memref_slice %arg11[%dma_wait3A_85, %dma_wait3A_86] : memref<10000x128xf32, #tpu.memory_space<vmem_shared>> -> memref<10000x128xf32, #tpu.memory_space<vmem_shared>>
        tpu.wait_indirect_dma semaphore(%run_scoped3A : memref<!tpu.dma_semaphore, #tpu.memory_space<semaphore_mem>>) src(%arg6 : memref<40x128xf32, #tpu.memory_space<vmem>>) dst(%dma_wait3A_87 : memref<10000x128xf32, #tpu.memory_space<vmem_shared>>)
        tpu.yield
      }) : () -> ()
      %add3A_52 = arith.constant 2 : i32
      %add3A_53 = arith.addi %mul3A_43, %add3A_52 : i32
      %lt3A = arith.constant 250 : i32
      %lt3A_54 = arith.cmpi slt, %add3A_53, %lt3A : i32
      %convert_element_type3A = arith.extui %lt3A_54 : i1 to i32
      %cond3A = arith.constant 0 : i32
      %cond3A_55 = arith.cmpi ne, %convert_element_type3A, %cond3A : i32
      scf.if %cond3A_55 {
        %add3A_76 = arith.constant 2 : i32
        %add3A_77 = arith.addi %mul3A_43, %add3A_76 : i32
        %mul3A_78 = arith.constant 10000 : i32
        %mul3A_79 = arith.muli %add3A, %mul3A_78 : i32
        %mul3A_80 = arith.constant 40 : i32
        %mul3A_81 = arith.muli %add3A_77, %mul3A_80 : i32
        %add3A_82 = arith.addi %mul3A_79, %mul3A_81 : i32
        %dma_start3A_83 = arith.constant 0 : i32
        %dma_start3A_84 = tpu.memref_slice %arg2[%add3A_82, %dma_start3A_83] : memref<320000x128xf32, #tpu.memory_space<hbm>> -> memref<40x128xf32, #tpu.memory_space<hbm>>
        %dma_start3A_85 = arith.constant 0 : i32
        %dma_start3A_86 = tpu.memref_slice %arg2[%add3A_82, %dma_start3A_85] : memref<320000x128xf32, #tpu.memory_space<hbm>> -> memref<40x128xf32, #tpu.memory_space<hbm>>
        tpu.enqueue_dma source(%dma_start3A_86 : memref<40x128xf32, #tpu.memory_space<hbm>>) target(%arg6 : memref<40x128xf32, #tpu.memory_space<vmem>>) target_semaphore(%arg9 : memref<!tpu.dma_semaphore, #tpu.memory_space<semaphore_mem>>)
      } else {
      }
      %mul3A_56 = arith.constant 2 : i32
      %mul3A_57 = arith.muli %mul3A_56, %scan3A_41 : i32
      %add3A_58 = arith.constant 1 : i32
      %add3A_59 = arith.addi %mul3A_57, %add3A_58 : i32
      %mul3A_60 = arith.constant 10000 : i32
      %mul3A_61 = arith.muli %add3A, %mul3A_60 : i32
      %mul3A_62 = arith.constant 40 : i32
      %mul3A_63 = arith.muli %add3A_59, %mul3A_62 : i32
      %add3A_64 = arith.addi %mul3A_61, %mul3A_63 : i32
      %dma_wait3A_65 = arith.constant 0 : i32
      %dma_wait3A_66 = tpu.memref_slice %arg2[%add3A_64, %dma_wait3A_65] : memref<320000x128xf32, #tpu.memory_space<hbm>> -> memref<40x128xf32, #tpu.memory_space<hbm>>
      %dma_wait3A_67 = arith.constant 0 : i32
      %dma_wait3A_68 = tpu.memref_slice %arg2[%add3A_64, %dma_wait3A_67] : memref<320000x128xf32, #tpu.memory_space<hbm>> -> memref<40x128xf32, #tpu.memory_space<hbm>>
      tpu.wait_dma2 semaphore(%arg10 : memref<!tpu.dma_semaphore, #tpu.memory_space<semaphore_mem>>) src(%dma_wait3A_68 : memref<40x128xf32, #tpu.memory_space<hbm>>) dst(%arg7 : memref<40x128xf32, #tpu.memory_space<vmem>>)
      "tpu.region"() ({
        %run_scoped3A = tpu.sem_alloc : memref<!tpu.dma_semaphore, #tpu.memory_space<semaphore_mem>>
        %dma_start3A_76 = arith.constant 0 : i32
        %dma_start3A_77 = tpu.memref_slice %arg5[%add3A_59, %dma_start3A_76] : memref<250x40xi32, #tpu.memory_space<vmem>> -> memref<1x40xi32, #tpu.memory_space<vmem>>
        %dma_start3A_78 = tpu.memref_squeeze %dma_start3A_77 : memref<1x40xi32, #tpu.memory_space<vmem>> -> memref<40xi32, #tpu.memory_space<vmem>>
        %dma_start3A_79 = arith.constant 0 : i32
        %dma_start3A_80 = arith.constant 0 : i32
        %dma_start3A_81 = tpu.memref_slice %arg11[%dma_start3A_79, %dma_start3A_80] : memref<10000x128xf32, #tpu.memory_space<vmem_shared>> -> memref<10000x128xf32, #tpu.memory_space<vmem_shared>>
        tpu.enqueue_indirect_dma source(%arg7 : memref<40x128xf32, #tpu.memory_space<vmem>>) target(%dma_start3A_81 : memref<10000x128xf32, #tpu.memory_space<vmem_shared>>) offsets(%dma_start3A_78 : memref<40xi32, #tpu.memory_space<vmem>>) semaphore(%run_scoped3A : memref<!tpu.dma_semaphore, #tpu.memory_space<semaphore_mem>>) {add = true}
        %dma_wait3A_82 = arith.constant 0 : i32
        %dma_wait3A_83 = tpu.memref_slice %arg5[%add3A_59, %dma_wait3A_82] : memref<250x40xi32, #tpu.memory_space<vmem>> -> memref<1x40xi32, #tpu.memory_space<vmem>>
        %dma_wait3A_84 = tpu.memref_squeeze %dma_wait3A_83 : memref<1x40xi32, #tpu.memory_space<vmem>> -> memref<40xi32, #tpu.memory_space<vmem>>
        %dma_wait3A_85 = arith.constant 0 : i32
        %dma_wait3A_86 = arith.constant 0 : i32
        %dma_wait3A_87 = tpu.memref_slice %arg11[%dma_wait3A_85, %dma_wait3A_86] : memref<10000x128xf32, #tpu.memory_space<vmem_shared>> -> memref<10000x128xf32, #tpu.memory_space<vmem_shared>>
        tpu.wait_indirect_dma semaphore(%run_scoped3A : memref<!tpu.dma_semaphore, #tpu.memory_space<semaphore_mem>>) src(%arg7 : memref<40x128xf32, #tpu.memory_space<vmem>>) dst(%dma_wait3A_87 : memref<10000x128xf32, #tpu.memory_space<vmem_shared>>)
        tpu.yield
      }) : () -> ()
      %add3A_69 = arith.constant 2 : i32
      %add3A_70 = arith.addi %add3A_59, %add3A_69 : i32
      %lt3A_71 = arith.constant 250 : i32
      %lt3A_72 = arith.cmpi slt, %add3A_70, %lt3A_71 : i32
      %convert_element_type3A_73 = arith.extui %lt3A_72 : i1 to i32
      %cond3A_74 = arith.constant 0 : i32
      %cond3A_75 = arith.cmpi ne, %convert_element_type3A_73, %cond3A_74 : i32
      scf.if %cond3A_75 {
        %add3A_76 = arith.constant 2 : i32
        %add3A_77 = arith.addi %add3A_59, %add3A_76 : i32
        %mul3A_78 = arith.constant 10000 : i32
        %mul3A_79 = arith.muli %add3A, %mul3A_78 : i32
        %mul3A_80 = arith.constant 40 : i32
        %mul3A_81 = arith.muli %add3A_77, %mul3A_80 : i32
        %add3A_82 = arith.addi %mul3A_79, %mul3A_81 : i32
        %dma_start3A_83 = arith.constant 0 : i32
        %dma_start3A_84 = tpu.memref_slice %arg2[%add3A_82, %dma_start3A_83] : memref<320000x128xf32, #tpu.memory_space<hbm>> -> memref<40x128xf32, #tpu.memory_space<hbm>>
        %dma_start3A_85 = arith.constant 0 : i32
        %dma_start3A_86 = tpu.memref_slice %arg2[%add3A_82, %dma_start3A_85] : memref<320000x128xf32, #tpu.memory_space<hbm>> -> memref<40x128xf32, #tpu.memory_space<hbm>>
        tpu.enqueue_dma source(%dma_start3A_86 : memref<40x128xf32, #tpu.memory_space<hbm>>) target(%arg7 : memref<40x128xf32, #tpu.memory_space<vmem>>) target_semaphore(%arg10 : memref<!tpu.dma_semaphore, #tpu.memory_space<semaphore_mem>>)
      } else {
      }
    }
    %scan3A_32 = arith.constant 125 : i32
    %barrier3A_33 = arith.constant 0 : index
    tpu.barrier barrier_id(%barrier3A_33)
    %mul3A_34 = arith.constant 624 : i32
    %mul3A_35 = arith.muli %arg1, %mul3A_34 : i32
    %mul3A_36 = arith.constant 10000 : i32
    %mul3A_37 = arith.muli %arg0, %mul3A_36 : i32
    %mul3A_38 = arith.constant 624 : i32
    %mul3A_39 = arith.muli %arg1, %mul3A_38 : i32
    %add3A_40 = arith.addi %mul3A_37, %mul3A_39 : i32
    "tpu.region"() ({
      %run_scoped3A = tpu.sem_alloc : memref<!tpu.dma_semaphore, #tpu.memory_space<semaphore_mem>>
      %dma_start3A_41 = arith.constant 0 : i32
      %dma_start3A_42 = tpu.memref_slice %arg4[%add3A_40, %dma_start3A_41] : memref<20000x128xf32, #tpu.memory_space<hbm>> -> memref<640x128xf32, #tpu.memory_space<hbm>>
      %dma_start3A_43 = arith.constant 0 : i32
      %dma_start3A_44 = tpu.memref_slice %arg11[%mul3A_35, %dma_start3A_43] : memref<10000x128xf32, #tpu.memory_space<vmem_shared>> -> memref<640x128xf32, #tpu.memory_space<vmem_shared>>
      tpu.enqueue_dma source(%dma_start3A_44 : memref<640x128xf32, #tpu.memory_space<vmem_shared>>) target(%dma_start3A_42 : memref<640x128xf32, #tpu.memory_space<hbm>>) target_semaphore(%run_scoped3A : memref<!tpu.dma_semaphore, #tpu.memory_space<semaphore_mem>>)
      %dma_wait3A = arith.constant 0 : i32
      %dma_wait3A_45 = tpu.memref_slice %arg4[%add3A_40, %dma_wait3A] : memref<20000x128xf32, #tpu.memory_space<hbm>> -> memref<640x128xf32, #tpu.memory_space<hbm>>
      %dma_wait3A_46 = arith.constant 0 : i32
      %dma_wait3A_47 = tpu.memref_slice %arg11[%mul3A_35, %dma_wait3A_46] : memref<10000x128xf32, #tpu.memory_space<vmem_shared>> -> memref<640x128xf32, #tpu.memory_space<vmem_shared>>
      tpu.wait_dma2 semaphore(%run_scoped3A : memref<!tpu.dma_semaphore, #tpu.memory_space<semaphore_mem>>) src(%dma_wait3A_47 : memref<640x128xf32, #tpu.memory_space<vmem_shared>>) dst(%dma_wait3A_45 : memref<640x128xf32, #tpu.memory_space<hbm>>)
      tpu.yield
    }) : () -> ()
    return
  }
}

#map = affine_map<(d0, d1) -> (0, 0)>
#map1 = affine_map<(d0, d1) -> (0)>
#map2 = affine_map<(d0, d1) -> (0, 0, 0)>
module attributes {stable_mosaic.version = 14 : i64} {
  func.func @_sc1_body(%arg0: i32, %arg1: i32, %arg2: memref<10000x128xf32, #tpu.memory_space<hbm>>, %arg3: memref<10000x128xf32, #tpu.memory_space<hbm>>, %arg4: memref<30000xf32, #tpu.memory_space<hbm>>, %arg5: memref<32x250x40xi32, #tpu.memory_space<hbm>>, %arg6: memref<32x250x40xi32, #tpu.memory_space<hbm>>, %arg7: memref<320000x128xf32, #tpu.memory_space<hbm>>, %arg8: memref<320000xf32, #tpu.memory_space<hbm>>, %arg9: memref<250x40xi32, #tpu.memory_space<vmem>>, %arg10: memref<250x40xi32, #tpu.memory_space<vmem>>, %arg11: memref<40x128xf32, #tpu.memory_space<vmem>>, %arg12: memref<40x128xf32, #tpu.memory_space<vmem>>, %arg13: memref<40x128xf32, #tpu.memory_space<vmem>>, %arg14: memref<40x128xf32, #tpu.memory_space<vmem>>, %arg15: memref<40x128xf32, #tpu.memory_space<vmem>>, %arg16: memref<40x128xf32, #tpu.memory_space<vmem>>, %arg17: memref<40xf32, #tpu.memory_space<vmem>>, %arg18: memref<40xf32, #tpu.memory_space<vmem>>, %arg19: memref<30000xf32, #tpu.memory_space<vmem>>, %arg20: memref<!tpu.dma_semaphore, #tpu.memory_space<semaphore_mem>>, %arg21: memref<!tpu.dma_semaphore, #tpu.memory_space<semaphore_mem>>, %arg22: memref<!tpu.dma_semaphore, #tpu.memory_space<semaphore_mem>>, %arg23: memref<!tpu.dma_semaphore, #tpu.memory_space<semaphore_mem>>, %arg24: memref<!tpu.dma_semaphore, #tpu.memory_space<semaphore_mem>>, %arg25: memref<!tpu.dma_semaphore, #tpu.memory_space<semaphore_mem>>) attributes {dimension_semantics = [#tpu.dimension_semantics<core_parallel>, #tpu.dimension_semantics<subcore_parallel>], iteration_bounds = array<i64: 2, 16>, scalar_prefetch = 0 : i64, scratch_operands = 17 : i64, tpu.core_type = #tpu.core_type<sc_vector_subcore>, window_params = [{transform_indices = #map}, {transform_indices = #map}, {transform_indices = #map1}, {transform_indices = #map2}, {transform_indices = #map2}, {transform_indices = #map}, {transform_indices = #map1}]} {
    %mul3A = arith.constant 2 : i32
    %mul3A_0 = arith.muli %arg1, %mul3A : i32
    %add3A = arith.addi %mul3A_0, %arg0 : i32
    "tpu.region"() ({
      %run_scoped3A = tpu.sem_alloc : memref<!tpu.dma_semaphore, #tpu.memory_space<semaphore_mem>>
      tpu.enqueue_dma source(%arg4 : memref<30000xf32, #tpu.memory_space<hbm>>) target(%arg19 : memref<30000xf32, #tpu.memory_space<vmem>>) target_semaphore(%run_scoped3A : memref<!tpu.dma_semaphore, #tpu.memory_space<semaphore_mem>>)
      tpu.wait_dma2 semaphore(%run_scoped3A : memref<!tpu.dma_semaphore, #tpu.memory_space<semaphore_mem>>) src(%arg4 : memref<30000xf32, #tpu.memory_space<hbm>>) dst(%arg19 : memref<30000xf32, #tpu.memory_space<vmem>>)
      tpu.yield
    }) : () -> ()
    "tpu.region"() ({
      %run_scoped3A = tpu.sem_alloc : memref<!tpu.dma_semaphore, #tpu.memory_space<semaphore_mem>>
      %dma_start3A_52 = arith.constant 0 : i32
      %dma_start3A_53 = arith.constant 0 : i32
      %dma_start3A_54 = tpu.memref_slice %arg5[%add3A, %dma_start3A_52, %dma_start3A_53] : memref<32x250x40xi32, #tpu.memory_space<hbm>> -> memref<1x250x40xi32, #tpu.memory_space<hbm>>
      %dma_start3A_55 = tpu.memref_squeeze %dma_start3A_54 : memref<1x250x40xi32, #tpu.memory_space<hbm>> -> memref<250x40xi32, #tpu.memory_space<hbm>>
      %dma_start3A_56 = arith.constant 0 : i32
      %dma_start3A_57 = arith.constant 0 : i32
      %dma_start3A_58 = tpu.memref_slice %arg5[%add3A, %dma_start3A_56, %dma_start3A_57] : memref<32x250x40xi32, #tpu.memory_space<hbm>> -> memref<1x250x40xi32, #tpu.memory_space<hbm>>
      %dma_start3A_59 = tpu.memref_squeeze %dma_start3A_58 : memref<1x250x40xi32, #tpu.memory_space<hbm>> -> memref<250x40xi32, #tpu.memory_space<hbm>>
      tpu.enqueue_dma source(%dma_start3A_59 : memref<250x40xi32, #tpu.memory_space<hbm>>) target(%arg9 : memref<250x40xi32, #tpu.memory_space<vmem>>) target_semaphore(%run_scoped3A : memref<!tpu.dma_semaphore, #tpu.memory_space<semaphore_mem>>)
      %dma_wait3A_60 = arith.constant 0 : i32
      %dma_wait3A_61 = arith.constant 0 : i32
      %dma_wait3A_62 = tpu.memref_slice %arg5[%add3A, %dma_wait3A_60, %dma_wait3A_61] : memref<32x250x40xi32, #tpu.memory_space<hbm>> -> memref<1x250x40xi32, #tpu.memory_space<hbm>>
      %dma_wait3A_63 = tpu.memref_squeeze %dma_wait3A_62 : memref<1x250x40xi32, #tpu.memory_space<hbm>> -> memref<250x40xi32, #tpu.memory_space<hbm>>
      %dma_wait3A_64 = arith.constant 0 : i32
      %dma_wait3A_65 = arith.constant 0 : i32
      %dma_wait3A_66 = tpu.memref_slice %arg5[%add3A, %dma_wait3A_64, %dma_wait3A_65] : memref<32x250x40xi32, #tpu.memory_space<hbm>> -> memref<1x250x40xi32, #tpu.memory_space<hbm>>
      %dma_wait3A_67 = tpu.memref_squeeze %dma_wait3A_66 : memref<1x250x40xi32, #tpu.memory_space<hbm>> -> memref<250x40xi32, #tpu.memory_space<hbm>>
      tpu.wait_dma2 semaphore(%run_scoped3A : memref<!tpu.dma_semaphore, #tpu.memory_space<semaphore_mem>>) src(%dma_wait3A_67 : memref<250x40xi32, #tpu.memory_space<hbm>>) dst(%arg9 : memref<250x40xi32, #tpu.memory_space<vmem>>)
      tpu.yield
    }) : () -> ()
    "tpu.region"() ({
      %run_scoped3A = tpu.sem_alloc : memref<!tpu.dma_semaphore, #tpu.memory_space<semaphore_mem>>
      %dma_start3A_52 = arith.constant 0 : i32
      %dma_start3A_53 = arith.constant 0 : i32
      %dma_start3A_54 = tpu.memref_slice %arg6[%add3A, %dma_start3A_52, %dma_start3A_53] : memref<32x250x40xi32, #tpu.memory_space<hbm>> -> memref<1x250x40xi32, #tpu.memory_space<hbm>>
      %dma_start3A_55 = tpu.memref_squeeze %dma_start3A_54 : memref<1x250x40xi32, #tpu.memory_space<hbm>> -> memref<250x40xi32, #tpu.memory_space<hbm>>
      %dma_start3A_56 = arith.constant 0 : i32
      %dma_start3A_57 = arith.constant 0 : i32
      %dma_start3A_58 = tpu.memref_slice %arg6[%add3A, %dma_start3A_56, %dma_start3A_57] : memref<32x250x40xi32, #tpu.memory_space<hbm>> -> memref<1x250x40xi32, #tpu.memory_space<hbm>>
      %dma_start3A_59 = tpu.memref_squeeze %dma_start3A_58 : memref<1x250x40xi32, #tpu.memory_space<hbm>> -> memref<250x40xi32, #tpu.memory_space<hbm>>
      tpu.enqueue_dma source(%dma_start3A_59 : memref<250x40xi32, #tpu.memory_space<hbm>>) target(%arg10 : memref<250x40xi32, #tpu.memory_space<vmem>>) target_semaphore(%run_scoped3A : memref<!tpu.dma_semaphore, #tpu.memory_space<semaphore_mem>>)
      %dma_wait3A_60 = arith.constant 0 : i32
      %dma_wait3A_61 = arith.constant 0 : i32
      %dma_wait3A_62 = tpu.memref_slice %arg6[%add3A, %dma_wait3A_60, %dma_wait3A_61] : memref<32x250x40xi32, #tpu.memory_space<hbm>> -> memref<1x250x40xi32, #tpu.memory_space<hbm>>
      %dma_wait3A_63 = tpu.memref_squeeze %dma_wait3A_62 : memref<1x250x40xi32, #tpu.memory_space<hbm>> -> memref<250x40xi32, #tpu.memory_space<hbm>>
      %dma_wait3A_64 = arith.constant 0 : i32
      %dma_wait3A_65 = arith.constant 0 : i32
      %dma_wait3A_66 = tpu.memref_slice %arg6[%add3A, %dma_wait3A_64, %dma_wait3A_65] : memref<32x250x40xi32, #tpu.memory_space<hbm>> -> memref<1x250x40xi32, #tpu.memory_space<hbm>>
      %dma_wait3A_67 = tpu.memref_squeeze %dma_wait3A_66 : memref<1x250x40xi32, #tpu.memory_space<hbm>> -> memref<250x40xi32, #tpu.memory_space<hbm>>
      tpu.wait_dma2 semaphore(%run_scoped3A : memref<!tpu.dma_semaphore, #tpu.memory_space<semaphore_mem>>) src(%dma_wait3A_67 : memref<250x40xi32, #tpu.memory_space<hbm>>) dst(%arg10 : memref<250x40xi32, #tpu.memory_space<vmem>>)
      tpu.yield
    }) : () -> ()
    %dma_start3A = arith.constant 0 : i32
    %dma_start3A_1 = arith.constant 0 : i32
    %dma_start3A_2 = tpu.memref_slice %arg9[%dma_start3A, %dma_start3A_1] : memref<250x40xi32, #tpu.memory_space<vmem>> -> memref<1x40xi32, #tpu.memory_space<vmem>>
    %dma_start3A_3 = tpu.memref_squeeze %dma_start3A_2 : memref<1x40xi32, #tpu.memory_space<vmem>> -> memref<40xi32, #tpu.memory_space<vmem>>
    %dma_start3A_4 = arith.constant 0 : i32
    %dma_start3A_5 = arith.constant 0 : i32
    %dma_start3A_6 = tpu.memref_slice %arg2[%dma_start3A_4, %dma_start3A_5] : memref<10000x128xf32, #tpu.memory_space<hbm>> -> memref<10000x128xf32, #tpu.memory_space<hbm>>
    tpu.enqueue_indirect_dma source(%dma_start3A_6 : memref<10000x128xf32, #tpu.memory_space<hbm>>) target(%arg11 : memref<40x128xf32, #tpu.memory_space<vmem>>) offsets(%dma_start3A_3 : memref<40xi32, #tpu.memory_space<vmem>>) semaphore(%arg20 : memref<!tpu.dma_semaphore, #tpu.memory_space<semaphore_mem>>)
    %dma_start3A_7 = arith.constant 0 : i32
    %dma_start3A_8 = arith.constant 0 : i32
    %dma_start3A_9 = tpu.memref_slice %arg10[%dma_start3A_7, %dma_start3A_8] : memref<250x40xi32, #tpu.memory_space<vmem>> -> memref<1x40xi32, #tpu.memory_space<vmem>>
    %dma_start3A_10 = tpu.memref_squeeze %dma_start3A_9 : memref<1x40xi32, #tpu.memory_space<vmem>> -> memref<40xi32, #tpu.memory_space<vmem>>
    %dma_start3A_11 = arith.constant 0 : i32
    %dma_start3A_12 = arith.constant 0 : i32
    %dma_start3A_13 = tpu.memref_slice %arg3[%dma_start3A_11, %dma_start3A_12] : memref<10000x128xf32, #tpu.memory_space<hbm>> -> memref<10000x128xf32, #tpu.memory_space<hbm>>
    tpu.enqueue_indirect_dma source(%dma_start3A_13 : memref<10000x128xf32, #tpu.memory_space<hbm>>) target(%arg12 : memref<40x128xf32, #tpu.memory_space<vmem>>) offsets(%dma_start3A_10 : memref<40xi32, #tpu.memory_space<vmem>>) semaphore(%arg21 : memref<!tpu.dma_semaphore, #tpu.memory_space<semaphore_mem>>)
    %dma_start3A_14 = arith.constant 1 : i32
    %dma_start3A_15 = arith.constant 0 : i32
    %dma_start3A_16 = tpu.memref_slice %arg9[%dma_start3A_14, %dma_start3A_15] : memref<250x40xi32, #tpu.memory_space<vmem>> -> memref<1x40xi32, #tpu.memory_space<vmem>>
    %dma_start3A_17 = tpu.memref_squeeze %dma_start3A_16 : memref<1x40xi32, #tpu.memory_space<vmem>> -> memref<40xi32, #tpu.memory_space<vmem>>
    %dma_start3A_18 = arith.constant 0 : i32
    %dma_start3A_19 = arith.constant 0 : i32
    %dma_start3A_20 = tpu.memref_slice %arg2[%dma_start3A_18, %dma_start3A_19] : memref<10000x128xf32, #tpu.memory_space<hbm>> -> memref<10000x128xf32, #tpu.memory_space<hbm>>
    tpu.enqueue_indirect_dma source(%dma_start3A_20 : memref<10000x128xf32, #tpu.memory_space<hbm>>) target(%arg13 : memref<40x128xf32, #tpu.memory_space<vmem>>) offsets(%dma_start3A_17 : memref<40xi32, #tpu.memory_space<vmem>>) semaphore(%arg22 : memref<!tpu.dma_semaphore, #tpu.memory_space<semaphore_mem>>)
    %dma_start3A_21 = arith.constant 1 : i32
    %dma_start3A_22 = arith.constant 0 : i32
    %dma_start3A_23 = tpu.memref_slice %arg10[%dma_start3A_21, %dma_start3A_22] : memref<250x40xi32, #tpu.memory_space<vmem>> -> memref<1x40xi32, #tpu.memory_space<vmem>>
    %dma_start3A_24 = tpu.memref_squeeze %dma_start3A_23 : memref<1x40xi32, #tpu.memory_space<vmem>> -> memref<40xi32, #tpu.memory_space<vmem>>
    %dma_start3A_25 = arith.constant 0 : i32
    %dma_start3A_26 = arith.constant 0 : i32
    %dma_start3A_27 = tpu.memref_slice %arg3[%dma_start3A_25, %dma_start3A_26] : memref<10000x128xf32, #tpu.memory_space<hbm>> -> memref<10000x128xf32, #tpu.memory_space<hbm>>
    tpu.enqueue_indirect_dma source(%dma_start3A_27 : memref<10000x128xf32, #tpu.memory_space<hbm>>) target(%arg14 : memref<40x128xf32, #tpu.memory_space<vmem>>) offsets(%dma_start3A_24 : memref<40xi32, #tpu.memory_space<vmem>>) semaphore(%arg23 : memref<!tpu.dma_semaphore, #tpu.memory_space<semaphore_mem>>)
    %scan3A = arith.constant 0 : i32
    %scan3A_28 = arith.constant 0 : i32
    %scan3A_29 = arith.constant 125 : i32
    %scan3A_30 = arith.addi %scan3A_28, %scan3A_29 : i32
    %scan3A_31 = arith.constant 1 : i32
    scf.for %scan3A_52 = %scan3A_28 to %scan3A_30 step %scan3A_31  : i32 {
      %mul3A_53 = arith.constant 2 : i32
      %mul3A_54 = arith.muli %mul3A_53, %scan3A_52 : i32
      %mul3A_55 = arith.constant 10000 : i32
      %mul3A_56 = arith.muli %add3A, %mul3A_55 : i32
      %mul3A_57 = arith.constant 40 : i32
      %mul3A_58 = arith.muli %mul3A_54, %mul3A_57 : i32
      %add3A_59 = arith.addi %mul3A_56, %mul3A_58 : i32
      %ge3A = arith.constant 2 : i32
      %ge3A_60 = arith.cmpi sge, %mul3A_54, %ge3A : i32
      %convert_element_type3A = arith.extui %ge3A_60 : i1 to i32
      %cond3A = arith.constant 0 : i32
      %cond3A_61 = arith.cmpi ne, %convert_element_type3A, %cond3A : i32
      scf.if %cond3A_61 {
        %dma_wait3A_149 = arith.constant 0 : i32
        %dma_wait3A_150 = tpu.memref_slice %arg7[%add3A_59, %dma_wait3A_149] : memref<320000x128xf32, #tpu.memory_space<hbm>> -> memref<40x128xf32, #tpu.memory_space<hbm>>
        %dma_wait3A_151 = arith.constant 0 : i32
        %dma_wait3A_152 = tpu.memref_slice %arg7[%add3A_59, %dma_wait3A_151] : memref<320000x128xf32, #tpu.memory_space<hbm>> -> memref<40x128xf32, #tpu.memory_space<hbm>>
        tpu.wait_dma2 semaphore(%arg24 : memref<!tpu.dma_semaphore, #tpu.memory_space<semaphore_mem>>) src(%arg15 : memref<40x128xf32, #tpu.memory_space<vmem>>) dst(%dma_wait3A_152 : memref<40x128xf32, #tpu.memory_space<hbm>>)
        %dma_wait3A_153 = tpu.memref_slice %arg8[%add3A_59] : memref<320000xf32, #tpu.memory_space<hbm>> -> memref<40xf32, #tpu.memory_space<hbm>>
        %dma_wait3A_154 = tpu.memref_slice %arg8[%add3A_59] : memref<320000xf32, #tpu.memory_space<hbm>> -> memref<40xf32, #tpu.memory_space<hbm>>
        tpu.wait_dma2 semaphore(%arg24 : memref<!tpu.dma_semaphore, #tpu.memory_space<semaphore_mem>>) src(%arg17 : memref<40xf32, #tpu.memory_space<vmem>>) dst(%dma_wait3A_154 : memref<40xf32, #tpu.memory_space<hbm>>)
      } else {
      }
      %scan3A_62 = arith.constant 0 : i32
      %scan3A_63 = arith.constant 0 : i32
      %scan3A_64 = arith.constant 3 : i32
      %scan3A_65 = arith.addi %scan3A_63, %scan3A_64 : i32
      %scan3A_66 = arith.constant 1 : i32
      scf.for %scan3A_149 = %scan3A_63 to %scan3A_65 step %scan3A_66  : i32 {
        %mul3A_150 = arith.constant 16 : i32
        %mul3A_151 = arith.muli %scan3A_149, %mul3A_150 : i32
        %min3A = arith.constant 24 : i32
        %min3A_152 = arith.minsi %mul3A_151, %min3A : i32
        %get3A = arith.index_cast %mul3A_54 : i32 to index
        %get3A_153 = arith.index_cast %min3A_152 : i32 to index
        %get3A_154 = tpu.vector_load %arg9[%get3A, %get3A_153] {strides = array<i32>} : memref<250x40xi32, #tpu.memory_space<vmem>>, vector<16xi32>,
        %mul3A_155 = arith.constant 3 : i32
        %mul3A_156 = vector.broadcast %mul3A_155 : i32 to vector<16xi32>
        %mul3A_157 = arith.muli %get3A_154, %mul3A_156 : vector<16xi32>
        %get3A_158 = arith.index_cast %mul3A_54 : i32 to index
        %get3A_159 = arith.index_cast %min3A_152 : i32 to index
        %get3A_160 = tpu.vector_load %arg10[%get3A_158, %get3A_159] {strides = array<i32>} : memref<250x40xi32, #tpu.memory_space<vmem>>, vector<16xi32>,
        %mul3A_161 = arith.constant 3 : i32
        %mul3A_162 = vector.broadcast %mul3A_161 : i32 to vector<16xi32>
        %mul3A_163 = arith.muli %get3A_160, %mul3A_162 : vector<16xi32>
        %gather3A = tpu.vector_load_idx %arg19[%mul3A_157] : memref<30000xf32, #tpu.memory_space<vmem>>[vector<16xi32>], vector<16xf32>,
        %gather3A_164 = tpu.vector_load_idx %arg19[%mul3A_163] : memref<30000xf32, #tpu.memory_space<vmem>>[vector<16xi32>], vector<16xf32>,
        %sub3A = arith.subf %gather3A, %gather3A_164 : vector<16xf32>
        %add3A_165 = arith.constant 1 : i32
        %add3A_166 = vector.broadcast %add3A_165 : i32 to vector<16xi32>
        %add3A_167 = arith.addi %mul3A_157, %add3A_166 : vector<16xi32>
        %gather3A_168 = tpu.vector_load_idx %arg19[%add3A_167] : memref<30000xf32, #tpu.memory_space<vmem>>[vector<16xi32>], vector<16xf32>,
        %add3A_169 = arith.constant 1 : i32
        %add3A_170 = vector.broadcast %add3A_169 : i32 to vector<16xi32>
        %add3A_171 = arith.addi %mul3A_163, %add3A_170 : vector<16xi32>
        %gather3A_172 = tpu.vector_load_idx %arg19[%add3A_171] : memref<30000xf32, #tpu.memory_space<vmem>>[vector<16xi32>], vector<16xf32>,
        %sub3A_173 = arith.subf %gather3A_168, %gather3A_172 : vector<16xf32>
        %add3A_174 = arith.constant 2 : i32
        %add3A_175 = vector.broadcast %add3A_174 : i32 to vector<16xi32>
        %add3A_176 = arith.addi %mul3A_157, %add3A_175 : vector<16xi32>
        %gather3A_177 = tpu.vector_load_idx %arg19[%add3A_176] : memref<30000xf32, #tpu.memory_space<vmem>>[vector<16xi32>], vector<16xf32>,
        %add3A_178 = arith.constant 2 : i32
        %add3A_179 = vector.broadcast %add3A_178 : i32 to vector<16xi32>
        %add3A_180 = arith.addi %mul3A_163, %add3A_179 : vector<16xi32>
        %gather3A_181 = tpu.vector_load_idx %arg19[%add3A_180] : memref<30000xf32, #tpu.memory_space<vmem>>[vector<16xi32>], vector<16xf32>,
        %sub3A_182 = arith.subf %gather3A_177, %gather3A_181 : vector<16xf32>
        %mul3A_183 = arith.mulf %sub3A, %sub3A : vector<16xf32>
        %mul3A_184 = arith.mulf %sub3A_173, %sub3A_173 : vector<16xf32>
        %add3A_185 = arith.addf %mul3A_183, %mul3A_184 : vector<16xf32>
        %mul3A_186 = arith.mulf %sub3A_182, %sub3A_182 : vector<16xf32>
        %add3A_187 = arith.addf %add3A_185, %mul3A_186 : vector<16xf32>
        %swap3A = arith.index_cast %min3A_152 : i32 to index
        %swap3A_188 = tpu.vector_load %arg17[%swap3A] {strides = array<i32>} : memref<40xf32, #tpu.memory_space<vmem>>, vector<16xf32>,
        tpu.vector_store %arg17[%swap3A], %add3A_187 {strides = array<i32>} : memref<40xf32, #tpu.memory_space<vmem>>, vector<16xf32>,
      }
      %scan3A_67 = arith.constant 3 : i32
      %dma_wait3A_68 = arith.constant 0 : i32
      %dma_wait3A_69 = tpu.memref_slice %arg9[%mul3A_54, %dma_wait3A_68] : memref<250x40xi32, #tpu.memory_space<vmem>> -> memref<1x40xi32, #tpu.memory_space<vmem>>
      %dma_wait3A_70 = tpu.memref_squeeze %dma_wait3A_69 : memref<1x40xi32, #tpu.memory_space<vmem>> -> memref<40xi32, #tpu.memory_space<vmem>>
      %dma_wait3A_71 = arith.constant 0 : i32
      %dma_wait3A_72 = arith.constant 0 : i32
      %dma_wait3A_73 = tpu.memref_slice %arg2[%dma_wait3A_71, %dma_wait3A_72] : memref<10000x128xf32, #tpu.memory_space<hbm>> -> memref<10000x128xf32, #tpu.memory_space<hbm>>
      tpu.wait_indirect_dma semaphore(%arg20 : memref<!tpu.dma_semaphore, #tpu.memory_space<semaphore_mem>>) src(%dma_wait3A_73 : memref<10000x128xf32, #tpu.memory_space<hbm>>) dst(%arg11 : memref<40x128xf32, #tpu.memory_space<vmem>>)
      %dma_wait3A_74 = arith.constant 0 : i32
      %dma_wait3A_75 = tpu.memref_slice %arg10[%mul3A_54, %dma_wait3A_74] : memref<250x40xi32, #tpu.memory_space<vmem>> -> memref<1x40xi32, #tpu.memory_space<vmem>>
      %dma_wait3A_76 = tpu.memref_squeeze %dma_wait3A_75 : memref<1x40xi32, #tpu.memory_space<vmem>> -> memref<40xi32, #tpu.memory_space<vmem>>
      %dma_wait3A_77 = arith.constant 0 : i32
      %dma_wait3A_78 = arith.constant 0 : i32
      %dma_wait3A_79 = tpu.memref_slice %arg3[%dma_wait3A_77, %dma_wait3A_78] : memref<10000x128xf32, #tpu.memory_space<hbm>> -> memref<10000x128xf32, #tpu.memory_space<hbm>>
      tpu.wait_indirect_dma semaphore(%arg21 : memref<!tpu.dma_semaphore, #tpu.memory_space<semaphore_mem>>) src(%dma_wait3A_79 : memref<10000x128xf32, #tpu.memory_space<hbm>>) dst(%arg12 : memref<40x128xf32, #tpu.memory_space<vmem>>)
      %scan3A_80 = arith.constant 0 : i32
      %scan3A_81 = arith.constant 0 : i32
      %scan3A_82 = arith.constant 40 : i32
      %scan3A_83 = arith.addi %scan3A_81, %scan3A_82 : i32
      %scan3A_84 = arith.constant 1 : i32
      scf.for %scan3A_149 = %scan3A_81 to %scan3A_83 step %scan3A_84  : i32 {
        %get3A = arith.index_cast %scan3A_149 : i32 to index
        %get3A_150 = arith.constant 0 : index
        %get3A_151 = tpu.vector_load %arg11[%get3A, %get3A_150] {strides = array<i32>} : memref<40x128xf32, #tpu.memory_space<vmem>>, vector<16xf32>,
        %get3A_152 = arith.index_cast %scan3A_149 : i32 to index
        %get3A_153 = arith.constant 0 : index
        %get3A_154 = tpu.vector_load %arg12[%get3A_152, %get3A_153] {strides = array<i32>} : memref<40x128xf32, #tpu.memory_space<vmem>>, vector<16xf32>,
        %add3A_155 = arith.addf %get3A_151, %get3A_154 : vector<16xf32>
        %swap3A = arith.index_cast %scan3A_149 : i32 to index
        %swap3A_156 = arith.constant 0 : index
        %swap3A_157 = tpu.vector_load %arg15[%swap3A, %swap3A_156] {strides = array<i32>} : memref<40x128xf32, #tpu.memory_space<vmem>>, vector<16xf32>,
        tpu.vector_store %arg15[%swap3A, %swap3A_156], %add3A_155 {strides = array<i32>} : memref<40x128xf32, #tpu.memory_space<vmem>>, vector<16xf32>,
        %get3A_158 = arith.index_cast %scan3A_149 : i32 to index
        %get3A_159 = arith.constant 16 : index
        %get3A_160 = tpu.vector_load %arg11[%get3A_158, %get3A_159] {strides = array<i32>} : memref<40x128xf32, #tpu.memory_space<vmem>>, vector<16xf32>,
        %get3A_161 = arith.index_cast %scan3A_149 : i32 to index
        %get3A_162 = arith.constant 16 : index
        %get3A_163 = tpu.vector_load %arg12[%get3A_161, %get3A_162] {strides = array<i32>} : memref<40x128xf32, #tpu.memory_space<vmem>>, vector<16xf32>,
        %add3A_164 = arith.addf %get3A_160, %get3A_163 : vector<16xf32>
        %swap3A_165 = arith.index_cast %scan3A_149 : i32 to index
        %swap3A_166 = arith.constant 16 : index
        %swap3A_167 = tpu.vector_load %arg15[%swap3A_165, %swap3A_166] {strides = array<i32>} : memref<40x128xf32, #tpu.memory_space<vmem>>, vector<16xf32>,
        tpu.vector_store %arg15[%swap3A_165, %swap3A_166], %add3A_164 {strides = array<i32>} : memref<40x128xf32, #tpu.memory_space<vmem>>, vector<16xf32>,
        %get3A_168 = arith.index_cast %scan3A_149 : i32 to index
        %get3A_169 = arith.constant 32 : index
        %get3A_170 = tpu.vector_load %arg11[%get3A_168, %get3A_169] {strides = array<i32>} : memref<40x128xf32, #tpu.memory_space<vmem>>, vector<16xf32>,
        %get3A_171 = arith.index_cast %scan3A_149 : i32 to index
        %get3A_172 = arith.constant 32 : index
        %get3A_173 = tpu.vector_load %arg12[%get3A_171, %get3A_172] {strides = array<i32>} : memref<40x128xf32, #tpu.memory_space<vmem>>, vector<16xf32>,
        %add3A_174 = arith.addf %get3A_170, %get3A_173 : vector<16xf32>
        %swap3A_175 = arith.index_cast %scan3A_149 : i32 to index
        %swap3A_176 = arith.constant 32 : index
        %swap3A_177 = tpu.vector_load %arg15[%swap3A_175, %swap3A_176] {strides = array<i32>} : memref<40x128xf32, #tpu.memory_space<vmem>>, vector<16xf32>,
        tpu.vector_store %arg15[%swap3A_175, %swap3A_176], %add3A_174 {strides = array<i32>} : memref<40x128xf32, #tpu.memory_space<vmem>>, vector<16xf32>,
        %get3A_178 = arith.index_cast %scan3A_149 : i32 to index
        %get3A_179 = arith.constant 48 : index
        %get3A_180 = tpu.vector_load %arg11[%get3A_178, %get3A_179] {strides = array<i32>} : memref<40x128xf32, #tpu.memory_space<vmem>>, vector<16xf32>,
        %get3A_181 = arith.index_cast %scan3A_149 : i32 to index
        %get3A_182 = arith.constant 48 : index
        %get3A_183 = tpu.vector_load %arg12[%get3A_181, %get3A_182] {strides = array<i32>} : memref<40x128xf32, #tpu.memory_space<vmem>>, vector<16xf32>,
        %add3A_184 = arith.addf %get3A_180, %get3A_183 : vector<16xf32>
        %swap3A_185 = arith.index_cast %scan3A_149 : i32 to index
        %swap3A_186 = arith.constant 48 : index
        %swap3A_187 = tpu.vector_load %arg15[%swap3A_185, %swap3A_186] {strides = array<i32>} : memref<40x128xf32, #tpu.memory_space<vmem>>, vector<16xf32>,
        tpu.vector_store %arg15[%swap3A_185, %swap3A_186], %add3A_184 {strides = array<i32>} : memref<40x128xf32, #tpu.memory_space<vmem>>, vector<16xf32>,
        %get3A_188 = arith.index_cast %scan3A_149 : i32 to index
        %get3A_189 = arith.constant 64 : index
        %get3A_190 = tpu.vector_load %arg11[%get3A_188, %get3A_189] {strides = array<i32>} : memref<40x128xf32, #tpu.memory_space<vmem>>, vector<16xf32>,
        %get3A_191 = arith.index_cast %scan3A_149 : i32 to index
        %get3A_192 = arith.constant 64 : index
        %get3A_193 = tpu.vector_load %arg12[%get3A_191, %get3A_192] {strides = array<i32>} : memref<40x128xf32, #tpu.memory_space<vmem>>, vector<16xf32>,
        %add3A_194 = arith.addf %get3A_190, %get3A_193 : vector<16xf32>
        %swap3A_195 = arith.index_cast %scan3A_149 : i32 to index
        %swap3A_196 = arith.constant 64 : index
        %swap3A_197 = tpu.vector_load %arg15[%swap3A_195, %swap3A_196] {strides = array<i32>} : memref<40x128xf32, #tpu.memory_space<vmem>>, vector<16xf32>,
        tpu.vector_store %arg15[%swap3A_195, %swap3A_196], %add3A_194 {strides = array<i32>} : memref<40x128xf32, #tpu.memory_space<vmem>>, vector<16xf32>,
        %get3A_198 = arith.index_cast %scan3A_149 : i32 to index
        %get3A_199 = arith.constant 80 : index
        %get3A_200 = tpu.vector_load %arg11[%get3A_198, %get3A_199] {strides = array<i32>} : memref<40x128xf32, #tpu.memory_space<vmem>>, vector<16xf32>,
        %get3A_201 = arith.index_cast %scan3A_149 : i32 to index
        %get3A_202 = arith.constant 80 : index
        %get3A_203 = tpu.vector_load %arg12[%get3A_201, %get3A_202] {strides = array<i32>} : memref<40x128xf32, #tpu.memory_space<vmem>>, vector<16xf32>,
        %add3A_204 = arith.addf %get3A_200, %get3A_203 : vector<16xf32>
        %swap3A_205 = arith.index_cast %scan3A_149 : i32 to index
        %swap3A_206 = arith.constant 80 : index
        %swap3A_207 = tpu.vector_load %arg15[%swap3A_205, %swap3A_206] {strides = array<i32>} : memref<40x128xf32, #tpu.memory_space<vmem>>, vector<16xf32>,
        tpu.vector_store %arg15[%swap3A_205, %swap3A_206], %add3A_204 {strides = array<i32>} : memref<40x128xf32, #tpu.memory_space<vmem>>, vector<16xf32>,
        %get3A_208 = arith.index_cast %scan3A_149 : i32 to index
        %get3A_209 = arith.constant 96 : index
        %get3A_210 = tpu.vector_load %arg11[%get3A_208, %get3A_209] {strides = array<i32>} : memref<40x128xf32, #tpu.memory_space<vmem>>, vector<16xf32>,
        %get3A_211 = arith.index_cast %scan3A_149 : i32 to index
        %get3A_212 = arith.constant 96 : index
        %get3A_213 = tpu.vector_load %arg12[%get3A_211, %get3A_212] {strides = array<i32>} : memref<40x128xf32, #tpu.memory_space<vmem>>, vector<16xf32>,
        %add3A_214 = arith.addf %get3A_210, %get3A_213 : vector<16xf32>
        %swap3A_215 = arith.index_cast %scan3A_149 : i32 to index
        %swap3A_216 = arith.constant 96 : index
        %swap3A_217 = tpu.vector_load %arg15[%swap3A_215, %swap3A_216] {strides = array<i32>} : memref<40x128xf32, #tpu.memory_space<vmem>>, vector<16xf32>,
        tpu.vector_store %arg15[%swap3A_215, %swap3A_216], %add3A_214 {strides = array<i32>} : memref<40x128xf32, #tpu.memory_space<vmem>>, vector<16xf32>,
        %get3A_218 = arith.index_cast %scan3A_149 : i32 to index
        %get3A_219 = arith.constant 112 : index
        %get3A_220 = tpu.vector_load %arg11[%get3A_218, %get3A_219] {strides = array<i32>} : memref<40x128xf32, #tpu.memory_space<vmem>>, vector<16xf32>,
        %get3A_221 = arith.index_cast %scan3A_149 : i32 to index
        %get3A_222 = arith.constant 112 : index
        %get3A_223 = tpu.vector_load %arg12[%get3A_221, %get3A_222] {strides = array<i32>} : memref<40x128xf32, #tpu.memory_space<vmem>>, vector<16xf32>,
        %add3A_224 = arith.addf %get3A_220, %get3A_223 : vector<16xf32>
        %swap3A_225 = arith.index_cast %scan3A_149 : i32 to index
        %swap3A_226 = arith.constant 112 : index
        %swap3A_227 = tpu.vector_load %arg15[%swap3A_225, %swap3A_226] {strides = array<i32>} : memref<40x128xf32, #tpu.memory_space<vmem>>, vector<16xf32>,
        tpu.vector_store %arg15[%swap3A_225, %swap3A_226], %add3A_224 {strides = array<i32>} : memref<40x128xf32, #tpu.memory_space<vmem>>, vector<16xf32>,
      }
      %scan3A_85 = arith.constant 40 : i32
      %add3A_86 = arith.constant 2 : i32
      %add3A_87 = arith.addi %mul3A_54, %add3A_86 : i32
      %lt3A = arith.constant 250 : i32
      %lt3A_88 = arith.cmpi slt, %add3A_87, %lt3A : i32
      %convert_element_type3A_89 = arith.extui %lt3A_88 : i1 to i32
      %cond3A_90 = arith.constant 0 : i32
      %cond3A_91 = arith.cmpi ne, %convert_element_type3A_89, %cond3A_90 : i32
      scf.if %cond3A_91 {
        %add3A_149 = arith.constant 2 : i32
        %add3A_150 = arith.addi %mul3A_54, %add3A_149 : i32
        %dma_start3A_151 = arith.constant 0 : i32
        %dma_start3A_152 = tpu.memref_slice %arg9[%add3A_150, %dma_start3A_151] : memref<250x40xi32, #tpu.memory_space<vmem>> -> memref<1x40xi32, #tpu.memory_space<vmem>>
        %dma_start3A_153 = tpu.memref_squeeze %dma_start3A_152 : memref<1x40xi32, #tpu.memory_space<vmem>> -> memref<40xi32, #tpu.memory_space<vmem>>
        %dma_start3A_154 = arith.constant 0 : i32
        %dma_start3A_155 = arith.constant 0 : i32
        %dma_start3A_156 = tpu.memref_slice %arg2[%dma_start3A_154, %dma_start3A_155] : memref<10000x128xf32, #tpu.memory_space<hbm>> -> memref<10000x128xf32, #tpu.memory_space<hbm>>
        tpu.enqueue_indirect_dma source(%dma_start3A_156 : memref<10000x128xf32, #tpu.memory_space<hbm>>) target(%arg11 : memref<40x128xf32, #tpu.memory_space<vmem>>) offsets(%dma_start3A_153 : memref<40xi32, #tpu.memory_space<vmem>>) semaphore(%arg20 : memref<!tpu.dma_semaphore, #tpu.memory_space<semaphore_mem>>)
        %dma_start3A_157 = arith.constant 0 : i32
        %dma_start3A_158 = tpu.memref_slice %arg10[%add3A_150, %dma_start3A_157] : memref<250x40xi32, #tpu.memory_space<vmem>> -> memref<1x40xi32, #tpu.memory_space<vmem>>
        %dma_start3A_159 = tpu.memref_squeeze %dma_start3A_158 : memref<1x40xi32, #tpu.memory_space<vmem>> -> memref<40xi32, #tpu.memory_space<vmem>>
        %dma_start3A_160 = arith.constant 0 : i32
        %dma_start3A_161 = arith.constant 0 : i32
        %dma_start3A_162 = tpu.memref_slice %arg3[%dma_start3A_160, %dma_start3A_161] : memref<10000x128xf32, #tpu.memory_space<hbm>> -> memref<10000x128xf32, #tpu.memory_space<hbm>>
        tpu.enqueue_indirect_dma source(%dma_start3A_162 : memref<10000x128xf32, #tpu.memory_space<hbm>>) target(%arg12 : memref<40x128xf32, #tpu.memory_space<vmem>>) offsets(%dma_start3A_159 : memref<40xi32, #tpu.memory_space<vmem>>) semaphore(%arg21 : memref<!tpu.dma_semaphore, #tpu.memory_space<semaphore_mem>>)
      } else {
      }
      %dma_start3A_92 = arith.constant 0 : i32
      %dma_start3A_93 = tpu.memref_slice %arg7[%add3A_59, %dma_start3A_92] : memref<320000x128xf32, #tpu.memory_space<hbm>> -> memref<40x128xf32, #tpu.memory_space<hbm>>
      %dma_start3A_94 = arith.constant 0 : i32
      %dma_start3A_95 = tpu.memref_slice %arg7[%add3A_59, %dma_start3A_94] : memref<320000x128xf32, #tpu.memory_space<hbm>> -> memref<40x128xf32, #tpu.memory_space<hbm>>
      tpu.enqueue_dma source(%arg15 : memref<40x128xf32, #tpu.memory_space<vmem>>) target(%dma_start3A_95 : memref<40x128xf32, #tpu.memory_space<hbm>>) target_semaphore(%arg24 : memref<!tpu.dma_semaphore, #tpu.memory_space<semaphore_mem>>)
      %dma_start3A_96 = tpu.memref_slice %arg8[%add3A_59] : memref<320000xf32, #tpu.memory_space<hbm>> -> memref<40xf32, #tpu.memory_space<hbm>>
      %dma_start3A_97 = tpu.memref_slice %arg8[%add3A_59] : memref<320000xf32, #tpu.memory_space<hbm>> -> memref<40xf32, #tpu.memory_space<hbm>>
      tpu.enqueue_dma source(%arg17 : memref<40xf32, #tpu.memory_space<vmem>>) target(%dma_start3A_97 : memref<40xf32, #tpu.memory_space<hbm>>) target_semaphore(%arg24 : memref<!tpu.dma_semaphore, #tpu.memory_space<semaphore_mem>>)
      %mul3A_98 = arith.constant 2 : i32
      %mul3A_99 = arith.muli %mul3A_98, %scan3A_52 : i32
      %add3A_100 = arith.constant 1 : i32
      %add3A_101 = arith.addi %mul3A_99, %add3A_100 : i32
      %mul3A_102 = arith.constant 10000 : i32
      %mul3A_103 = arith.muli %add3A, %mul3A_102 : i32
      %mul3A_104 = arith.constant 40 : i32
      %mul3A_105 = arith.muli %add3A_101, %mul3A_104 : i32
      %add3A_106 = arith.addi %mul3A_103, %mul3A_105 : i32
      %ge3A_107 = arith.constant 2 : i32
      %ge3A_108 = arith.cmpi sge, %add3A_101, %ge3A_107 : i32
      %convert_element_type3A_109 = arith.extui %ge3A_108 : i1 to i32
      %cond3A_110 = arith.constant 0 : i32
      %cond3A_111 = arith.cmpi ne, %convert_element_type3A_109, %cond3A_110 : i32
      scf.if %cond3A_111 {
        %dma_wait3A_149 = arith.constant 0 : i32
        %dma_wait3A_150 = tpu.memref_slice %arg7[%add3A_106, %dma_wait3A_149] : memref<320000x128xf32, #tpu.memory_space<hbm>> -> memref<40x128xf32, #tpu.memory_space<hbm>>
        %dma_wait3A_151 = arith.constant 0 : i32
        %dma_wait3A_152 = tpu.memref_slice %arg7[%add3A_106, %dma_wait3A_151] : memref<320000x128xf32, #tpu.memory_space<hbm>> -> memref<40x128xf32, #tpu.memory_space<hbm>>
        tpu.wait_dma2 semaphore(%arg25 : memref<!tpu.dma_semaphore, #tpu.memory_space<semaphore_mem>>) src(%arg16 : memref<40x128xf32, #tpu.memory_space<vmem>>) dst(%dma_wait3A_152 : memref<40x128xf32, #tpu.memory_space<hbm>>)
        %dma_wait3A_153 = tpu.memref_slice %arg8[%add3A_106] : memref<320000xf32, #tpu.memory_space<hbm>> -> memref<40xf32, #tpu.memory_space<hbm>>
        %dma_wait3A_154 = tpu.memref_slice %arg8[%add3A_106] : memref<320000xf32, #tpu.memory_space<hbm>> -> memref<40xf32, #tpu.memory_space<hbm>>
        tpu.wait_dma2 semaphore(%arg25 : memref<!tpu.dma_semaphore, #tpu.memory_space<semaphore_mem>>) src(%arg18 : memref<40xf32, #tpu.memory_space<vmem>>) dst(%dma_wait3A_154 : memref<40xf32, #tpu.memory_space<hbm>>)
      } else {
      }
      %scan3A_112 = arith.constant 0 : i32
      %scan3A_113 = arith.constant 0 : i32
      %scan3A_114 = arith.constant 3 : i32
      %scan3A_115 = arith.addi %scan3A_113, %scan3A_114 : i32
      %scan3A_116 = arith.constant 1 : i32
      scf.for %scan3A_149 = %scan3A_113 to %scan3A_115 step %scan3A_116  : i32 {
        %mul3A_150 = arith.constant 16 : i32
        %mul3A_151 = arith.muli %scan3A_149, %mul3A_150 : i32
        %min3A = arith.constant 24 : i32
        %min3A_152 = arith.minsi %mul3A_151, %min3A : i32
        %get3A = arith.index_cast %add3A_101 : i32 to index
        %get3A_153 = arith.index_cast %min3A_152 : i32 to index
        %get3A_154 = tpu.vector_load %arg9[%get3A, %get3A_153] {strides = array<i32>} : memref<250x40xi32, #tpu.memory_space<vmem>>, vector<16xi32>,
        %mul3A_155 = arith.constant 3 : i32
        %mul3A_156 = vector.broadcast %mul3A_155 : i32 to vector<16xi32>
        %mul3A_157 = arith.muli %get3A_154, %mul3A_156 : vector<16xi32>
        %get3A_158 = arith.index_cast %add3A_101 : i32 to index
        %get3A_159 = arith.index_cast %min3A_152 : i32 to index
        %get3A_160 = tpu.vector_load %arg10[%get3A_158, %get3A_159] {strides = array<i32>} : memref<250x40xi32, #tpu.memory_space<vmem>>, vector<16xi32>,
        %mul3A_161 = arith.constant 3 : i32
        %mul3A_162 = vector.broadcast %mul3A_161 : i32 to vector<16xi32>
        %mul3A_163 = arith.muli %get3A_160, %mul3A_162 : vector<16xi32>
        %gather3A = tpu.vector_load_idx %arg19[%mul3A_157] : memref<30000xf32, #tpu.memory_space<vmem>>[vector<16xi32>], vector<16xf32>,
        %gather3A_164 = tpu.vector_load_idx %arg19[%mul3A_163] : memref<30000xf32, #tpu.memory_space<vmem>>[vector<16xi32>], vector<16xf32>,
        %sub3A = arith.subf %gather3A, %gather3A_164 : vector<16xf32>
        %add3A_165 = arith.constant 1 : i32
        %add3A_166 = vector.broadcast %add3A_165 : i32 to vector<16xi32>
        %add3A_167 = arith.addi %mul3A_157, %add3A_166 : vector<16xi32>
        %gather3A_168 = tpu.vector_load_idx %arg19[%add3A_167] : memref<30000xf32, #tpu.memory_space<vmem>>[vector<16xi32>], vector<16xf32>,
        %add3A_169 = arith.constant 1 : i32
        %add3A_170 = vector.broadcast %add3A_169 : i32 to vector<16xi32>
        %add3A_171 = arith.addi %mul3A_163, %add3A_170 : vector<16xi32>
        %gather3A_172 = tpu.vector_load_idx %arg19[%add3A_171] : memref<30000xf32, #tpu.memory_space<vmem>>[vector<16xi32>], vector<16xf32>,
        %sub3A_173 = arith.subf %gather3A_168, %gather3A_172 : vector<16xf32>
        %add3A_174 = arith.constant 2 : i32
        %add3A_175 = vector.broadcast %add3A_174 : i32 to vector<16xi32>
        %add3A_176 = arith.addi %mul3A_157, %add3A_175 : vector<16xi32>
        %gather3A_177 = tpu.vector_load_idx %arg19[%add3A_176] : memref<30000xf32, #tpu.memory_space<vmem>>[vector<16xi32>], vector<16xf32>,
        %add3A_178 = arith.constant 2 : i32
        %add3A_179 = vector.broadcast %add3A_178 : i32 to vector<16xi32>
        %add3A_180 = arith.addi %mul3A_163, %add3A_179 : vector<16xi32>
        %gather3A_181 = tpu.vector_load_idx %arg19[%add3A_180] : memref<30000xf32, #tpu.memory_space<vmem>>[vector<16xi32>], vector<16xf32>,
        %sub3A_182 = arith.subf %gather3A_177, %gather3A_181 : vector<16xf32>
        %mul3A_183 = arith.mulf %sub3A, %sub3A : vector<16xf32>
        %mul3A_184 = arith.mulf %sub3A_173, %sub3A_173 : vector<16xf32>
        %add3A_185 = arith.addf %mul3A_183, %mul3A_184 : vector<16xf32>
        %mul3A_186 = arith.mulf %sub3A_182, %sub3A_182 : vector<16xf32>
        %add3A_187 = arith.addf %add3A_185, %mul3A_186 : vector<16xf32>
        %swap3A = arith.index_cast %min3A_152 : i32 to index
        %swap3A_188 = tpu.vector_load %arg18[%swap3A] {strides = array<i32>} : memref<40xf32, #tpu.memory_space<vmem>>, vector<16xf32>,
        tpu.vector_store %arg18[%swap3A], %add3A_187 {strides = array<i32>} : memref<40xf32, #tpu.memory_space<vmem>>, vector<16xf32>,
      }
      %scan3A_117 = arith.constant 3 : i32
      %dma_wait3A_118 = arith.constant 0 : i32
      %dma_wait3A_119 = tpu.memref_slice %arg9[%add3A_101, %dma_wait3A_118] : memref<250x40xi32, #tpu.memory_space<vmem>> -> memref<1x40xi32, #tpu.memory_space<vmem>>
      %dma_wait3A_120 = tpu.memref_squeeze %dma_wait3A_119 : memref<1x40xi32, #tpu.memory_space<vmem>> -> memref<40xi32, #tpu.memory_space<vmem>>
      %dma_wait3A_121 = arith.constant 0 : i32
      %dma_wait3A_122 = arith.constant 0 : i32
      %dma_wait3A_123 = tpu.memref_slice %arg2[%dma_wait3A_121, %dma_wait3A_122] : memref<10000x128xf32, #tpu.memory_space<hbm>> -> memref<10000x128xf32, #tpu.memory_space<hbm>>
      tpu.wait_indirect_dma semaphore(%arg22 : memref<!tpu.dma_semaphore, #tpu.memory_space<semaphore_mem>>) src(%dma_wait3A_123 : memref<10000x128xf32, #tpu.memory_space<hbm>>) dst(%arg13 : memref<40x128xf32, #tpu.memory_space<vmem>>)
      %dma_wait3A_124 = arith.constant 0 : i32
      %dma_wait3A_125 = tpu.memref_slice %arg10[%add3A_101, %dma_wait3A_124] : memref<250x40xi32, #tpu.memory_space<vmem>> -> memref<1x40xi32, #tpu.memory_space<vmem>>
      %dma_wait3A_126 = tpu.memref_squeeze %dma_wait3A_125 : memref<1x40xi32, #tpu.memory_space<vmem>> -> memref<40xi32, #tpu.memory_space<vmem>>
      %dma_wait3A_127 = arith.constant 0 : i32
      %dma_wait3A_128 = arith.constant 0 : i32
      %dma_wait3A_129 = tpu.memref_slice %arg3[%dma_wait3A_127, %dma_wait3A_128] : memref<10000x128xf32, #tpu.memory_space<hbm>> -> memref<10000x128xf32, #tpu.memory_space<hbm>>
      tpu.wait_indirect_dma semaphore(%arg23 : memref<!tpu.dma_semaphore, #tpu.memory_space<semaphore_mem>>) src(%dma_wait3A_129 : memref<10000x128xf32, #tpu.memory_space<hbm>>) dst(%arg14 : memref<40x128xf32, #tpu.memory_space<vmem>>)
      %scan3A_130 = arith.constant 0 : i32
      %scan3A_131 = arith.constant 0 : i32
      %scan3A_132 = arith.constant 40 : i32
      %scan3A_133 = arith.addi %scan3A_131, %scan3A_132 : i32
      %scan3A_134 = arith.constant 1 : i32
      scf.for %scan3A_149 = %scan3A_131 to %scan3A_133 step %scan3A_134  : i32 {
        %get3A = arith.index_cast %scan3A_149 : i32 to index
        %get3A_150 = arith.constant 0 : index
        %get3A_151 = tpu.vector_load %arg13[%get3A, %get3A_150] {strides = array<i32>} : memref<40x128xf32, #tpu.memory_space<vmem>>, vector<16xf32>,
        %get3A_152 = arith.index_cast %scan3A_149 : i32 to index
        %get3A_153 = arith.constant 0 : index
        %get3A_154 = tpu.vector_load %arg14[%get3A_152, %get3A_153] {strides = array<i32>} : memref<40x128xf32, #tpu.memory_space<vmem>>, vector<16xf32>,
        %add3A_155 = arith.addf %get3A_151, %get3A_154 : vector<16xf32>
        %swap3A = arith.index_cast %scan3A_149 : i32 to index
        %swap3A_156 = arith.constant 0 : index
        %swap3A_157 = tpu.vector_load %arg16[%swap3A, %swap3A_156] {strides = array<i32>} : memref<40x128xf32, #tpu.memory_space<vmem>>, vector<16xf32>,
        tpu.vector_store %arg16[%swap3A, %swap3A_156], %add3A_155 {strides = array<i32>} : memref<40x128xf32, #tpu.memory_space<vmem>>, vector<16xf32>,
        %get3A_158 = arith.index_cast %scan3A_149 : i32 to index
        %get3A_159 = arith.constant 16 : index
        %get3A_160 = tpu.vector_load %arg13[%get3A_158, %get3A_159] {strides = array<i32>} : memref<40x128xf32, #tpu.memory_space<vmem>>, vector<16xf32>,
        %get3A_161 = arith.index_cast %scan3A_149 : i32 to index
        %get3A_162 = arith.constant 16 : index
        %get3A_163 = tpu.vector_load %arg14[%get3A_161, %get3A_162] {strides = array<i32>} : memref<40x128xf32, #tpu.memory_space<vmem>>, vector<16xf32>,
        %add3A_164 = arith.addf %get3A_160, %get3A_163 : vector<16xf32>
        %swap3A_165 = arith.index_cast %scan3A_149 : i32 to index
        %swap3A_166 = arith.constant 16 : index
        %swap3A_167 = tpu.vector_load %arg16[%swap3A_165, %swap3A_166] {strides = array<i32>} : memref<40x128xf32, #tpu.memory_space<vmem>>, vector<16xf32>,
        tpu.vector_store %arg16[%swap3A_165, %swap3A_166], %add3A_164 {strides = array<i32>} : memref<40x128xf32, #tpu.memory_space<vmem>>, vector<16xf32>,
        %get3A_168 = arith.index_cast %scan3A_149 : i32 to index
        %get3A_169 = arith.constant 32 : index
        %get3A_170 = tpu.vector_load %arg13[%get3A_168, %get3A_169] {strides = array<i32>} : memref<40x128xf32, #tpu.memory_space<vmem>>, vector<16xf32>,
        %get3A_171 = arith.index_cast %scan3A_149 : i32 to index
        %get3A_172 = arith.constant 32 : index
        %get3A_173 = tpu.vector_load %arg14[%get3A_171, %get3A_172] {strides = array<i32>} : memref<40x128xf32, #tpu.memory_space<vmem>>, vector<16xf32>,
        %add3A_174 = arith.addf %get3A_170, %get3A_173 : vector<16xf32>
        %swap3A_175 = arith.index_cast %scan3A_149 : i32 to index
        %swap3A_176 = arith.constant 32 : index
        %swap3A_177 = tpu.vector_load %arg16[%swap3A_175, %swap3A_176] {strides = array<i32>} : memref<40x128xf32, #tpu.memory_space<vmem>>, vector<16xf32>,
        tpu.vector_store %arg16[%swap3A_175, %swap3A_176], %add3A_174 {strides = array<i32>} : memref<40x128xf32, #tpu.memory_space<vmem>>, vector<16xf32>,
        %get3A_178 = arith.index_cast %scan3A_149 : i32 to index
        %get3A_179 = arith.constant 48 : index
        %get3A_180 = tpu.vector_load %arg13[%get3A_178, %get3A_179] {strides = array<i32>} : memref<40x128xf32, #tpu.memory_space<vmem>>, vector<16xf32>,
        %get3A_181 = arith.index_cast %scan3A_149 : i32 to index
        %get3A_182 = arith.constant 48 : index
        %get3A_183 = tpu.vector_load %arg14[%get3A_181, %get3A_182] {strides = array<i32>} : memref<40x128xf32, #tpu.memory_space<vmem>>, vector<16xf32>,
        %add3A_184 = arith.addf %get3A_180, %get3A_183 : vector<16xf32>
        %swap3A_185 = arith.index_cast %scan3A_149 : i32 to index
        %swap3A_186 = arith.constant 48 : index
        %swap3A_187 = tpu.vector_load %arg16[%swap3A_185, %swap3A_186] {strides = array<i32>} : memref<40x128xf32, #tpu.memory_space<vmem>>, vector<16xf32>,
        tpu.vector_store %arg16[%swap3A_185, %swap3A_186], %add3A_184 {strides = array<i32>} : memref<40x128xf32, #tpu.memory_space<vmem>>, vector<16xf32>,
        %get3A_188 = arith.index_cast %scan3A_149 : i32 to index
        %get3A_189 = arith.constant 64 : index
        %get3A_190 = tpu.vector_load %arg13[%get3A_188, %get3A_189] {strides = array<i32>} : memref<40x128xf32, #tpu.memory_space<vmem>>, vector<16xf32>,
        %get3A_191 = arith.index_cast %scan3A_149 : i32 to index
        %get3A_192 = arith.constant 64 : index
        %get3A_193 = tpu.vector_load %arg14[%get3A_191, %get3A_192] {strides = array<i32>} : memref<40x128xf32, #tpu.memory_space<vmem>>, vector<16xf32>,
        %add3A_194 = arith.addf %get3A_190, %get3A_193 : vector<16xf32>
        %swap3A_195 = arith.index_cast %scan3A_149 : i32 to index
        %swap3A_196 = arith.constant 64 : index
        %swap3A_197 = tpu.vector_load %arg16[%swap3A_195, %swap3A_196] {strides = array<i32>} : memref<40x128xf32, #tpu.memory_space<vmem>>, vector<16xf32>,
        tpu.vector_store %arg16[%swap3A_195, %swap3A_196], %add3A_194 {strides = array<i32>} : memref<40x128xf32, #tpu.memory_space<vmem>>, vector<16xf32>,
        %get3A_198 = arith.index_cast %scan3A_149 : i32 to index
        %get3A_199 = arith.constant 80 : index
        %get3A_200 = tpu.vector_load %arg13[%get3A_198, %get3A_199] {strides = array<i32>} : memref<40x128xf32, #tpu.memory_space<vmem>>, vector<16xf32>,
        %get3A_201 = arith.index_cast %scan3A_149 : i32 to index
        %get3A_202 = arith.constant 80 : index
        %get3A_203 = tpu.vector_load %arg14[%get3A_201, %get3A_202] {strides = array<i32>} : memref<40x128xf32, #tpu.memory_space<vmem>>, vector<16xf32>,
        %add3A_204 = arith.addf %get3A_200, %get3A_203 : vector<16xf32>
        %swap3A_205 = arith.index_cast %scan3A_149 : i32 to index
        %swap3A_206 = arith.constant 80 : index
        %swap3A_207 = tpu.vector_load %arg16[%swap3A_205, %swap3A_206] {strides = array<i32>} : memref<40x128xf32, #tpu.memory_space<vmem>>, vector<16xf32>,
        tpu.vector_store %arg16[%swap3A_205, %swap3A_206], %add3A_204 {strides = array<i32>} : memref<40x128xf32, #tpu.memory_space<vmem>>, vector<16xf32>,
        %get3A_208 = arith.index_cast %scan3A_149 : i32 to index
        %get3A_209 = arith.constant 96 : index
        %get3A_210 = tpu.vector_load %arg13[%get3A_208, %get3A_209] {strides = array<i32>} : memref<40x128xf32, #tpu.memory_space<vmem>>, vector<16xf32>,
        %get3A_211 = arith.index_cast %scan3A_149 : i32 to index
        %get3A_212 = arith.constant 96 : index
        %get3A_213 = tpu.vector_load %arg14[%get3A_211, %get3A_212] {strides = array<i32>} : memref<40x128xf32, #tpu.memory_space<vmem>>, vector<16xf32>,
        %add3A_214 = arith.addf %get3A_210, %get3A_213 : vector<16xf32>
        %swap3A_215 = arith.index_cast %scan3A_149 : i32 to index
        %swap3A_216 = arith.constant 96 : index
        %swap3A_217 = tpu.vector_load %arg16[%swap3A_215, %swap3A_216] {strides = array<i32>} : memref<40x128xf32, #tpu.memory_space<vmem>>, vector<16xf32>,
        tpu.vector_store %arg16[%swap3A_215, %swap3A_216], %add3A_214 {strides = array<i32>} : memref<40x128xf32, #tpu.memory_space<vmem>>, vector<16xf32>,
        %get3A_218 = arith.index_cast %scan3A_149 : i32 to index
        %get3A_219 = arith.constant 112 : index
        %get3A_220 = tpu.vector_load %arg13[%get3A_218, %get3A_219] {strides = array<i32>} : memref<40x128xf32, #tpu.memory_space<vmem>>, vector<16xf32>,
        %get3A_221 = arith.index_cast %scan3A_149 : i32 to index
        %get3A_222 = arith.constant 112 : index
        %get3A_223 = tpu.vector_load %arg14[%get3A_221, %get3A_222] {strides = array<i32>} : memref<40x128xf32, #tpu.memory_space<vmem>>, vector<16xf32>,
        %add3A_224 = arith.addf %get3A_220, %get3A_223 : vector<16xf32>
        %swap3A_225 = arith.index_cast %scan3A_149 : i32 to index
        %swap3A_226 = arith.constant 112 : index
        %swap3A_227 = tpu.vector_load %arg16[%swap3A_225, %swap3A_226] {strides = array<i32>} : memref<40x128xf32, #tpu.memory_space<vmem>>, vector<16xf32>,
        tpu.vector_store %arg16[%swap3A_225, %swap3A_226], %add3A_224 {strides = array<i32>} : memref<40x128xf32, #tpu.memory_space<vmem>>, vector<16xf32>,
      }
      %scan3A_135 = arith.constant 40 : i32
      %add3A_136 = arith.constant 2 : i32
      %add3A_137 = arith.addi %add3A_101, %add3A_136 : i32
      %lt3A_138 = arith.constant 250 : i32
      %lt3A_139 = arith.cmpi slt, %add3A_137, %lt3A_138 : i32
      %convert_element_type3A_140 = arith.extui %lt3A_139 : i1 to i32
      %cond3A_141 = arith.constant 0 : i32
      %cond3A_142 = arith.cmpi ne, %convert_element_type3A_140, %cond3A_141 : i32
      scf.if %cond3A_142 {
        %add3A_149 = arith.constant 2 : i32
        %add3A_150 = arith.addi %add3A_101, %add3A_149 : i32
        %dma_start3A_151 = arith.constant 0 : i32
        %dma_start3A_152 = tpu.memref_slice %arg9[%add3A_150, %dma_start3A_151] : memref<250x40xi32, #tpu.memory_space<vmem>> -> memref<1x40xi32, #tpu.memory_space<vmem>>
        %dma_start3A_153 = tpu.memref_squeeze %dma_start3A_152 : memref<1x40xi32, #tpu.memory_space<vmem>> -> memref<40xi32, #tpu.memory_space<vmem>>
        %dma_start3A_154 = arith.constant 0 : i32
        %dma_start3A_155 = arith.constant 0 : i32
        %dma_start3A_156 = tpu.memref_slice %arg2[%dma_start3A_154, %dma_start3A_155] : memref<10000x128xf32, #tpu.memory_space<hbm>> -> memref<10000x128xf32, #tpu.memory_space<hbm>>
        tpu.enqueue_indirect_dma source(%dma_start3A_156 : memref<10000x128xf32, #tpu.memory_space<hbm>>) target(%arg13 : memref<40x128xf32, #tpu.memory_space<vmem>>) offsets(%dma_start3A_153 : memref<40xi32, #tpu.memory_space<vmem>>) semaphore(%arg22 : memref<!tpu.dma_semaphore, #tpu.memory_space<semaphore_mem>>)
        %dma_start3A_157 = arith.constant 0 : i32
        %dma_start3A_158 = tpu.memref_slice %arg10[%add3A_150, %dma_start3A_157] : memref<250x40xi32, #tpu.memory_space<vmem>> -> memref<1x40xi32, #tpu.memory_space<vmem>>
        %dma_start3A_159 = tpu.memref_squeeze %dma_start3A_158 : memref<1x40xi32, #tpu.memory_space<vmem>> -> memref<40xi32, #tpu.memory_space<vmem>>
        %dma_start3A_160 = arith.constant 0 : i32
        %dma_start3A_161 = arith.constant 0 : i32
        %dma_start3A_162 = tpu.memref_slice %arg3[%dma_start3A_160, %dma_start3A_161] : memref<10000x128xf32, #tpu.memory_space<hbm>> -> memref<10000x128xf32, #tpu.memory_space<hbm>>
        tpu.enqueue_indirect_dma source(%dma_start3A_162 : memref<10000x128xf32, #tpu.memory_space<hbm>>) target(%arg14 : memref<40x128xf32, #tpu.memory_space<vmem>>) offsets(%dma_start3A_159 : memref<40xi32, #tpu.memory_space<vmem>>) semaphore(%arg23 : memref<!tpu.dma_semaphore, #tpu.memory_space<semaphore_mem>>)
      } else {
      }
      %dma_start3A_143 = arith.constant 0 : i32
      %dma_start3A_144 = tpu.memref_slice %arg7[%add3A_106, %dma_start3A_143] : memref<320000x128xf32, #tpu.memory_space<hbm>> -> memref<40x128xf32, #tpu.memory_space<hbm>>
      %dma_start3A_145 = arith.constant 0 : i32
      %dma_start3A_146 = tpu.memref_slice %arg7[%add3A_106, %dma_start3A_145] : memref<320000x128xf32, #tpu.memory_space<hbm>> -> memref<40x128xf32, #tpu.memory_space<hbm>>
      tpu.enqueue_dma source(%arg16 : memref<40x128xf32, #tpu.memory_space<vmem>>) target(%dma_start3A_146 : memref<40x128xf32, #tpu.memory_space<hbm>>) target_semaphore(%arg25 : memref<!tpu.dma_semaphore, #tpu.memory_space<semaphore_mem>>)
      %dma_start3A_147 = tpu.memref_slice %arg8[%add3A_106] : memref<320000xf32, #tpu.memory_space<hbm>> -> memref<40xf32, #tpu.memory_space<hbm>>
      %dma_start3A_148 = tpu.memref_slice %arg8[%add3A_106] : memref<320000xf32, #tpu.memory_space<hbm>> -> memref<40xf32, #tpu.memory_space<hbm>>
      tpu.enqueue_dma source(%arg18 : memref<40xf32, #tpu.memory_space<vmem>>) target(%dma_start3A_148 : memref<40xf32, #tpu.memory_space<hbm>>) target_semaphore(%arg25 : memref<!tpu.dma_semaphore, #tpu.memory_space<semaphore_mem>>)
    }
    %scan3A_32 = arith.constant 125 : i32
    %mul3A_33 = arith.constant 10000 : i32
    %mul3A_34 = arith.muli %add3A, %mul3A_33 : i32
    %add3A_35 = arith.constant 9920 : i32
    %add3A_36 = arith.addi %mul3A_34, %add3A_35 : i32
    %mul3A_37 = arith.constant 10000 : i32
    %mul3A_38 = arith.muli %add3A, %mul3A_37 : i32
    %add3A_39 = arith.constant 9960 : i32
    %add3A_40 = arith.addi %mul3A_38, %add3A_39 : i32
    %dma_wait3A = arith.constant 0 : i32
    %dma_wait3A_41 = tpu.memref_slice %arg7[%add3A_36, %dma_wait3A] : memref<320000x128xf32, #tpu.memory_space<hbm>> -> memref<40x128xf32, #tpu.memory_space<hbm>>
    %dma_wait3A_42 = arith.constant 0 : i32
    %dma_wait3A_43 = tpu.memref_slice %arg7[%add3A_36, %dma_wait3A_42] : memref<320000x128xf32, #tpu.memory_space<hbm>> -> memref<40x128xf32, #tpu.memory_space<hbm>>
    tpu.wait_dma2 semaphore(%arg24 : memref<!tpu.dma_semaphore, #tpu.memory_space<semaphore_mem>>) src(%arg15 : memref<40x128xf32, #tpu.memory_space<vmem>>) dst(%dma_wait3A_43 : memref<40x128xf32, #tpu.memory_space<hbm>>)
    %dma_wait3A_44 = tpu.memref_slice %arg8[%add3A_36] : memref<320000xf32, #tpu.memory_space<hbm>> -> memref<40xf32, #tpu.memory_space<hbm>>
    %dma_wait3A_45 = tpu.memref_slice %arg8[%add3A_36] : memref<320000xf32, #tpu.memory_space<hbm>> -> memref<40xf32, #tpu.memory_space<hbm>>
    tpu.wait_dma2 semaphore(%arg24 : memref<!tpu.dma_semaphore, #tpu.memory_space<semaphore_mem>>) src(%arg17 : memref<40xf32, #tpu.memory_space<vmem>>) dst(%dma_wait3A_45 : memref<40xf32, #tpu.memory_space<hbm>>)
    %dma_wait3A_46 = arith.constant 0 : i32
    %dma_wait3A_47 = tpu.memref_slice %arg7[%add3A_40, %dma_wait3A_46] : memref<320000x128xf32, #tpu.memory_space<hbm>> -> memref<40x128xf32, #tpu.memory_space<hbm>>
    %dma_wait3A_48 = arith.constant 0 : i32
    %dma_wait3A_49 = tpu.memref_slice %arg7[%add3A_40, %dma_wait3A_48] : memref<320000x128xf32, #tpu.memory_space<hbm>> -> memref<40x128xf32, #tpu.memory_space<hbm>>
    tpu.wait_dma2 semaphore(%arg25 : memref<!tpu.dma_semaphore, #tpu.memory_space<semaphore_mem>>) src(%arg16 : memref<40x128xf32, #tpu.memory_space<vmem>>) dst(%dma_wait3A_49 : memref<40x128xf32, #tpu.memory_space<hbm>>)
    %dma_wait3A_50 = tpu.memref_slice %arg8[%add3A_40] : memref<320000xf32, #tpu.memory_space<hbm>> -> memref<40xf32, #tpu.memory_space<hbm>>
    %dma_wait3A_51 = tpu.memref_slice %arg8[%add3A_40] : memref<320000xf32, #tpu.memory_space<hbm>> -> memref<40xf32, #tpu.memory_space<hbm>>
    tpu.wait_dma2 semaphore(%arg25 : memref<!tpu.dma_semaphore, #tpu.memory_space<semaphore_mem>>) src(%arg18 : memref<40xf32, #tpu.memory_space<vmem>>) dst(%dma_wait3A_51 : memref<40xf32, #tpu.memory_space<hbm>>)
    return
  }
}

module attributes {stable_mosaic.version = 14 : i64} {
  func.func @_tca_body(%arg0: i32, %arg1: memref<1000x128xf32, #tpu.memory_space<vmem>>, %arg2: memref<1000x4xf32, #tpu.memory_space<vmem>>, %arg3: memref<128x128xf32, #tpu.memory_space<vmem>>, %arg4: memref<128x128xf32, #tpu.memory_space<vmem>>, %arg5: memref<4x128xf32, #tpu.memory_space<vmem>>, %arg6: memref<1000x128xf32, #tpu.memory_space<vmem>>, %arg7: memref<1000x128xf32, #tpu.memory_space<vmem>>) attributes {dimension_semantics = [#tpu.dimension_semantics<arbitrary>], iteration_bounds = array<i64: 10>, scalar_prefetch = 0 : i64, scratch_operands = 0 : i64, tpu.core_type = #tpu.core_type<tc>, window_params = [{transform_indices = @transform_0, window_bounds = array<i64: 1000, 128>}, {transform_indices = @transform_1, window_bounds = array<i64: 1000, 4>}, {pipeline_mode = #tpu.pipeline_mode<synchronous>, transform_indices = @transform_2, window_bounds = array<i64: 128, 128>}, {pipeline_mode = #tpu.pipeline_mode<synchronous>, transform_indices = @transform_3, window_bounds = array<i64: 128, 128>}, {pipeline_mode = #tpu.pipeline_mode<synchronous>, transform_indices = @transform_4, window_bounds = array<i64: 4, 128>}, {transform_indices = @transform_5, window_bounds = array<i64: 1000, 128>}, {transform_indices = @transform_6, window_bounds = array<i64: 1000, 128>}]} {
    %get3A = arith.constant 0 : index
    %get3A_0 = arith.constant 0 : index
    %get3A_1 = vector.load %arg1[%get3A, %get3A_0] : memref<1000x128xf32, #tpu.memory_space<vmem>>, vector<1000x128xf32>
    %get3A_2 = arith.constant 0 : index
    %get3A_3 = arith.constant 0 : index
    %get3A_4 = vector.load %arg2[%get3A_2, %get3A_3] : memref<1000x4xf32, #tpu.memory_space<vmem>>, vector<1000x4xf32>
    %get3A_5 = arith.constant 0 : index
    %get3A_6 = arith.constant 0 : index
    %get3A_7 = vector.load %arg5[%get3A_5, %get3A_6] : memref<4x128xf32, #tpu.memory_space<vmem>>, vector<4x128xf32>
    %dot_general3A = arith.constant dense<0.000000e+00> : vector<1000x128xf32>
    %dot_general3A_8 = tpu.matmul %get3A_4, %get3A_7, %dot_general3A {dimension_numbers = #tpu.dot_dimension_numbers<[1], [0], [0], [1], [0, 0, 1, 1], [], []>, transpose_lhs_hint = false} : vector<1000x4xf32>, vector<4x128xf32>, vector<1000x128xf32> -> vector<1000x128xf32>
    %get3A_9 = arith.constant 0 : index
    %get3A_10 = arith.constant 0 : index
    %get3A_11 = vector.load %arg3[%get3A_9, %get3A_10] : memref<128x128xf32, #tpu.memory_space<vmem>>, vector<128x128xf32>
    %dot_general3A_12 = arith.constant dense<0.000000e+00> : vector<1000x128xf32>
    %dot_general3A_13 = tpu.matmul %get3A_1, %get3A_11, %dot_general3A_12 {dimension_numbers = #tpu.dot_dimension_numbers<[1], [0], [0], [1], [0, 0, 1, 1], [], []>, transpose_lhs_hint = false} : vector<1000x128xf32>, vector<128x128xf32>, vector<1000x128xf32> -> vector<1000x128xf32>
    %add3A = arith.addf %dot_general3A_13, %dot_general3A_8 : vector<1000x128xf32>
    %swap3A = arith.constant 0 : index
    %swap3A_14 = arith.constant 0 : index
    %swap3A_15 = vector.load %arg6[%swap3A, %swap3A_14] : memref<1000x128xf32, #tpu.memory_space<vmem>>, vector<1000x128xf32>
    tpu.vector_store %arg6[%swap3A, %swap3A_14], %add3A {strides = array<i32>} : memref<1000x128xf32, #tpu.memory_space<vmem>>, vector<1000x128xf32>,
    %get3A_16 = arith.constant 0 : index
    %get3A_17 = arith.constant 0 : index
    %get3A_18 = vector.load %arg4[%get3A_16, %get3A_17] : memref<128x128xf32, #tpu.memory_space<vmem>>, vector<128x128xf32>
    %dot_general3A_19 = arith.constant dense<0.000000e+00> : vector<1000x128xf32>
    %dot_general3A_20 = tpu.matmul %get3A_1, %get3A_18, %dot_general3A_19 {dimension_numbers = #tpu.dot_dimension_numbers<[1], [0], [0], [1], [0, 0, 1, 1], [], []>, transpose_lhs_hint = false} : vector<1000x128xf32>, vector<128x128xf32>, vector<1000x128xf32> -> vector<1000x128xf32>
    %sub3A = arith.subf %dot_general3A_20, %dot_general3A_8 : vector<1000x128xf32>
    %swap3A_21 = arith.constant 0 : index
    %swap3A_22 = arith.constant 0 : index
    %swap3A_23 = vector.load %arg7[%swap3A_21, %swap3A_22] : memref<1000x128xf32, #tpu.memory_space<vmem>>, vector<1000x128xf32>
    tpu.vector_store %arg7[%swap3A_21, %swap3A_22], %sub3A {strides = array<i32>} : memref<1000x128xf32, #tpu.memory_space<vmem>>, vector<1000x128xf32>,
    return
  }
  func.func @transform_0(%arg0: i32) -> (i32, i32) {
    %c0_i32 = arith.constant 0 : i32
    %c0_i32_0 = arith.constant 0 : i32
    return %arg0, %c0_i32 : i32, i32
  }
  func.func @transform_1(%arg0: i32) -> (i32, i32) {
    %c0_i32 = arith.constant 0 : i32
    %c0_i32_0 = arith.constant 0 : i32
    return %arg0, %c0_i32 : i32, i32
  }
  func.func @transform_2(%arg0: i32) -> (i32, i32) {
    %c0_i32 = arith.constant 0 : i32
    %c0_i32_0 = arith.constant 0 : i32
    %c0_i32_1 = arith.constant 0 : i32
    return %c0_i32, %c0_i32_0 : i32, i32
  }
  func.func @transform_3(%arg0: i32) -> (i32, i32) {
    %c0_i32 = arith.constant 0 : i32
    %c0_i32_0 = arith.constant 0 : i32
    %c0_i32_1 = arith.constant 0 : i32
    return %c0_i32, %c0_i32_0 : i32, i32
  }
  func.func @transform_4(%arg0: i32) -> (i32, i32) {
    %c0_i32 = arith.constant 0 : i32
    %c0_i32_0 = arith.constant 0 : i32
    %c0_i32_1 = arith.constant 0 : i32
    return %c0_i32, %c0_i32_0 : i32, i32
  }
  func.func @transform_5(%arg0: i32) -> (i32, i32) {
    %c0_i32 = arith.constant 0 : i32
    %c0_i32_0 = arith.constant 0 : i32
    return %arg0, %c0_i32 : i32, i32
  }
  func.func @transform_6(%arg0: i32) -> (i32, i32) {
    %c0_i32 = arith.constant 0 : i32
    %c0_i32_0 = arith.constant 0 : i32
    return %arg0, %c0_i32 : i32, i32
  }
}

module attributes {stable_mosaic.version = 14 : i64} {
  func.func @_tcb_body(%arg0: i32, %arg1: memref<4000x128xf32, #tpu.memory_space<vmem>>, %arg2: memref<4000x1xf32, #tpu.memory_space<vmem>>, %arg3: memref<1x128xf32, #tpu.memory_space<vmem>>, %arg4: memref<1x128xf32, #tpu.memory_space<vmem>>, %arg5: memref<128x128xf32, #tpu.memory_space<vmem>>, %arg6: memref<1x128xf32, #tpu.memory_space<vmem>>, %arg7: memref<128x128xf32, #tpu.memory_space<vmem>>, %arg8: memref<1x128xf32, #tpu.memory_space<vmem>>, %arg9: memref<1x128xf32, #tpu.memory_space<vmem>>, %arg10: memref<1x1xf32, #tpu.memory_space<vmem>>, %arg11: memref<4000x128xf32, #tpu.memory_space<vmem>>, %arg12: memref<4000x1xf32, #tpu.memory_space<vmem>>) attributes {dimension_semantics = [#tpu.dimension_semantics<arbitrary>], iteration_bounds = array<i64: 80>, scalar_prefetch = 0 : i64, scratch_operands = 0 : i64, tpu.core_type = #tpu.core_type<tc>, window_params = [{transform_indices = @transform_0, window_bounds = array<i64: 4000, 128>}, {transform_indices = @transform_1, window_bounds = array<i64: 4000, 1>}, {pipeline_mode = #tpu.pipeline_mode<synchronous>, transform_indices = @transform_2, window_bounds = array<i64: 1, 128>}, {pipeline_mode = #tpu.pipeline_mode<synchronous>, transform_indices = @transform_3, window_bounds = array<i64: 1, 128>}, {pipeline_mode = #tpu.pipeline_mode<synchronous>, transform_indices = @transform_4, window_bounds = array<i64: 128, 128>}, {pipeline_mode = #tpu.pipeline_mode<synchronous>, transform_indices = @transform_5, window_bounds = array<i64: 1, 128>}, {pipeline_mode = #tpu.pipeline_mode<synchronous>, transform_indices = @transform_6, window_bounds = array<i64: 128, 128>}, {pipeline_mode = #tpu.pipeline_mode<synchronous>, transform_indices = @transform_7, window_bounds = array<i64: 1, 128>}, {pipeline_mode = #tpu.pipeline_mode<synchronous>, transform_indices = @transform_8, window_bounds = array<i64: 1, 128>}, {pipeline_mode = #tpu.pipeline_mode<synchronous>, transform_indices = @transform_9, window_bounds = array<i64: 1, 1>}, {transform_indices = @transform_10, window_bounds = array<i64: 4000, 128>}, {transform_indices = @transform_11, window_bounds = array<i64: 4000, 1>}]} {
    %get3A = arith.constant 0 : index
    %get3A_0 = arith.constant 0 : index
    %get3A_1 = vector.load %arg2[%get3A, %get3A_0] : memref<4000x1xf32, #tpu.memory_space<vmem>>, vector<4000x1xf32>
    %add3A = arith.constant 1.000000e-30 : f32
    %add3A_2 = vector.broadcast %add3A : f32 to vector<4000x1xf32>
    %add3A_3 = arith.addf %get3A_1, %add3A_2 : vector<4000x1xf32>
    %rsqrt3A = math.rsqrt %add3A_3 : vector<4000x1xf32>
    %mul3A = arith.mulf %get3A_1, %rsqrt3A : vector<4000x1xf32>
    %get3A_4 = arith.constant 0 : index
    %get3A_5 = arith.constant 0 : index
    %get3A_6 = vector.load %arg1[%get3A_4, %get3A_5] : memref<4000x128xf32, #tpu.memory_space<vmem>>, vector<4000x128xf32>
    %get3A_7 = arith.constant 0 : index
    %get3A_8 = arith.constant 0 : index
    %get3A_9 = vector.load %arg3[%get3A_7, %get3A_8] : memref<1x128xf32, #tpu.memory_space<vmem>>, vector<1x128xf32>
    %mul3A_10 = vector.broadcast %mul3A : vector<4000x1xf32> to vector<4000x128xf32>
    %mul3A_11 = vector.broadcast %get3A_9 : vector<1x128xf32> to vector<4000x128xf32>
    %mul3A_12 = arith.mulf %mul3A_10, %mul3A_11 : vector<4000x128xf32>
    %add3A_13 = arith.addf %get3A_6, %mul3A_12 : vector<4000x128xf32>
    %get3A_14 = arith.constant 0 : index
    %get3A_15 = arith.constant 0 : index
    %get3A_16 = vector.load %arg4[%get3A_14, %get3A_15] : memref<1x128xf32, #tpu.memory_space<vmem>>, vector<1x128xf32>
    %add3A_17 = vector.broadcast %get3A_16 : vector<1x128xf32> to vector<4000x128xf32>
    %add3A_18 = arith.addf %add3A_13, %add3A_17 : vector<4000x128xf32>
    %max3A = arith.constant 0.000000e+00 : f32
    %max3A_19 = vector.broadcast %max3A : f32 to vector<4000x128xf32>
    %max3A_20 = arith.maximumf %add3A_18, %max3A_19 : vector<4000x128xf32>
    %get3A_21 = arith.constant 0 : index
    %get3A_22 = arith.constant 0 : index
    %get3A_23 = vector.load %arg5[%get3A_21, %get3A_22] : memref<128x128xf32, #tpu.memory_space<vmem>>, vector<128x128xf32>
    %dot_general3A = arith.constant dense<0.000000e+00> : vector<4000x128xf32>
    %dot_general3A_24 = tpu.matmul %max3A_20, %get3A_23, %dot_general3A {dimension_numbers = #tpu.dot_dimension_numbers<[1], [0], [0], [1], [0, 0, 1, 1], [], []>, transpose_lhs_hint = false} : vector<4000x128xf32>, vector<128x128xf32>, vector<4000x128xf32> -> vector<4000x128xf32>
    %get3A_25 = arith.constant 0 : index
    %get3A_26 = arith.constant 0 : index
    %get3A_27 = vector.load %arg6[%get3A_25, %get3A_26] : memref<1x128xf32, #tpu.memory_space<vmem>>, vector<1x128xf32>
    %add3A_28 = vector.broadcast %get3A_27 : vector<1x128xf32> to vector<4000x128xf32>
    %add3A_29 = arith.addf %dot_general3A_24, %add3A_28 : vector<4000x128xf32>
    %reduce_sum3A = arith.constant dense<0.000000e+00> : vector<4000xf32>
    %reduce_sum3A_30 = vector.multi_reduction <add>, %add3A_29, %reduce_sum3A [1] : vector<4000x128xf32> to vector<4000xf32>
    %broadcast_in_dim3A = vector.shape_cast %reduce_sum3A_30 : vector<4000xf32> to vector<4000x1xf32>
    %div3A = arith.constant 1.280000e+02 : f32
    %div3A_31 = vector.broadcast %div3A : f32 to vector<4000x1xf32>
    %div3A_32 = arith.divf %broadcast_in_dim3A, %div3A_31 : vector<4000x1xf32>
    %sub3A = vector.broadcast %div3A_32 : vector<4000x1xf32> to vector<4000x128xf32>
    %sub3A_33 = arith.subf %add3A_29, %sub3A : vector<4000x128xf32>
    %sub3A_34 = vector.broadcast %div3A_32 : vector<4000x1xf32> to vector<4000x128xf32>
    %sub3A_35 = arith.subf %add3A_29, %sub3A_34 : vector<4000x128xf32>
    %mul3A_36 = arith.mulf %sub3A_33, %sub3A_35 : vector<4000x128xf32>
    %reduce_sum3A_37 = arith.constant dense<0.000000e+00> : vector<4000xf32>
    %reduce_sum3A_38 = vector.multi_reduction <add>, %mul3A_36, %reduce_sum3A_37 [1] : vector<4000x128xf32> to vector<4000xf32>
    %broadcast_in_dim3A_39 = vector.shape_cast %reduce_sum3A_38 : vector<4000xf32> to vector<4000x1xf32>
    %div3A_40 = arith.constant 1.280000e+02 : f32
    %div3A_41 = vector.broadcast %div3A_40 : f32 to vector<4000x1xf32>
    %div3A_42 = arith.divf %broadcast_in_dim3A_39, %div3A_41 : vector<4000x1xf32>
    %sub3A_43 = vector.broadcast %div3A_32 : vector<4000x1xf32> to vector<4000x128xf32>
    %sub3A_44 = arith.subf %add3A_29, %sub3A_43 : vector<4000x128xf32>
    %add3A_45 = arith.constant 9.99999974E-6 : f32
    %add3A_46 = vector.broadcast %add3A_45 : f32 to vector<4000x1xf32>
    %add3A_47 = arith.addf %div3A_42, %add3A_46 : vector<4000x1xf32>
    %rsqrt3A_48 = math.rsqrt %add3A_47 : vector<4000x1xf32>
    %mul3A_49 = vector.broadcast %rsqrt3A_48 : vector<4000x1xf32> to vector<4000x128xf32>
    %mul3A_50 = arith.mulf %sub3A_44, %mul3A_49 : vector<4000x128xf32>
    %get3A_51 = arith.constant 0 : index
    %get3A_52 = arith.constant 0 : index
    %get3A_53 = vector.load %arg7[%get3A_51, %get3A_52] : memref<128x128xf32, #tpu.memory_space<vmem>>, vector<128x128xf32>
    %dot_general3A_54 = arith.constant dense<0.000000e+00> : vector<4000x128xf32>
    %dot_general3A_55 = tpu.matmul %mul3A_50, %get3A_53, %dot_general3A_54 {dimension_numbers = #tpu.dot_dimension_numbers<[1], [0], [0], [1], [0, 0, 1, 1], [], []>, transpose_lhs_hint = false} : vector<4000x128xf32>, vector<128x128xf32>, vector<4000x128xf32> -> vector<4000x128xf32>
    %get3A_56 = arith.constant 0 : index
    %get3A_57 = arith.constant 0 : index
    %get3A_58 = vector.load %arg8[%get3A_56, %get3A_57] : memref<1x128xf32, #tpu.memory_space<vmem>>, vector<1x128xf32>
    %add3A_59 = vector.broadcast %get3A_58 : vector<1x128xf32> to vector<4000x128xf32>
    %add3A_60 = arith.addf %dot_general3A_55, %add3A_59 : vector<4000x128xf32>
    %max3A_61 = arith.constant 0.000000e+00 : f32
    %max3A_62 = vector.broadcast %max3A_61 : f32 to vector<4000x128xf32>
    %max3A_63 = arith.maximumf %add3A_60, %max3A_62 : vector<4000x128xf32>
    %get3A_64 = arith.constant 0 : index
    %get3A_65 = arith.constant 0 : index
    %get3A_66 = vector.load %arg9[%get3A_64, %get3A_65] : memref<1x128xf32, #tpu.memory_space<vmem>>, vector<1x128xf32>
    %mul3A_67 = vector.broadcast %get3A_66 : vector<1x128xf32> to vector<4000x128xf32>
    %mul3A_68 = arith.mulf %max3A_63, %mul3A_67 : vector<4000x128xf32>
    %reduce_sum3A_69 = arith.constant dense<0.000000e+00> : vector<4000xf32>
    %reduce_sum3A_70 = vector.multi_reduction <add>, %mul3A_68, %reduce_sum3A_69 [1] : vector<4000x128xf32> to vector<4000xf32>
    %broadcast_in_dim3A_71 = vector.shape_cast %reduce_sum3A_70 : vector<4000xf32> to vector<4000x1xf32>
    %get3A_72 = arith.constant 0 : index
    %get3A_73 = arith.constant 0 : index
    %get3A_74 = vector.load %arg10[%get3A_72, %get3A_73] : memref<1x1xf32, #tpu.memory_space<vmem>>, vector<1x1xf32>
    %add3A_75 = vector.broadcast %get3A_74 : vector<1x1xf32> to vector<4000x1xf32>
    %add3A_76 = arith.addf %broadcast_in_dim3A_71, %add3A_75 : vector<4000x1xf32>
    %exp3A = math.exp %add3A_76 : vector<4000x1xf32>
    %add3A_77 = arith.constant 1.000000e+00 : f32
    %add3A_78 = vector.broadcast %add3A_77 : f32 to vector<4000x128xf32>
    %add3A_79 = arith.addf %mul3A_50, %add3A_78 : vector<4000x128xf32>
    %mul3A_80 = vector.broadcast %exp3A : vector<4000x1xf32> to vector<4000x128xf32>
    %mul3A_81 = arith.mulf %add3A_79, %mul3A_80 : vector<4000x128xf32>
    %swap3A = arith.constant 0 : index
    %swap3A_82 = arith.constant 0 : index
    %swap3A_83 = vector.load %arg11[%swap3A, %swap3A_82] : memref<4000x128xf32, #tpu.memory_space<vmem>>, vector<4000x128xf32>
    tpu.vector_store %arg11[%swap3A, %swap3A_82], %mul3A_81 {strides = array<i32>} : memref<4000x128xf32, #tpu.memory_space<vmem>>, vector<4000x128xf32>,
    %swap3A_84 = arith.constant 0 : index
    %swap3A_85 = arith.constant 0 : index
    %swap3A_86 = vector.load %arg12[%swap3A_84, %swap3A_85] : memref<4000x1xf32, #tpu.memory_space<vmem>>, vector<4000x1xf32>
    tpu.vector_store %arg12[%swap3A_84, %swap3A_85], %exp3A {strides = array<i32>} : memref<4000x1xf32, #tpu.memory_space<vmem>>, vector<4000x1xf32>,
    return
  }
  func.func @transform_0(%arg0: i32) -> (i32, i32) {
    %c0_i32 = arith.constant 0 : i32
    %c0_i32_0 = arith.constant 0 : i32
    return %arg0, %c0_i32 : i32, i32
  }
  func.func @transform_1(%arg0: i32) -> (i32, i32) {
    %c0_i32 = arith.constant 0 : i32
    %c0_i32_0 = arith.constant 0 : i32
    return %arg0, %c0_i32 : i32, i32
  }
  func.func @transform_2(%arg0: i32) -> (i32, i32) {
    %c0_i32 = arith.constant 0 : i32
    %c0_i32_0 = arith.constant 0 : i32
    %c0_i32_1 = arith.constant 0 : i32
    return %c0_i32, %c0_i32_0 : i32, i32
  }
  func.func @transform_3(%arg0: i32) -> (i32, i32) {
    %c0_i32 = arith.constant 0 : i32
    %c0_i32_0 = arith.constant 0 : i32
    %c0_i32_1 = arith.constant 0 : i32
    return %c0_i32, %c0_i32_0 : i32, i32
  }
  func.func @transform_4(%arg0: i32) -> (i32, i32) {
    %c0_i32 = arith.constant 0 : i32
    %c0_i32_0 = arith.constant 0 : i32
    %c0_i32_1 = arith.constant 0 : i32
    return %c0_i32, %c0_i32_0 : i32, i32
  }
  func.func @transform_5(%arg0: i32) -> (i32, i32) {
    %c0_i32 = arith.constant 0 : i32
    %c0_i32_0 = arith.constant 0 : i32
    %c0_i32_1 = arith.constant 0 : i32
    return %c0_i32, %c0_i32_0 : i32, i32
  }
  func.func @transform_6(%arg0: i32) -> (i32, i32) {
    %c0_i32 = arith.constant 0 : i32
    %c0_i32_0 = arith.constant 0 : i32
    %c0_i32_1 = arith.constant 0 : i32
    return %c0_i32, %c0_i32_0 : i32, i32
  }
  func.func @transform_7(%arg0: i32) -> (i32, i32) {
    %c0_i32 = arith.constant 0 : i32
    %c0_i32_0 = arith.constant 0 : i32
    %c0_i32_1 = arith.constant 0 : i32
    return %c0_i32, %c0_i32_0 : i32, i32
  }
  func.func @transform_8(%arg0: i32) -> (i32, i32) {
    %c0_i32 = arith.constant 0 : i32
    %c0_i32_0 = arith.constant 0 : i32
    %c0_i32_1 = arith.constant 0 : i32
    return %c0_i32, %c0_i32_0 : i32, i32
  }
  func.func @transform_9(%arg0: i32) -> (i32, i32) {
    %c0_i32 = arith.constant 0 : i32
    %c0_i32_0 = arith.constant 0 : i32
    %c0_i32_1 = arith.constant 0 : i32
    return %c0_i32, %c0_i32_0 : i32, i32
  }
  func.func @transform_10(%arg0: i32) -> (i32, i32) {
    %c0_i32 = arith.constant 0 : i32
    %c0_i32_0 = arith.constant 0 : i32
    return %arg0, %c0_i32 : i32, i32
  }
  func.func @transform_11(%arg0: i32) -> (i32, i32) {
    %c0_i32 = arith.constant 0 : i32
    %c0_i32_0 = arith.constant 0 : i32
    return %arg0, %c0_i32 : i32, i32
  }
}

module attributes {stable_mosaic.version = 14 : i64} {
  func.func @_tcc_body(%arg0: i32, %arg1: memref<1000x128xf32, #tpu.memory_space<vmem>>, %arg2: memref<1000x128xf32, #tpu.memory_space<vmem>>, %arg3: memref<1000x128xf32, #tpu.memory_space<vmem>>, %arg4: memref<128x128xf32, #tpu.memory_space<vmem>>, %arg5: memref<128x128xf32, #tpu.memory_space<vmem>>, %arg6: memref<1x128xf32, #tpu.memory_space<vmem>>, %arg7: memref<128x2xf32, #tpu.memory_space<vmem>>, %arg8: memref<1x2xf32, #tpu.memory_space<vmem>>, %arg9: memref<128x128xf32, #tpu.memory_space<vmem>>, %arg10: memref<128x128xf32, #tpu.memory_space<vmem>>, %arg11: memref<1x128xf32, #tpu.memory_space<vmem>>, %arg12: memref<128x128xf32, #tpu.memory_space<vmem>>, %arg13: memref<1x128xf32, #tpu.memory_space<vmem>>, %arg14: memref<1x2xf32, #tpu.memory_space<vmem>>, %arg15: memref<1x1xf32, #tpu.memory_space<vmem>>, %arg16: memref<1000x128xf32, #tpu.memory_space<vmem>>, %arg17: memref<1000x1xf32, #tpu.memory_space<vmem>>, %arg18: memref<1x2xf32, #tpu.memory_space<vmem>>, %arg19: memref<1x2xf32, #tpu.memory_space<vmem>>) attributes {dimension_semantics = [#tpu.dimension_semantics<arbitrary>], iteration_bounds = array<i64: 10>, scalar_prefetch = 0 : i64, scratch_operands = 0 : i64, tpu.core_type = #tpu.core_type<tc>, window_params = [{transform_indices = @transform_0, window_bounds = array<i64: 1000, 128>}, {transform_indices = @transform_1, window_bounds = array<i64: 1000, 128>}, {transform_indices = @transform_2, window_bounds = array<i64: 1000, 128>}, {pipeline_mode = #tpu.pipeline_mode<synchronous>, transform_indices = @transform_3, window_bounds = array<i64: 128, 128>}, {pipeline_mode = #tpu.pipeline_mode<synchronous>, transform_indices = @transform_4, window_bounds = array<i64: 128, 128>}, {pipeline_mode = #tpu.pipeline_mode<synchronous>, transform_indices = @transform_5, window_bounds = array<i64: 1, 128>}, {pipeline_mode = #tpu.pipeline_mode<synchronous>, transform_indices = @transform_6, window_bounds = array<i64: 128, 2>}, {pipeline_mode = #tpu.pipeline_mode<synchronous>, transform_indices = @transform_7, window_bounds = array<i64: 1, 2>}, {pipeline_mode = #tpu.pipeline_mode<synchronous>, transform_indices = @transform_8, window_bounds = array<i64: 128, 128>}, {pipeline_mode = #tpu.pipeline_mode<synchronous>, transform_indices = @transform_9, window_bounds = array<i64: 128, 128>}, {pipeline_mode = #tpu.pipeline_mode<synchronous>, transform_indices = @transform_10, window_bounds = array<i64: 1, 128>}, {pipeline_mode = #tpu.pipeline_mode<synchronous>, transform_indices = @transform_11, window_bounds = array<i64: 128, 128>}, {pipeline_mode = #tpu.pipeline_mode<synchronous>, transform_indices = @transform_12, window_bounds = array<i64: 1, 128>}, {pipeline_mode = #tpu.pipeline_mode<synchronous>, transform_indices = @transform_13, window_bounds = array<i64: 1, 2>}, {pipeline_mode = #tpu.pipeline_mode<synchronous>, transform_indices = @transform_14, window_bounds = array<i64: 1, 1>}, {transform_indices = @transform_15, window_bounds = array<i64: 1000, 128>}, {transform_indices = @transform_16, window_bounds = array<i64: 1000, 1>}, {pipeline_mode = #tpu.pipeline_mode<synchronous>, transform_indices = @transform_17, window_bounds = array<i64: 1, 2>}, {pipeline_mode = #tpu.pipeline_mode<synchronous>, transform_indices = @transform_18, window_bounds = array<i64: 1, 2>}]} {
    %get3A = arith.constant 0 : index
    %get3A_0 = arith.constant 0 : index
    %get3A_1 = vector.load %arg2[%get3A, %get3A_0] : memref<1000x128xf32, #tpu.memory_space<vmem>>, vector<1000x128xf32>
    %get3A_2 = arith.constant 0 : index
    %get3A_3 = arith.constant 0 : index
    %get3A_4 = vector.load %arg3[%get3A_2, %get3A_3] : memref<1000x128xf32, #tpu.memory_space<vmem>>, vector<1000x128xf32>
    %add3A = arith.addf %get3A_1, %get3A_4 : vector<1000x128xf32>
    %reduce_sum3A = arith.constant dense<0.000000e+00> : vector<1000xf32>
    %reduce_sum3A_5 = vector.multi_reduction <add>, %add3A, %reduce_sum3A [1] : vector<1000x128xf32> to vector<1000xf32>
    %broadcast_in_dim3A = vector.shape_cast %reduce_sum3A_5 : vector<1000xf32> to vector<1000x1xf32>
    %mul3A = arith.constant 7.812500e-03 : f32
    %mul3A_6 = vector.broadcast %mul3A : f32 to vector<1000x1xf32>
    %mul3A_7 = arith.mulf %broadcast_in_dim3A, %mul3A_6 : vector<1000x1xf32>
    %gt3A = arith.constant 0.000000e+00 : f32
    %gt3A_8 = vector.broadcast %gt3A : f32 to vector<1000x1xf32>
    %gt3A_9 = arith.cmpf ogt, %mul3A_7, %gt3A_8 : vector<1000x1xf32>
    %jit3A = arith.constant 1.000000e+00 : f32
    %broadcast_in_dim3A_10 = vector.broadcast %jit3A : f32 to vector<1000x1xf32>
    %select_n3A = arith.select %gt3A_9, %mul3A_7, %broadcast_in_dim3A_10 : vector<1000x1xi1>, vector<1000x1xf32>
    %sub3A = vector.broadcast %mul3A_7 : vector<1000x1xf32> to vector<1000x128xf32>
    %sub3A_11 = arith.subf %add3A, %sub3A : vector<1000x128xf32>
    %div3A = vector.broadcast %select_n3A : vector<1000x1xf32> to vector<1000x128xf32>
    %div3A_12 = arith.divf %sub3A_11, %div3A : vector<1000x128xf32>
    %get3A_13 = arith.constant 0 : index
    %get3A_14 = arith.constant 0 : index
    %get3A_15 = vector.load %arg1[%get3A_13, %get3A_14] : memref<1000x128xf32, #tpu.memory_space<vmem>>, vector<1000x128xf32>
    %get3A_16 = arith.constant 0 : index
    %get3A_17 = arith.constant 0 : index
    %get3A_18 = vector.load %arg4[%get3A_16, %get3A_17] : memref<128x128xf32, #tpu.memory_space<vmem>>, vector<128x128xf32>
    %dot_general3A = arith.constant dense<0.000000e+00> : vector<1000x128xf32>
    %dot_general3A_19 = tpu.matmul %get3A_15, %get3A_18, %dot_general3A {dimension_numbers = #tpu.dot_dimension_numbers<[1], [0], [0], [1], [0, 0, 1, 1], [], []>, transpose_lhs_hint = false} : vector<1000x128xf32>, vector<128x128xf32>, vector<1000x128xf32> -> vector<1000x128xf32>
    %get3A_20 = arith.constant 0 : index
    %get3A_21 = arith.constant 0 : index
    %get3A_22 = vector.load %arg5[%get3A_20, %get3A_21] : memref<128x128xf32, #tpu.memory_space<vmem>>, vector<128x128xf32>
    %dot_general3A_23 = arith.constant dense<0.000000e+00> : vector<1000x128xf32>
    %dot_general3A_24 = tpu.matmul %div3A_12, %get3A_22, %dot_general3A_23 {dimension_numbers = #tpu.dot_dimension_numbers<[1], [0], [0], [1], [0, 0, 1, 1], [], []>, transpose_lhs_hint = false} : vector<1000x128xf32>, vector<128x128xf32>, vector<1000x128xf32> -> vector<1000x128xf32>
    %add3A_25 = arith.addf %dot_general3A_19, %dot_general3A_24 : vector<1000x128xf32>
    %get3A_26 = arith.constant 0 : index
    %get3A_27 = arith.constant 0 : index
    %get3A_28 = vector.load %arg6[%get3A_26, %get3A_27] : memref<1x128xf32, #tpu.memory_space<vmem>>, vector<1x128xf32>
    %add3A_29 = vector.broadcast %get3A_28 : vector<1x128xf32> to vector<1000x128xf32>
    %add3A_30 = arith.addf %add3A_25, %add3A_29 : vector<1000x128xf32>
    %max3A = arith.constant 0.000000e+00 : f32
    %max3A_31 = vector.broadcast %max3A : f32 to vector<1000x128xf32>
    %max3A_32 = arith.maximumf %add3A_30, %max3A_31 : vector<1000x128xf32>
    %get3A_33 = arith.constant 0 : index
    %get3A_34 = arith.constant 0 : index
    %get3A_35 = vector.load %arg7[%get3A_33, %get3A_34] : memref<128x2xf32, #tpu.memory_space<vmem>>, vector<128x2xf32>
    %dot_general3A_36 = arith.constant dense<0.000000e+00> : vector<1000x2xf32>
    %dot_general3A_37 = tpu.matmul %max3A_32, %get3A_35, %dot_general3A_36 {dimension_numbers = #tpu.dot_dimension_numbers<[1], [0], [0], [1], [0, 0, 1, 1], [], []>, transpose_lhs_hint = false} : vector<1000x128xf32>, vector<128x2xf32>, vector<1000x2xf32> -> vector<1000x2xf32>
    %get3A_38 = arith.constant 0 : index
    %get3A_39 = arith.constant 0 : index
    %get3A_40 = vector.load %arg8[%get3A_38, %get3A_39] : memref<1x2xf32, #tpu.memory_space<vmem>>, vector<1x2xf32>
    %add3A_41 = vector.broadcast %get3A_40 : vector<1x2xf32> to vector<1000x2xf32>
    %add3A_42 = arith.addf %dot_general3A_37, %add3A_41 : vector<1000x2xf32>
    %reduce_sum3A_43 = arith.constant dense<0.000000e+00> : vector<2xf32>
    %reduce_sum3A_44 = vector.multi_reduction <add>, %add3A_42, %reduce_sum3A_43 [0] : vector<1000x2xf32> to vector<2xf32>
    %broadcast_in_dim3A_45 = vector.shape_cast %reduce_sum3A_44 : vector<2xf32> to vector<1x2xf32>
    %eq3A = arith.constant 0 : i32
    %eq3A_46 = arith.cmpi eq, %arg0, %eq3A : i32
    %convert_element_type3A = arith.extui %eq3A_46 : i1 to i32
    %cond3A = arith.constant 0 : i32
    %cond3A_47 = arith.cmpi ne, %convert_element_type3A, %cond3A : i32
    scf.if %cond3A_47 {
      %swap3A_117 = arith.constant 0 : index
      %swap3A_118 = arith.constant 0 : index
      %swap3A_119 = vector.load %arg18[%swap3A_117, %swap3A_118] : memref<1x2xf32, #tpu.memory_space<vmem>>, vector<1x2xf32>
      tpu.vector_store %arg18[%swap3A_117, %swap3A_118], %broadcast_in_dim3A_45 {strides = array<i32>} : memref<1x2xf32, #tpu.memory_space<vmem>>, vector<1x2xf32>,
    } else {
    }
    %gt3A_48 = arith.constant 0 : i32
    %gt3A_49 = arith.cmpi sgt, %arg0, %gt3A_48 : i32
    %convert_element_type3A_50 = arith.extui %gt3A_49 : i1 to i32
    %cond3A_51 = arith.constant 0 : i32
    %cond3A_52 = arith.cmpi ne, %convert_element_type3A_50, %cond3A_51 : i32
    scf.if %cond3A_52 {
      %get3A_117 = arith.constant 0 : index
      %get3A_118 = arith.constant 0 : index
      %get3A_119 = vector.load %arg18[%get3A_117, %get3A_118] : memref<1x2xf32, #tpu.memory_space<vmem>>, vector<1x2xf32>
      %add3A_120 = arith.addf %get3A_119, %broadcast_in_dim3A_45 : vector<1x2xf32>
      %swap3A_121 = arith.constant 0 : index
      %swap3A_122 = arith.constant 0 : index
      %swap3A_123 = vector.load %arg18[%swap3A_121, %swap3A_122] : memref<1x2xf32, #tpu.memory_space<vmem>>, vector<1x2xf32>
      tpu.vector_store %arg18[%swap3A_121, %swap3A_122], %add3A_120 {strides = array<i32>} : memref<1x2xf32, #tpu.memory_space<vmem>>, vector<1x2xf32>,
    } else {
    }
    %get3A_53 = arith.constant 0 : index
    %get3A_54 = arith.constant 0 : index
    %get3A_55 = vector.load %arg9[%get3A_53, %get3A_54] : memref<128x128xf32, #tpu.memory_space<vmem>>, vector<128x128xf32>
    %dot_general3A_56 = arith.constant dense<0.000000e+00> : vector<1000x128xf32>
    %dot_general3A_57 = tpu.matmul %get3A_15, %get3A_55, %dot_general3A_56 {dimension_numbers = #tpu.dot_dimension_numbers<[1], [0], [0], [1], [0, 0, 1, 1], [], []>, transpose_lhs_hint = false} : vector<1000x128xf32>, vector<128x128xf32>, vector<1000x128xf32> -> vector<1000x128xf32>
    %get3A_58 = arith.constant 0 : index
    %get3A_59 = arith.constant 0 : index
    %get3A_60 = vector.load %arg10[%get3A_58, %get3A_59] : memref<128x128xf32, #tpu.memory_space<vmem>>, vector<128x128xf32>
    %dot_general3A_61 = arith.constant dense<0.000000e+00> : vector<1000x128xf32>
    %dot_general3A_62 = tpu.matmul %div3A_12, %get3A_60, %dot_general3A_61 {dimension_numbers = #tpu.dot_dimension_numbers<[1], [0], [0], [1], [0, 0, 1, 1], [], []>, transpose_lhs_hint = false} : vector<1000x128xf32>, vector<128x128xf32>, vector<1000x128xf32> -> vector<1000x128xf32>
    %add3A_63 = arith.addf %dot_general3A_57, %dot_general3A_62 : vector<1000x128xf32>
    %get3A_64 = arith.constant 0 : index
    %get3A_65 = arith.constant 0 : index
    %get3A_66 = vector.load %arg11[%get3A_64, %get3A_65] : memref<1x128xf32, #tpu.memory_space<vmem>>, vector<1x128xf32>
    %add3A_67 = vector.broadcast %get3A_66 : vector<1x128xf32> to vector<1000x128xf32>
    %add3A_68 = arith.addf %add3A_63, %add3A_67 : vector<1000x128xf32>
    %max3A_69 = arith.constant 0.000000e+00 : f32
    %max3A_70 = vector.broadcast %max3A_69 : f32 to vector<1000x128xf32>
    %max3A_71 = arith.maximumf %add3A_68, %max3A_70 : vector<1000x128xf32>
    %get3A_72 = arith.constant 0 : index
    %get3A_73 = arith.constant 0 : index
    %get3A_74 = vector.load %arg12[%get3A_72, %get3A_73] : memref<128x128xf32, #tpu.memory_space<vmem>>, vector<128x128xf32>
    %dot_general3A_75 = arith.constant dense<0.000000e+00> : vector<1000x128xf32>
    %dot_general3A_76 = tpu.matmul %max3A_71, %get3A_74, %dot_general3A_75 {dimension_numbers = #tpu.dot_dimension_numbers<[1], [0], [0], [1], [0, 0, 1, 1], [], []>, transpose_lhs_hint = false} : vector<1000x128xf32>, vector<128x128xf32>, vector<1000x128xf32> -> vector<1000x128xf32>
    %get3A_77 = arith.constant 0 : index
    %get3A_78 = arith.constant 0 : index
    %get3A_79 = vector.load %arg13[%get3A_77, %get3A_78] : memref<1x128xf32, #tpu.memory_space<vmem>>, vector<1x128xf32>
    %add3A_80 = vector.broadcast %get3A_79 : vector<1x128xf32> to vector<1000x128xf32>
    %add3A_81 = arith.addf %dot_general3A_76, %add3A_80 : vector<1000x128xf32>
    %reduce_sum3A_82 = arith.constant dense<0.000000e+00> : vector<1000xf32>
    %reduce_sum3A_83 = vector.multi_reduction <add>, %add3A_81, %reduce_sum3A_82 [1] : vector<1000x128xf32> to vector<1000xf32>
    %broadcast_in_dim3A_84 = vector.shape_cast %reduce_sum3A_83 : vector<1000xf32> to vector<1000x1xf32>
    %div3A_85 = arith.constant 1.280000e+02 : f32
    %div3A_86 = vector.broadcast %div3A_85 : f32 to vector<1000x1xf32>
    %div3A_87 = arith.divf %broadcast_in_dim3A_84, %div3A_86 : vector<1000x1xf32>
    %sub3A_88 = vector.broadcast %div3A_87 : vector<1000x1xf32> to vector<1000x128xf32>
    %sub3A_89 = arith.subf %add3A_81, %sub3A_88 : vector<1000x128xf32>
    %sub3A_90 = vector.broadcast %div3A_87 : vector<1000x1xf32> to vector<1000x128xf32>
    %sub3A_91 = arith.subf %add3A_81, %sub3A_90 : vector<1000x128xf32>
    %mul3A_92 = arith.mulf %sub3A_89, %sub3A_91 : vector<1000x128xf32>
    %reduce_sum3A_93 = arith.constant dense<0.000000e+00> : vector<1000xf32>
    %reduce_sum3A_94 = vector.multi_reduction <add>, %mul3A_92, %reduce_sum3A_93 [1] : vector<1000x128xf32> to vector<1000xf32>
    %broadcast_in_dim3A_95 = vector.shape_cast %reduce_sum3A_94 : vector<1000xf32> to vector<1000x1xf32>
    %div3A_96 = arith.constant 1.280000e+02 : f32
    %div3A_97 = vector.broadcast %div3A_96 : f32 to vector<1000x1xf32>
    %div3A_98 = arith.divf %broadcast_in_dim3A_95, %div3A_97 : vector<1000x1xf32>
    %sub3A_99 = vector.broadcast %div3A_87 : vector<1000x1xf32> to vector<1000x128xf32>
    %sub3A_100 = arith.subf %add3A_81, %sub3A_99 : vector<1000x128xf32>
    %add3A_101 = arith.constant 9.99999974E-6 : f32
    %add3A_102 = vector.broadcast %add3A_101 : f32 to vector<1000x1xf32>
    %add3A_103 = arith.addf %div3A_98, %add3A_102 : vector<1000x1xf32>
    %rsqrt3A = math.rsqrt %add3A_103 : vector<1000x1xf32>
    %mul3A_104 = vector.broadcast %rsqrt3A : vector<1000x1xf32> to vector<1000x128xf32>
    %mul3A_105 = arith.mulf %sub3A_100, %mul3A_104 : vector<1000x128xf32>
    %add3A_106 = arith.addf %mul3A_105, %get3A_15 : vector<1000x128xf32>
    %swap3A = arith.constant 0 : index
    %swap3A_107 = arith.constant 0 : index
    %swap3A_108 = vector.load %arg16[%swap3A, %swap3A_107] : memref<1000x128xf32, #tpu.memory_space<vmem>>, vector<1000x128xf32>
    tpu.vector_store %arg16[%swap3A, %swap3A_107], %add3A_106 {strides = array<i32>} : memref<1000x128xf32, #tpu.memory_space<vmem>>, vector<1000x128xf32>,
    %swap3A_109 = arith.constant 0 : index
    %swap3A_110 = arith.constant 0 : index
    %swap3A_111 = vector.load %arg17[%swap3A_109, %swap3A_110] : memref<1000x1xf32, #tpu.memory_space<vmem>>, vector<1000x1xf32>
    tpu.vector_store %arg17[%swap3A_109, %swap3A_110], %mul3A_7 {strides = array<i32>} : memref<1000x1xf32, #tpu.memory_space<vmem>>, vector<1000x1xf32>,
    %eq3A_112 = arith.constant 9 : i32
    %eq3A_113 = arith.cmpi eq, %arg0, %eq3A_112 : i32
    %convert_element_type3A_114 = arith.extui %eq3A_113 : i1 to i32
    %cond3A_115 = arith.constant 0 : i32
    %cond3A_116 = arith.cmpi ne, %convert_element_type3A_114, %cond3A_115 : i32
    scf.if %cond3A_116 {
      %get3A_117 = arith.constant 0 : index
      %get3A_118 = arith.constant 0 : index
      %get3A_119 = vector.load %arg18[%get3A_117, %get3A_118] : memref<1x2xf32, #tpu.memory_space<vmem>>, vector<1x2xf32>
      %mul3A_120 = arith.constant 9.99999974E-5 : f32
      %mul3A_121 = vector.broadcast %mul3A_120 : f32 to vector<1x2xf32>
      %mul3A_122 = arith.mulf %get3A_119, %mul3A_121 : vector<1x2xf32>
      %get3A_123 = arith.constant 0 : index
      %get3A_124 = arith.constant 0 : index
      %get3A_125 = vector.load %arg14[%get3A_123, %get3A_124] : memref<1x2xf32, #tpu.memory_space<vmem>>, vector<1x2xf32>
      %add3A_126 = arith.addf %mul3A_122, %get3A_125 : vector<1x2xf32>
      %get3A_127 = arith.constant 0 : index
      %get3A_128 = arith.constant 0 : index
      %get3A_129 = vector.load %arg15[%get3A_127, %get3A_128] : memref<1x1xf32, #tpu.memory_space<vmem>>, vector<1x1xf32>
      %mul3A_130 = vector.broadcast %get3A_129 : vector<1x1xf32> to vector<1x2xf32>
      %mul3A_131 = arith.mulf %add3A_126, %mul3A_130 : vector<1x2xf32>
      %reduce_max3A = arith.constant dense<0xFF800000> : vector<1xf32>
      %reduce_max3A_132 = vector.multi_reduction <maximumf>, %mul3A_131, %reduce_max3A [1] : vector<1x2xf32> to vector<1xf32>
      %broadcast_in_dim3A_133 = vector.shape_cast %reduce_max3A_132 : vector<1xf32> to vector<1x1xf32>
      %sub3A_134 = vector.broadcast %broadcast_in_dim3A_133 : vector<1x1xf32> to vector<1x2xf32>
      %sub3A_135 = arith.subf %mul3A_131, %sub3A_134 : vector<1x2xf32>
      %exp3A = math.exp %sub3A_135 : vector<1x2xf32>
      %reduce_sum3A_136 = arith.constant dense<0.000000e+00> : vector<1xf32>
      %reduce_sum3A_137 = vector.multi_reduction <add>, %exp3A, %reduce_sum3A_136 [1] : vector<1x2xf32> to vector<1xf32>
      %broadcast_in_dim3A_138 = vector.shape_cast %reduce_sum3A_137 : vector<1xf32> to vector<1x1xf32>
      %div3A_139 = vector.broadcast %broadcast_in_dim3A_138 : vector<1x1xf32> to vector<1x2xf32>
      %div3A_140 = arith.divf %exp3A, %div3A_139 : vector<1x2xf32>
      %argmax3A = tpu.reduce_index %div3A_140 {axis = 1 : i32, kind = #tpu.reduction_kind<arg_max>} : vector<1x2xf32> -> vector<1xi32>
      %broadcast_in_dim3A_141 = vector.shape_cast %argmax3A : vector<1xi32> to vector<1x1xi32>
      %iota3A = tpu.iota {dimensions = array<i32: 1>} : vector<1x2xi32>
      %eq3A_142 = vector.broadcast %broadcast_in_dim3A_141 : vector<1x1xi32> to vector<1x2xi32>
      %eq3A_143 = arith.cmpi eq, %iota3A, %eq3A_142 : vector<1x2xi32>
      %convert_element_type3A_144 = arith.extui %eq3A_143 : vector<1x2xi1> to vector<1x2xi32>
      %convert_element_type3A_145 = arith.sitofp %convert_element_type3A_144 : vector<1x2xi32> to vector<1x2xf32>
      %sub3A_146 = arith.subf %convert_element_type3A_145, %div3A_140 : vector<1x2xf32>
      %add3A_147 = arith.addf %sub3A_146, %div3A_140 : vector<1x2xf32>
      %swap3A_148 = arith.constant 0 : index
      %swap3A_149 = arith.constant 0 : index
      %swap3A_150 = vector.load %arg19[%swap3A_148, %swap3A_149] : memref<1x2xf32, #tpu.memory_space<vmem>>, vector<1x2xf32>
      tpu.vector_store %arg19[%swap3A_148, %swap3A_149], %add3A_147 {strides = array<i32>} : memref<1x2xf32, #tpu.memory_space<vmem>>, vector<1x2xf32>,
    } else {
    }
    return
  }
  func.func @transform_0(%arg0: i32) -> (i32, i32) {
    %c0_i32 = arith.constant 0 : i32
    %c0_i32_0 = arith.constant 0 : i32
    return %arg0, %c0_i32 : i32, i32
  }
  func.func @transform_1(%arg0: i32) -> (i32, i32) {
    %c0_i32 = arith.constant 0 : i32
    %c0_i32_0 = arith.constant 0 : i32
    return %arg0, %c0_i32 : i32, i32
  }
  func.func @transform_2(%arg0: i32) -> (i32, i32) {
    %add3A = arith.constant 10 : i32
    %add3A_0 = arith.addi %arg0, %add3A : i32
    %c0_i32 = arith.constant 0 : i32
    %c0_i32_1 = arith.constant 0 : i32
    return %add3A_0, %c0_i32 : i32, i32
  }
  func.func @transform_3(%arg0: i32) -> (i32, i32) {
    %c0_i32 = arith.constant 0 : i32
    %c0_i32_0 = arith.constant 0 : i32
    %c0_i32_1 = arith.constant 0 : i32
    return %c0_i32, %c0_i32_0 : i32, i32
  }
  func.func @transform_4(%arg0: i32) -> (i32, i32) {
    %c0_i32 = arith.constant 0 : i32
    %c0_i32_0 = arith.constant 0 : i32
    %c0_i32_1 = arith.constant 0 : i32
    return %c0_i32, %c0_i32_0 : i32, i32
  }
  func.func @transform_5(%arg0: i32) -> (i32, i32) {
    %c0_i32 = arith.constant 0 : i32
    %c0_i32_0 = arith.constant 0 : i32
    %c0_i32_1 = arith.constant 0 : i32
    return %c0_i32, %c0_i32_0 : i32, i32
  }
  func.func @transform_6(%arg0: i32) -> (i32, i32) {
    %c0_i32 = arith.constant 0 : i32
    %c0_i32_0 = arith.constant 0 : i32
    %c0_i32_1 = arith.constant 0 : i32
    return %c0_i32, %c0_i32_0 : i32, i32
  }
  func.func @transform_7(%arg0: i32) -> (i32, i32) {
    %c0_i32 = arith.constant 0 : i32
    %c0_i32_0 = arith.constant 0 : i32
    %c0_i32_1 = arith.constant 0 : i32
    return %c0_i32, %c0_i32_0 : i32, i32
  }
  func.func @transform_8(%arg0: i32) -> (i32, i32) {
    %c0_i32 = arith.constant 0 : i32
    %c0_i32_0 = arith.constant 0 : i32
    %c0_i32_1 = arith.constant 0 : i32
    return %c0_i32, %c0_i32_0 : i32, i32
  }
  func.func @transform_9(%arg0: i32) -> (i32, i32) {
    %c0_i32 = arith.constant 0 : i32
    %c0_i32_0 = arith.constant 0 : i32
    %c0_i32_1 = arith.constant 0 : i32
    return %c0_i32, %c0_i32_0 : i32, i32
  }
  func.func @transform_10(%arg0: i32) -> (i32, i32) {
    %c0_i32 = arith.constant 0 : i32
    %c0_i32_0 = arith.constant 0 : i32
    %c0_i32_1 = arith.constant 0 : i32
    return %c0_i32, %c0_i32_0 : i32, i32
  }
  func.func @transform_11(%arg0: i32) -> (i32, i32) {
    %c0_i32 = arith.constant 0 : i32
    %c0_i32_0 = arith.constant 0 : i32
    %c0_i32_1 = arith.constant 0 : i32
    return %c0_i32, %c0_i32_0 : i32, i32
  }
  func.func @transform_12(%arg0: i32) -> (i32, i32) {
    %c0_i32 = arith.constant 0 : i32
    %c0_i32_0 = arith.constant 0 : i32
    %c0_i32_1 = arith.constant 0 : i32
    return %c0_i32, %c0_i32_0 : i32, i32
  }
  func.func @transform_13(%arg0: i32) -> (i32, i32) {
    %c0_i32 = arith.constant 0 : i32
    %c0_i32_0 = arith.constant 0 : i32
    %c0_i32_1 = arith.constant 0 : i32
    return %c0_i32, %c0_i32_0 : i32, i32
  }
  func.func @transform_14(%arg0: i32) -> (i32, i32) {
    %c0_i32 = arith.constant 0 : i32
    %c0_i32_0 = arith.constant 0 : i32
    %c0_i32_1 = arith.constant 0 : i32
    return %c0_i32, %c0_i32_0 : i32, i32
  }
  func.func @transform_15(%arg0: i32) -> (i32, i32) {
    %c0_i32 = arith.constant 0 : i32
    %c0_i32_0 = arith.constant 0 : i32
    return %arg0, %c0_i32 : i32, i32
  }
  func.func @transform_16(%arg0: i32) -> (i32, i32) {
    %c0_i32 = arith.constant 0 : i32
    %c0_i32_0 = arith.constant 0 : i32
    return %arg0, %c0_i32 : i32, i32
  }
  func.func @transform_17(%arg0: i32) -> (i32, i32) {
    %c0_i32 = arith.constant 0 : i32
    %c0_i32_0 = arith.constant 0 : i32
    %c0_i32_1 = arith.constant 0 : i32
    return %c0_i32, %c0_i32_0 : i32, i32
  }
  func.func @transform_18(%arg0: i32) -> (i32, i32) {
    %c0_i32 = arith.constant 0 : i32
    %c0_i32_0 = arith.constant 0 : i32
    %c0_i32_1 = arith.constant 0 : i32
    return %c0_i32, %c0_i32_0 : i32, i32
  }
}

</mosaic_0001>

<sc_bundles>
// kernel: kernel.11.cloned.1.call-start
scs
__scs_entry_jumppad:
0x0: {  	(pc) =	sbr.rel $0x88, $3  }
0x1: {  	(tag) =	ssettag $0x0;
	lr =	simm.s32 $0x1  }
0x2: {  	[smem:$0x3F8D] =	sst lr;
	_ =	strace $0xD0000000  }
0x3: {  	_ = 	snop  }
0x4: {  	_ = 	snop  }
0x5: {  	_ = 	snop  }
0x6: {  	_ = 	snop  }
0x7: {  	_ = 	snop  }
__scs_overlays_trampoline_lowered:
0x8: {  	[smem:$0x3F9C] =	sst s0  }
0x9: {  	[smem:$0x3F9D] =	sst s1  }
0xa: {  	[smem:$0x3F9E] =	sst s2  }
0xb: {  	[smem:$0x3F9F] =	sst s3  }
0xc: {  	[smem:$0x3FA0] =	sst s4  }
0xd: {  	[smem:$0x3FA1] =	sst s5  }
0xe: {  	[smem:$0x3FA2] =	sst s6  }
0xf: {  	[smem:$0x3FA3] =	sst s7  }
0x10: {  	[smem:$0x3FA4] =	sst s8  }
0x11: {  	[smem:$0x3FA5] =	sst s9;
	s0 =	simm.s32 @!p0 $0x0  }
0x12: {  	s1 =	sld [smem:$0x3F8B];
	s0 =	simm.s32 @p0 $0x1  }
0x13: {  	[smem:$0x3FA6] =	sst s0;
	s0 =	simm.s32 @!p1 $0x0  }
0x14: {  	s2 =	sld [smem:$0x3F8A];
	s0 =	simm.s32 @p1 $0x1  }
0x15: {  	[smem:$0x3FA7] =	sst s0;
	s0 =	simm.s32 @!p2 $0x0  }
0x16: {  	s3 =	sld [smem:$0x3FDB];
	s0 =	simm.s32 @p2 $0x1  }
0x17: {  	s4 =	simm.s32 $0x1BF5;
	[smem:$0x3FA9] =	sst s0  }
0x18: {  	s0 =	sld [smem:$0x3F8C];
	_ =	swait.ge [sflag:s4], $0x0  }
0x19: {  	s7 =	sld [smem:$0x3F8D]  }
0x1a: {  	s8 =	sadd.s32 $0xFFFFE003, lr  }
0x1b: {  	s9 =	sadd.s32 $0xFFFFFEF7, lr;
	s5 =	simm.s32 $0xFFFFFFFF;
	p2 =	slt.u32 s8, $0xFFFFF086  }
0x1c: {  	p1 =	slt.u32 s9, $0xF7A;
	s5 =	simm.s32 @!p2 $0x0  }
0x1d: {  	s5 =	simm.s32 @p1 $0x1;
	p0 =	seq.s32 s7, s2  }
0x1e: {  	s7 =	smul.u32 @!p0 $0xF7A, s2;
	p2 =	seq.s32 @!p0 s5, $0x0  }
0x1f: {  	s9 =	smul.u32 $0xF7A, s1;
	s8 =	simm.s32 @!p0 $0x1BF5;
	p2 =	por !p2, p0  }
0x20: {  	[sflag:s8] =	ssyncset.s32 @!p0 $0xFFFFF086;
	s6 =	sadd.s32 @!p0 s3, s7;
	s7 =	simm.s32 @!p0 $0x108  }
0x21: {  	s3 =	sadd.s32 s3, s9;
	s6 =	sadd.s32 @!p0 $0x88, s6;
	s7 =	simm.s32 @p2 $0x1082  }
0x22: {  	[simem:s7], [sflag:s8] =	dma.local @!p0 [hbm:s6], $0xF7A  }
0x23: {  	s9 =	sor.u32 $0xD0000000, s2;
	s6 =	simm.s32 $0x108;
	_ =	swait.ge @!p0 [sflag:s8], $0x0  }
0x24: {  	s3 =	sadd.s32 $0x88, s3;
	s6 =	simm.s32 @!p1 $0x1082;
	[sflag:s4] =	ssyncset.s32 $0xFFFFF086  }
0x25: {  	[simem:s6], [sflag:s4] =	dma.local [hbm:s3], $0xF7A  }
0x26: {  	[smem:$0x3F8D] =	sst s1;
	(tag) =	ssettag s2;
	_ =	strace s9  }
0x27: {  	s1 =	sld [smem:$0x3F9D]  }
0x28: {  	s2 =	sld [smem:$0x3F9E]  }
0x29: {  	s4 =	sld [smem:$0x3FA0]  }
0x2a: {  	p0 =	seq.s32 s5, $0x0;
	s5 =	sld [smem:$0x3FA1]  }
0x2b: {  	s6 =	sld [smem:$0x3FA2]  }
0x2c: {  	s7 =	sld [smem:$0x3FA3]  }
0x2d: {  	s3 =	simm.s32 $0x108;
	s8 =	sld [smem:$0x3FA4]  }
0x2e: {  	s3 =	simm.s32 @!p0 $0x1082;
	s9 =	sld [smem:$0x3FA5]  }
0x2f: {  	lr =	sadd.s32 s0, s3;
	s0 =	sld [smem:$0x3F9C]  }
0x30: {  	s3 =	sld [smem:$0x3F9F]  }
0x31: {  	[smem:$0x3FA8] =	sst s10  }
0x32: {  	s10 =	sld [smem:$0x3FA6];
	_ =	sdelay $0x3  }
0x33: {  	p0 =	seq.s32 s10, $0x1;
	s10 =	sld [smem:$0x3FA8];
	_ =	sdelay $0x3  }
0x34: {  	[smem:$0x3FA8] =	sst s10  }
0x35: {  	s10 =	sld [smem:$0x3FA7];
	_ =	sdelay $0x3  }
0x36: {  	p1 =	seq.s32 s10, $0x1;
	s10 =	sld [smem:$0x3FA8];
	_ =	sdelay $0x3  }
0x37: {  	[smem:$0x3FA8] =	sst s10  }
0x38: {  	s10 =	sld [smem:$0x3FA9]  }
0x39: {  	_ = 	snop;
	(pc) =	sbr.ind lr, $3  }
0x3a: {  	_ = 	snop  }
0x3b: {  	_ = 	snop  }
0x3c: {  	p2 =	seq.s32 s10, $0x1;
	s10 =	sld [smem:$0x3FA8]  }
0x3d: {  	_ =	shalt  }
0x3e: {  	_ =	shalt  }
0x3f: {  	_ =	shalt  }
0x40: {  	_ =	shalt  }
0x41: {  	_ =	shalt  }
0x42: {  	_ =	shalt  }
0x43: {  	_ =	shalt  }
0x44: {  	_ =	shalt  }
0x45: {  	_ =	shalt  }
0x46: {  	_ =	shalt  }
0x47: {  	_ =	shalt  }
0x48: {  	_ =	shalt  }
0x49: {  	_ =	shalt  }
0x4a: {  	_ =	shalt  }
0x4b: {  	_ =	shalt  }
0x4c: {  	_ =	shalt  }
0x4d: {  	_ =	shalt  }
0x4e: {  	_ =	shalt  }
0x4f: {  	_ =	shalt  }
0x50: {  	_ =	shalt  }
0x51: {  	_ =	shalt  }
0x52: {  	_ =	shalt  }
0x53: {  	_ =	shalt  }
0x54: {  	_ =	shalt  }
0x55: {  	_ =	shalt  }
0x56: {  	_ =	shalt  }
0x57: {  	_ =	shalt  }
0x58: {  	_ =	shalt  }
0x59: {  	_ =	shalt  }
0x5a: {  	_ =	shalt  }
0x5b: {  	_ =	shalt  }
0x5c: {  	_ =	shalt  }
0x5d: {  	_ =	shalt  }
0x5e: {  	_ =	shalt  }
0x5f: {  	_ =	shalt  }
0x60: {  	_ =	shalt  }
0x61: {  	_ =	shalt  }
0x62: {  	_ =	shalt  }
0x63: {  	_ =	shalt  }
0x64: {  	_ =	shalt  }
0x65: {  	_ =	shalt  }
0x66: {  	_ =	shalt  }
0x67: {  	_ =	shalt  }
0x68: {  	_ =	shalt  }
0x69: {  	_ =	shalt  }
0x6a: {  	_ =	shalt  }
0x6b: {  	_ =	shalt  }
0x6c: {  	_ =	shalt  }
0x6d: {  	_ =	shalt  }
0x6e: {  	_ =	shalt  }
0x6f: {  	_ =	shalt  }
0x70: {  	_ =	shalt  }
0x71: {  	_ =	shalt  }
0x72: {  	_ =	shalt  }
0x73: {  	_ =	shalt  }
0x74: {  	_ =	shalt  }
0x75: {  	_ =	shalt  }
0x76: {  	_ =	shalt  }
0x77: {  	_ =	shalt  }
0x78: {  	_ =	shalt  }
0x79: {  	_ =	shalt  }
0x7a: {  	_ =	shalt  }
0x7b: {  	_ =	shalt  }
0x7c: {  	_ =	shalt  }
0x7d: {  	_ =	shalt  }
0x7e: {  	_ =	shalt  }
0x7f: {  	_ =	shalt  }
0x80: {  	_ =	shalt  }
0x81: {  	_ =	shalt  }
0x82: {  	_ =	shalt  }
0x83: {  	_ =	shalt  }
0x84: {  	_ =	shalt  }
0x85: {  	_ =	shalt  }
0x86: {  	_ =	shalt  }
0x87: {  	_ =	shalt  }
.Lfunc_end0:
.L_simem_size_0:
called_computation.1_lowered:
.L_overlay_start_0:
0x88: {  	s2 =	sld [smem:$0x3FD9]  }
0x89: {  	s3 =	sld [smem:$0x3FFE];
	_ =	sdelay $0x1  }
0x8a: {  	s1 =	srdreg.scid  }
0x8b: {  	s0 =	sand.u32 $0x1, s1  }
0x8c: {  	s16 =	sshll.u32 s0, $0xA;
	s2 =	sadd.s32 s3, s2  }
0x8d: {  	s2 =	sadd.s32 s2, s16  }
0x8e: {  	[smem:$0x3FB4] =	sst s2  }
0x8f: {  	_ = 	snop  }
0x90: {  	(tm) =	ssettm $0x1  }
0x91: {  	s17 =	sld [smem:$0x3FFB];
	_ =	sdelay $0x3  }
0x92: {  	_ =	strace s17  }
0x93: {  	s2 =	sld [smem:$0x3FFC];
	_ =	sdelay $0x3  }
0x94: {  	_ =	strace s2  }
0x95: {  	s2 =	sld [smem:$0x3FFD];
	_ =	sdelay $0x3  }
0x96: {  	_ =	strace s2  }
0x97: {  	_ =	strace $0x8FFFFFFF  }
0x98: {  	s18 =	sld [smem:$0x3FDB];
	_ =	sdelay $0x1  }
0x99: {  	s19 =	simm.s32 $_scs_section_size  }
0x9a: {  	s4 =	simm.s32 $_size__tile_overlayer_lowered;
	s5 =	simm.s32 $_tile_overlayer_lowered  }
0x9b: {  	s22 =	simm.s32 $0x1BFF;
	s21 =	sshll.u32 s5, $0x1;
	s2 =	sadd.s32 s19, s18  }
0x9c: {  	s6 =	simm.s32 $0x0;
	s20 =	sshll.u32 s4, $0x1;
	s4 =	sadd.s32 s21, s2  }
0x9d: {  	[timem:s6], [sflag:s22] =	dma.local [hbm:s4], s20  }
0x9e: {  	_ =	swait.ge [sflag:s22], s20  }
0x9f: {  	s3 =	ssub.s32 $0x0, s20;
	[sflag:s22] =	ssyncset.done $0x0  }
0xa0: {  	[sflag:s22] =	ssyncadd.s32 s3;
	_ =	sdelay $0x1  }
0xa1: {  	s23 =	simm.s32 $0x1B8B  }
0xa2: {  	_ =	swait.ge [sflag:s23], $0x1  }
0xa3: {  	[sflag:s23] =	ssyncset.done $0x0  }
0xa4: {  	s25 =	simm.s32 $0x1B8E;
	s24 =	sld [smem:$0x3FFE];
	[sflag:s23] =	ssyncadd.s32 $0xFFFFFFFF  }
0xa5: {  	s26 =	simm.s32 $execute0_lowered;
	[smem:$0x3FD2] =	sst s25  }
0xa6: {  	s4 =	sshll.u32 s26, $0x1;
	_ =	strace $0x80000049;
	[dreg:$0x1] =	wrdreg $0xFFFFFFFF  }
0xa7: {  	s28 =	simm.s32 $_size_execute0_lowered;
	s2 =	sadd.s32 s2, s4;
	[dreg:$0x0] =	wrdreg $0x0  }
0xa8: {  	s4 =	sshll.u32 s28, $0x1;
	[dreg:$0x2] =	wrdreg s2  }
0xa9: {  	[dreg:$0x3] =	wrdreg s4  }
0xaa: {  	[dreg:$0x4] =	wrdreg $0xC0  }
0xab: {  	_ =	task [dreg:s6], $0x5FFFF  }
0xac: {  	[dreg:$0x1] =	wrdreg $0xFFFFFFFF  }
0xad: {  	[dreg:$0x0] =	wrdreg $0x60  }
0xae: {  	[dreg:$0x2] =	wrdreg s24  }
0xaf: {  	[dreg:$0x3] =	wrdreg $0xB0000  }
0xb0: {  	[dreg:$0x4] =	wrdreg $0x9  }
0xb1: {  	_ =	task.clear_ibuf [dreg:s6], $0x5FFFF;
	_ =	strace $0x90000049  }
0xb2: {  	s29 =	simm.s32 $0x9;
	_ =	strace $0x8000004B  }
0xb3: {  	_ =	swait.ge [sflag:s29], $0x1  }
0xb4: {  	[sflag:s29] =	ssyncadd.s32 $0xFFFFFFFF  }
0xb5: {  	_ =	strace $0x9000004B  }
0xb6: {  	_ =	sfence  }
0xb7: {  	s30 =	sld [smem:$0x0];
	_ =	sdelay $0x2  }
0xb8: {  	s31 =	sshll.u32 s1, $0xD;
	s1 =	sshrl.u32 s1, $0x2  }
0xb9: {  	s3 =	sand.u32 $0x4000, s31;
	s1 =	sadd.s32 s1, s30  }
0xba: {  	s0 =	sor.u32 s3, s0;
	s1 =	sshll.u32 s1, $0x11  }
0xbb: {  	s0 =	sor.u32 s1, s0  }
0xbc: {  	s0 =	sadd.s32 $0x8F2B, s0  }
0xbd: {  	[sflag:s0] =	ssyncadd.remote.s32 $0x1  }
0xbe: {  	_ =	sfence.sel $0xFFFF  }
0xbf: {  	[dreg:$0x0] =	wrdreg $0xFFFFFFFF;
	(pc) =	sbr.abs _section_cstart, $3  }
0xc0: {  	[dreg:$0x1] =	wrdreg $0xFFFFFFFF  }
0xc1: {  	_ =	task.clear_ibuf [dreg:s6], $0x2FFFF;
	_ =	strace $0x9FFFFFFF  }
0xc2: {  	(tm) =	ssettm $0x7FFFFFFF  }
0xc3: {  	_ =	shalt  }
tec
execute0_lowered:
.L_overlay_start_1:
0x0: {  	(tag) =	ssettag $0x1  }
0x1: {  	s4 =	rddreg [dreg:$0x0]  }
0x2: {  	s2 =	rddreg [dreg:$0x1]  }
0x3: {  	s0 =	rddreg [dreg:$0x2]  }
0x4: {  	s5 =	srdreg.scid;
	s1 =	stileid.u32  }
0x5: {  	s3 =	simm.s32 $0x0;
	s14 =	simm.s32 $0x9400;
	s15 =	simm.s32 $0x1  }
0x6: {  	s16 =	simm.s32 $0x28;
	s17 =	simm.s32 $0x2;
	s18 =	simm.s32 $0x7C00  }
0x7: {  	s19 =	simm.s32 $0x7C80;
	s20 =	simm.s32 $0x0;
	s8 =	smul.u32 $0x2700, s1  }
0x8: {  	s5 =	sand.u32 $0x1, s5;
	s6 =	sshll.u32 s1, $0x1;
	s11 =	smul.u32 $0x4E000, s1  }
0x9: {  	[smem:$0x7FF] =	sst s3;
	s10 =	sadd.s32 $0xF24800, s4;
	s30 =	smul.u32 $0x4E200, s1  }
0xa: {  	s6 =	sor.u32 s5, s6;
	s9 =	smul.u32 $0x27100, s5;
	_ =	strace $0x8000004A  }
0xb: {  	s5 =	ssub.s32 $0x2, s5;
	s7 =	sshll.u32 s6, $0xC;
	s12 =	smul.u32 $0x27100, s6  }
0xc: {  	s28 =	sshrl.u32 s5, $0x1;
	s6 =	smul.u32 $0x138800, s6;
	s29 =	sshrl.u32 s11, $0x2  }
0xd: {  	s11 =	simm.s32 $0xA800;
	s7 =	sadd.s32 s7, s4;
	s8 =	sadd.s32 s8, s9  }
0xe: {  	s13 =	ssub.s32 s5, s28;
	s8 =	sadd.s32 s8, s4;
	s4 =	sadd.s32 s29, s2  }
0xf: {  	s5 =	sadd.s32 $0xD800, s7;
	s31 =	sshrl.u32 s6, $0x3;
	s6 =	sadd.s32 s10, s12  }
0x10: {  	s12 =	simm.s32 $0x3;
	s7 =	sadd.s32 s10, s31;
	s10 =	sadd.s32 s30, s10  }
0x11: {  	s8 =	sadd.s32 $0x2D800, s8;
	s7 =	sadd.s32 $0x280, s7;
	s10 =	sadd.s32 s9, s10  }
0x12: {  	v0 =	vimm.f32 $0.0e+00;
	s9 =	smax.u32 s13, $0x1;
	s13 =	simm.s32 $0x8000;
	s10 =	sadd.s32 $0x780, s10  }
.LBB2_1:
0x13: {  	s21 =	simm.s32 $0x0;
	s22 =	simm.s32 $0x200  }
.LBB2_2:
0x14: {  	p0 =	sne.s32 s22, $0x1E00;
	[tilespmem:s21+$0xA870] =	vst v0  }
0x15: {  	[tilespmem:s21+$0xA800] =	vst v0  }
0x16: {  	[tilespmem:s21+$0xA810] =	vst v0  }
.Ltmp0:
0x17: {  	[tilespmem:s21+$0xA820] =	vst v0;
	(pc) =	sbr.rel @p0 .LBB2_2-.Ltmp0, $4  }
0x18: {  	[tilespmem:s21+$0xA830] =	vst v0  }
0x19: {  	[tilespmem:s21+$0xA840] =	vst v0  }
0x1a: {  	[tilespmem:s21+$0xA850] =	vst v0  }
0x1b: {  	[tilespmem:s21+$0xA860] =	vst v0;
	s21 =	sshra.s32 s22, $0x2;
	s22 =	sadd.s32 $0x200, s22  }
0x1c: {  	[tilespmem:s21+$0xA870] =	vst v0  }
0x1d: {  	[tilespmem:s21+$0xA800] =	vst v0  }
0x1e: {  	[tilespmem:s21+$0xA810] =	vst v0  }
0x1f: {  	[tilespmem:s21+$0xA820] =	vst v0  }
0x20: {  	[tilespmem:s21+$0xA830] =	vst v0  }
0x21: {  	[tilespmem:s21+$0xA840] =	vst v0  }
0x22: {  	[tilespmem:s21+$0xA850] =	vst v0  }
0x23: {  	[tilespmem:s21+$0xA860] =	vst v0;
	s31 =	sadd.s32 $0x0, s4  }
0x24: {  	[spmem:s31] =	stream.linear.scatter [tilespmem:s11], [sflag:$0x3], $0x800, $0x38;
	[tilespmem:$0x1E880] =	vst v63  }
0x25: {  	s21 =	simm.s32 $0x2000;
	_ =	swait.ge [sflag:s12], $0x800  }
.LBB2_4:
0x26: {  	s22 =	sshra.s32 s21, $0x2;
	[sflag:s12] =	ssyncset.done $0x0;
	p0 =	sne.s32 s21, $0x4E000  }
.Ltmp1:
0x27: {  	s22 =	sadd.s32 s22, s4;
	[sflag:s12] =	ssyncadd.s32 $0xFFFFF800;
	(pc) =	sbr.rel @p0 .LBB2_4-.Ltmp1, $3  }
0x28: {  	[spmem:s22] =	stream.linear.scatter [tilespmem:s11], [sflag:$0x3], $0x800, $0x38;
	[tilespmem:$0x1E880] =	vst v63  }
0x29: {  	s21 =	sadd.s32 $0x2000, s21;
	_ =	sdelay $0x1  }
0x2a: {  	_ =	swait.ge [sflag:s12], $0x800  }
0x2b: {  	[sflag:s12] =	ssyncset.done $0x0  }
0x2c: {  	[sflag:s12] =	ssyncadd.s32 $0xFFFFF800  }
0x2d: {  	s21 =	simm.s32 $0x0;
	[bflag:$0x0] =	sbarrier.arrive $0xFFFF  }
0x2e: {  	[tilespmem:s21], [sflag:$0x3] =	stream.linear.gather [hbm4b:s5+s21], $0x7D00, $0x38;
	[tilespmem:$0x1E880] =	vst v63  }
0x2f: {  	_ =	swait.ge [sflag:s12], $0x7D00  }
0x30: {  	[sflag:s12] =	ssyncset.done $0x0  }
0x31: {  	[sflag:s12] =	ssyncadd.s32 $0xFFFF8300  }
0x32: {  	[tilespmem:s13], [sflag:$0x1] =	stream.linear.gather [hbm4b:s6+s21], $0x1400, $0x38;
	[tilespmem:$0x1E880] =	vst v63  }
0x33: {  	_ = 	snop  }
0x34: {  	[tilespmem:s14], [sflag:$0x2] =	stream.linear.gather [hbm4b:s7+s21], $0x1400, $0x38;
	[tilespmem:$0x1E880] =	vst v63  }
0x35: {  	_ =	swait.ge [sflag:s15], $0x1400  }
0x36: {  	[sflag:s15] =	ssyncset.done $0x0  }
0x37: {  	s29 =	simm.s32 $0x0;
	[sflag:s15] =	ssyncadd.s32 $0xFFFFEC00  }
0x38: {  	[spmem:s2] =	stream.indirect.scatter.add.f32 [tilespmem:s13], [sflag:$0x3], $0x80, s29, s16, $0xb8;
	[tilespmem:$0x1E880] =	vst v63  }
0x39: {  	_ =	swait.ge [sflag:s12], $0x1400  }
0x3a: {  	[sflag:s12] =	ssyncset.done $0x0  }
0x3b: {  	s30 =	sadd.s32 $0xFFFFFD80, s10;
	[sflag:s12] =	ssyncadd.s32 $0xFFFFEC00  }
0x3c: {  	[tilespmem:s13], [sflag:$0x1] =	stream.linear.gather [hbm4b:s30+s3], $0x1400, $0x38;
	[tilespmem:$0x1E880] =	vst v63  }
0x3d: {  	_ =	swait.ge [sflag:s17], $0x1400  }
0x3e: {  	[sflag:s17] =	ssyncset.done $0x0  }
0x3f: {  	s31 =	simm.s32 $0x80;
	[sflag:s17] =	ssyncadd.s32 $0xFFFFEC00  }
0x40: {  	[spmem:s2] =	stream.indirect.scatter.add.f32 [tilespmem:s14], [sflag:$0x3], $0x80, s31, s16, $0xb8;
	[tilespmem:$0x1E880] =	vst v63  }
0x41: {  	_ =	swait.ge [sflag:s12], $0x1400  }
0x42: {  	s22 =	sadd.s32 $0x500, s10;
	[sflag:s12] =	ssyncset.done $0x0  }
0x43: {  	s23 =	smov.u32 s10;
	s21 =	simm.s32 $0x400;
	[sflag:s12] =	ssyncadd.s32 $0xFFFFEC00  }
.LBB2_6:
0x44: {  	[tilespmem:s14], [sflag:$0x2] =	stream.linear.gather [hbm4b:s23+s3], $0x1400, $0x38;
	[tilespmem:$0x1E880] =	vst v63  }
0x45: {  	s24 =	smov.u32 s21;
	s23 =	smov.u32 s22  }
0x46: {  	p0 =	sne.s32 s21, $0x1EC00;
	s21 =	sadd.s32 $0x400, s21;
	_ =	swait.ge [sflag:s15], $0x1400  }
0x47: {  	[sflag:s15] =	ssyncset.done $0x0  }
0x48: {  	s24 =	sshra.s32 s24, $0x2;
	[sflag:s15] =	ssyncadd.s32 $0xFFFFEC00  }
0x49: {  	[spmem:s2] =	stream.indirect.scatter.add.f32 [tilespmem:s13], [sflag:$0x3], $0x80, s24, s16, $0xb8;
	[tilespmem:$0x1E880] =	vst v63  }
0x4a: {  	_ =	swait.ge [sflag:s12], $0x1400  }
0x4b: {  	[sflag:s12] =	ssyncset.done $0x0  }
0x4c: {  	s25 =	sadd.s32 $0xFFFFFD80, s22;
	[sflag:s12] =	ssyncadd.s32 $0xFFFFEC00  }
0x4d: {  	[tilespmem:s13], [sflag:$0x1] =	stream.linear.gather [hbm4b:s25+s3], $0x1400, $0x38;
	[tilespmem:$0x1E880] =	vst v63  }
0x4e: {  	_ =	swait.ge [sflag:s17], $0x1400  }
0x4f: {  	[sflag:s17] =	ssyncset.done $0x0  }
.Ltmp2:
0x50: {  	s24 =	sadd.s32 $0x80, s24;
	[sflag:s17] =	ssyncadd.s32 $0xFFFFEC00;
	(pc) =	sbr.rel @p0 .LBB2_6-.Ltmp2, $4  }
0x51: {  	[spmem:s2] =	stream.indirect.scatter.add.f32 [tilespmem:s14], [sflag:$0x3], $0x80, s24, s16, $0xb8;
	[tilespmem:$0x1E880] =	vst v63  }
0x52: {  	_ =	swait.ge [sflag:s12], $0x1400  }
0x53: {  	[sflag:s12] =	ssyncset.done $0x0  }
0x54: {  	s22 =	sadd.s32 $0x500, s22;
	[sflag:s12] =	ssyncadd.s32 $0xFFFFEC00  }
0x55: {  	[tilespmem:s14], [sflag:$0x2] =	stream.linear.gather [hbm4b:s23+s3], $0x1400, $0x38;
	[tilespmem:$0x1E880] =	vst v63  }
0x56: {  	_ =	swait.ge [sflag:s15], $0x1400  }
0x57: {  	[sflag:s15] =	ssyncset.done $0x0  }
0x58: {  	[sflag:s15] =	ssyncadd.s32 $0xFFFFEC00  }
0x59: {  	[spmem:s2] =	stream.indirect.scatter.add.f32 [tilespmem:s13], [sflag:$0x3], $0x80, s18, s16, $0xb8;
	[tilespmem:$0x1E880] =	vst v63  }
0x5a: {  	_ =	swait.ge [sflag:s12], $0x1400  }
0x5b: {  	[sflag:s12] =	ssyncset.done $0x0  }
0x5c: {  	[sflag:s12] =	ssyncadd.s32 $0xFFFFEC00  }
0x5d: {  	_ =	swait.ge [sflag:s17], $0x1400  }
0x5e: {  	[sflag:s17] =	ssyncset.done $0x0  }
0x5f: {  	[sflag:s17] =	ssyncadd.s32 $0xFFFFEC00  }
0x60: {  	[spmem:s2] =	stream.indirect.scatter.add.f32 [tilespmem:s14], [sflag:$0x3], $0x80, s19, s16, $0xb8;
	[tilespmem:$0x1E880] =	vst v63  }
0x61: {  	_ =	swait.ge [sflag:s12], $0x1400  }
0x62: {  	s21 =	sshll.u32 s1, $0x6;
	s20 =	sadd.s32 $0x1, s20;
	[sflag:s12] =	ssyncset.done $0x0  }
0x63: {  	s22 =	sshrl.u32 s4, $0x3;
	p0 =	sne.s32 s20, s9;
	[sflag:s12] =	ssyncadd.s32 $0xFFFFEC00  }
.Ltmp3:
0x64: {  	s21 =	sor.u32 $0x1C03, s21;
	[bflag:$0x0] =	sbarrier.arrive $0xFFFF;
	(pc) =	sbr.rel @p0 .LBB2_1-.Ltmp3, $4  }
0x65: {  	[hbm:s8], [sflag:s21] =	dma.local [spmem:s22], $0x2800  }
0x66: {  	_ =	swait.ge [sflag:s12], $0x2800  }
0x67: {  	[sflag:s12] =	ssyncset.done $0x0  }
0x68: {  	[sflag:s12] =	ssyncadd.s32 $0xFFFFD800  }
0x69: {  	_ =	sfence.sel $0x180000  }
0x6a: {  	[bflag:$0x0] =	sbarrier.arrive $0xFFFF  }
0x6b: {  	p0 =	sne.s32 s1, $0x0;
	_ =	strace $0x9000004A  }
0x6c: {  	s0 =	sadd.s32 @!p0 $0x100000, s0;
	[bflag:$0x2] =	sbarrier.arrive $0xFFFF  }
0x6d: {  	[sflag:s0] =	ssyncadd.tile.s32 @!p0 $0x1;
	_ =	shalt  }
.Lfunc_end2:
_tile_overlayer_lowered:
.L_overlay_start_2:
0x6e: {  	(tag) =	ssettag $0x2  }
0x6f: {  	s0 =	rddreg [dreg:$0x0];
	s2 =	stileid.u32  }
0x70: {  	s1 =	rddreg [dreg:$0x1];
	p0 =	sne.s32 s2, $0x0  }
0x71: {  	s3 =	rddreg [dreg:$0x2];
	[bflag:$0x3] =	sbarrier.arrive $0xFFFF;
	s2 =	simm.s32 @!p0 $0x1C03  }
0x72: {  	[timem:s3], [sflag:s2] =	dma.local @!p0 [hbm:s0], s1  }
0x73: {  	s0 =	simm.s32 @!p0 $0x3  }
0x74: {  	_ =	swait.ge @!p0 [sflag:s0], s1  }
0x75: {  	s1 =	ssub.s32 @!p0 $0x0, s1;
	[sflag:s0] =	ssyncset.done @!p0 $0x0  }
0x76: {  	[sflag:s0] =	ssyncadd.s32 @!p0 s1  }
0x77: {  	[bflag:$0x3] =	sbarrier.arrive $0xFFFF  }
0x78: {  	_ =	shalt  }

// kernel: kernel.14.cloned.1.call-start
scs
__scs_entry_jumppad:
0x0: {  	(pc) =	sbr.rel $0x88, $3  }
0x1: {  	(tag) =	ssettag $0x0;
	lr =	simm.s32 $0x1  }
0x2: {  	[smem:$0x3F8D] =	sst lr;
	_ =	strace $0xD0000000  }
0x3: {  	_ = 	snop  }
0x4: {  	_ = 	snop  }
0x5: {  	_ = 	snop  }
0x6: {  	_ = 	snop  }
0x7: {  	_ = 	snop  }
__scs_overlays_trampoline_lowered:
0x8: {  	[smem:$0x3F9C] =	sst s0  }
0x9: {  	[smem:$0x3F9D] =	sst s1  }
0xa: {  	[smem:$0x3F9E] =	sst s2  }
0xb: {  	[smem:$0x3F9F] =	sst s3  }
0xc: {  	[smem:$0x3FA0] =	sst s4  }
0xd: {  	[smem:$0x3FA1] =	sst s5  }
0xe: {  	[smem:$0x3FA2] =	sst s6  }
0xf: {  	[smem:$0x3FA3] =	sst s7  }
0x10: {  	[smem:$0x3FA4] =	sst s8  }
0x11: {  	[smem:$0x3FA5] =	sst s9;
	s0 =	simm.s32 @!p0 $0x0  }
0x12: {  	s1 =	sld [smem:$0x3F8B];
	s0 =	simm.s32 @p0 $0x1  }
0x13: {  	[smem:$0x3FA6] =	sst s0;
	s0 =	simm.s32 @!p1 $0x0  }
0x14: {  	s2 =	sld [smem:$0x3F8A];
	s0 =	simm.s32 @p1 $0x1  }
0x15: {  	[smem:$0x3FA7] =	sst s0;
	s0 =	simm.s32 @!p2 $0x0  }
0x16: {  	s3 =	sld [smem:$0x3FDB];
	s0 =	simm.s32 @p2 $0x1  }
0x17: {  	s4 =	simm.s32 $0x1BF5;
	[smem:$0x3FA9] =	sst s0  }
0x18: {  	s0 =	sld [smem:$0x3F8C];
	_ =	swait.ge [sflag:s4], $0x0  }
0x19: {  	s7 =	sld [smem:$0x3F8D]  }
0x1a: {  	s8 =	sadd.s32 $0xFFFFE003, lr  }
0x1b: {  	s9 =	sadd.s32 $0xFFFFFEF7, lr;
	s5 =	simm.s32 $0xFFFFFFFF;
	p2 =	slt.u32 s8, $0xFFFFF086  }
0x1c: {  	p1 =	slt.u32 s9, $0xF7A;
	s5 =	simm.s32 @!p2 $0x0  }
0x1d: {  	s5 =	simm.s32 @p1 $0x1;
	p0 =	seq.s32 s7, s2  }
0x1e: {  	s7 =	smul.u32 @!p0 $0xF7A, s2;
	p2 =	seq.s32 @!p0 s5, $0x0  }
0x1f: {  	s9 =	smul.u32 $0xF7A, s1;
	s8 =	simm.s32 @!p0 $0x1BF5;
	p2 =	por !p2, p0  }
0x20: {  	[sflag:s8] =	ssyncset.s32 @!p0 $0xFFFFF086;
	s6 =	sadd.s32 @!p0 s3, s7;
	s7 =	simm.s32 @!p0 $0x108  }
0x21: {  	s3 =	sadd.s32 s3, s9;
	s6 =	sadd.s32 @!p0 $0x88, s6;
	s7 =	simm.s32 @p2 $0x1082  }
0x22: {  	[simem:s7], [sflag:s8] =	dma.local @!p0 [hbm:s6], $0xF7A  }
0x23: {  	s9 =	sor.u32 $0xD0000000, s2;
	s6 =	simm.s32 $0x108;
	_ =	swait.ge @!p0 [sflag:s8], $0x0  }
0x24: {  	s3 =	sadd.s32 $0x88, s3;
	s6 =	simm.s32 @!p1 $0x1082;
	[sflag:s4] =	ssyncset.s32 $0xFFFFF086  }
0x25: {  	[simem:s6], [sflag:s4] =	dma.local [hbm:s3], $0xF7A  }
0x26: {  	[smem:$0x3F8D] =	sst s1;
	(tag) =	ssettag s2;
	_ =	strace s9  }
0x27: {  	s1 =	sld [smem:$0x3F9D]  }
0x28: {  	s2 =	sld [smem:$0x3F9E]  }
0x29: {  	s4 =	sld [smem:$0x3FA0]  }
0x2a: {  	p0 =	seq.s32 s5, $0x0;
	s5 =	sld [smem:$0x3FA1]  }
0x2b: {  	s6 =	sld [smem:$0x3FA2]  }
0x2c: {  	s7 =	sld [smem:$0x3FA3]  }
0x2d: {  	s3 =	simm.s32 $0x108;
	s8 =	sld [smem:$0x3FA4]  }
0x2e: {  	s3 =	simm.s32 @!p0 $0x1082;
	s9 =	sld [smem:$0x3FA5]  }
0x2f: {  	lr =	sadd.s32 s0, s3;
	s0 =	sld [smem:$0x3F9C]  }
0x30: {  	s3 =	sld [smem:$0x3F9F]  }
0x31: {  	[smem:$0x3FA8] =	sst s10  }
0x32: {  	s10 =	sld [smem:$0x3FA6];
	_ =	sdelay $0x3  }
0x33: {  	p0 =	seq.s32 s10, $0x1;
	s10 =	sld [smem:$0x3FA8];
	_ =	sdelay $0x3  }
0x34: {  	[smem:$0x3FA8] =	sst s10  }
0x35: {  	s10 =	sld [smem:$0x3FA7];
	_ =	sdelay $0x3  }
0x36: {  	p1 =	seq.s32 s10, $0x1;
	s10 =	sld [smem:$0x3FA8];
	_ =	sdelay $0x3  }
0x37: {  	[smem:$0x3FA8] =	sst s10  }
0x38: {  	s10 =	sld [smem:$0x3FA9]  }
0x39: {  	_ = 	snop;
	(pc) =	sbr.ind lr, $3  }
0x3a: {  	_ = 	snop  }
0x3b: {  	_ = 	snop  }
0x3c: {  	p2 =	seq.s32 s10, $0x1;
	s10 =	sld [smem:$0x3FA8]  }
0x3d: {  	_ =	shalt  }
0x3e: {  	_ =	shalt  }
0x3f: {  	_ =	shalt  }
0x40: {  	_ =	shalt  }
0x41: {  	_ =	shalt  }
0x42: {  	_ =	shalt  }
0x43: {  	_ =	shalt  }
0x44: {  	_ =	shalt  }
0x45: {  	_ =	shalt  }
0x46: {  	_ =	shalt  }
0x47: {  	_ =	shalt  }
0x48: {  	_ =	shalt  }
0x49: {  	_ =	shalt  }
0x4a: {  	_ =	shalt  }
0x4b: {  	_ =	shalt  }
0x4c: {  	_ =	shalt  }
0x4d: {  	_ =	shalt  }
0x4e: {  	_ =	shalt  }
0x4f: {  	_ =	shalt  }
0x50: {  	_ =	shalt  }
0x51: {  	_ =	shalt  }
0x52: {  	_ =	shalt  }
0x53: {  	_ =	shalt  }
0x54: {  	_ =	shalt  }
0x55: {  	_ =	shalt  }
0x56: {  	_ =	shalt  }
0x57: {  	_ =	shalt  }
0x58: {  	_ =	shalt  }
0x59: {  	_ =	shalt  }
0x5a: {  	_ =	shalt  }
0x5b: {  	_ =	shalt  }
0x5c: {  	_ =	shalt  }
0x5d: {  	_ =	shalt  }
0x5e: {  	_ =	shalt  }
0x5f: {  	_ =	shalt  }
0x60: {  	_ =	shalt  }
0x61: {  	_ =	shalt  }
0x62: {  	_ =	shalt  }
0x63: {  	_ =	shalt  }
0x64: {  	_ =	shalt  }
0x65: {  	_ =	shalt  }
0x66: {  	_ =	shalt  }
0x67: {  	_ =	shalt  }
0x68: {  	_ =	shalt  }
0x69: {  	_ =	shalt  }
0x6a: {  	_ =	shalt  }
0x6b: {  	_ =	shalt  }
0x6c: {  	_ =	shalt  }
0x6d: {  	_ =	shalt  }
0x6e: {  	_ =	shalt  }
0x6f: {  	_ =	shalt  }
0x70: {  	_ =	shalt  }
0x71: {  	_ =	shalt  }
0x72: {  	_ =	shalt  }
0x73: {  	_ =	shalt  }
0x74: {  	_ =	shalt  }
0x75: {  	_ =	shalt  }
0x76: {  	_ =	shalt  }
0x77: {  	_ =	shalt  }
0x78: {  	_ =	shalt  }
0x79: {  	_ =	shalt  }
0x7a: {  	_ =	shalt  }
0x7b: {  	_ =	shalt  }
0x7c: {  	_ =	shalt  }
0x7d: {  	_ =	shalt  }
0x7e: {  	_ =	shalt  }
0x7f: {  	_ =	shalt  }
0x80: {  	_ =	shalt  }
0x81: {  	_ =	shalt  }
0x82: {  	_ =	shalt  }
0x83: {  	_ =	shalt  }
0x84: {  	_ =	shalt  }
0x85: {  	_ =	shalt  }
0x86: {  	_ =	shalt  }
0x87: {  	_ =	shalt  }
.Lfunc_end0:
.L_simem_size_0:
called_computation.2_lowered:
.L_overlay_start_0:
0x88: {  	s2 =	sld [smem:$0x3FD9]  }
0x89: {  	s3 =	sld [smem:$0x3FFE];
	_ =	sdelay $0x1  }
0x8a: {  	s1 =	srdreg.scid  }
0x8b: {  	s0 =	sand.u32 $0x1, s1  }
0x8c: {  	s14 =	sshll.u32 s0, $0xA;
	s2 =	sadd.s32 s3, s2  }
0x8d: {  	s2 =	sadd.s32 s2, s14  }
0x8e: {  	[smem:$0x3FB4] =	sst s2  }
0x8f: {  	_ = 	snop  }
0x90: {  	s2 =	sld [smem:$0x3FD0];
	_ =	sdelay $0x2  }
0x91: {  	s15 =	simm.s32 $0xA;
	s4 =	simm.s32 $0x10  }
0x92: {  	[smem:s4], [sflag:s15] =	dma.local [hbm:s2], $0x1  }
0x93: {  	_ =	swait.eq [sflag:s15], $0x1  }
0x94: {  	[sflag:s15] =	ssyncset.done $0x0  }
0x95: {  	[sflag:s15] =	ssyncadd.s32 $0xFFFFFFFF  }
0x96: {  	s16 =	sld [smem:$0x11];
	(tm) =	ssettm $0x1  }
0x97: {  	s17 =	sld [smem:$0x3FFB];
	_ =	sdelay $0x3  }
0x98: {  	_ =	strace s17  }
0x99: {  	s3 =	sld [smem:$0x3FFC];
	_ =	sdelay $0x3  }
0x9a: {  	_ =	strace s3  }
0x9b: {  	s3 =	sld [smem:$0x3FFD];
	_ =	sdelay $0x3  }
0x9c: {  	_ =	strace s3  }
0x9d: {  	_ =	strace $0x8FFFFFFF  }
0x9e: {  	s18 =	sld [smem:$0x3FDB];
	_ =	sdelay $0x1  }
0x9f: {  	s19 =	simm.s32 $_scs_section_size  }
0xa0: {  	s5 =	simm.s32 $_size__tile_overlayer_lowered;
	s6 =	simm.s32 $_tile_overlayer_lowered  }
0xa1: {  	s22 =	simm.s32 $0x1BFF;
	s21 =	sshll.u32 s6, $0x1;
	s3 =	sadd.s32 s19, s18  }
0xa2: {  	s7 =	simm.s32 $0x0;
	s20 =	sshll.u32 s5, $0x1;
	s5 =	sadd.s32 s21, s3  }
0xa3: {  	[timem:s7], [sflag:s22] =	dma.local [hbm:s5], s20  }
0xa4: {  	_ =	swait.ge [sflag:s22], s20  }
0xa5: {  	s4 =	ssub.s32 $0x0, s20;
	[sflag:s22] =	ssyncset.done $0x0  }
0xa6: {  	[sflag:s22] =	ssyncadd.s32 s4;
	_ =	sdelay $0x1  }
0xa7: {  	s23 =	simm.s32 $0x1B8B  }
0xa8: {  	_ =	swait.ge [sflag:s23], $0x1  }
0xa9: {  	[sflag:s23] =	ssyncset.done $0x0  }
0xaa: {  	s25 =	simm.s32 $0x1B8E;
	s24 =	sld [smem:$0x3FFE];
	[sflag:s23] =	ssyncadd.s32 $0xFFFFFFFF  }
0xab: {  	s26 =	simm.s32 $execute0_lowered;
	[smem:$0x3FD2] =	sst s25  }
0xac: {  	s5 =	sshll.u32 s26, $0x1;
	_ =	strace $0x8000004C;
	[dreg:$0x1] =	wrdreg $0xFFFFFFFF  }
0xad: {  	s28 =	simm.s32 $_size_execute0_lowered;
	s3 =	sadd.s32 s3, s5;
	[dreg:$0x0] =	wrdreg $0x0  }
0xae: {  	s5 =	sshll.u32 s28, $0x1;
	[dreg:$0x2] =	wrdreg s3  }
0xaf: {  	[dreg:$0x3] =	wrdreg s5  }
0xb0: {  	[dreg:$0x4] =	wrdreg $0xC0  }
0xb1: {  	_ =	task [dreg:s7], $0x5FFFF  }
0xb2: {  	[dreg:$0x1] =	wrdreg $0xFFFFFFFF  }
0xb3: {  	[dreg:$0x0] =	wrdreg $0x60  }
0xb4: {  	[dreg:$0x2] =	wrdreg s24  }
0xb5: {  	[dreg:$0x3] =	wrdreg s16  }
0xb6: {  	[dreg:$0x4] =	wrdreg $0x9  }
0xb7: {  	_ =	task.clear_ibuf [dreg:s7], $0x5FFFF;
	_ =	strace $0x9000004C  }
0xb8: {  	s29 =	simm.s32 $0x9;
	_ =	strace $0x8000004E  }
0xb9: {  	_ =	swait.ge [sflag:s29], $0x1  }
0xba: {  	[sflag:s29] =	ssyncadd.s32 $0xFFFFFFFF  }
0xbb: {  	_ =	strace $0x9000004E  }
0xbc: {  	_ =	sfence  }
0xbd: {  	s30 =	sld [smem:$0x0];
	_ =	sdelay $0x2  }
0xbe: {  	s31 =	sshll.u32 s1, $0xD;
	s1 =	sshrl.u32 s1, $0x2  }
0xbf: {  	s3 =	sand.u32 $0x4000, s31;
	s1 =	sadd.s32 s1, s30  }
0xc0: {  	s0 =	sor.u32 s3, s0;
	s1 =	sshll.u32 s1, $0x11  }
0xc1: {  	s0 =	sor.u32 s1, s0  }
0xc2: {  	s0 =	sadd.s32 $0x8F2B, s0  }
0xc3: {  	[sflag:s0] =	ssyncadd.remote.s32 $0x1  }
0xc4: {  	_ =	sfence.sel $0xFFFF  }
0xc5: {  	[dreg:$0x0] =	wrdreg $0xFFFFFFFF;
	(pc) =	sbr.abs _section_cstart, $3  }
0xc6: {  	[dreg:$0x1] =	wrdreg $0xFFFFFFFF  }
0xc7: {  	_ =	task.clear_ibuf [dreg:s7], $0x2FFFF;
	_ =	strace $0x9FFFFFFF  }
0xc8: {  	(tm) =	ssettm $0x7FFFFFFF  }
0xc9: {  	_ =	shalt  }
tec
execute0_lowered:
.L_overlay_start_1:
0x0: {  	(tag) =	ssettag $0x1  }
0x1: {  	s1 =	srdreg.scid  }
0x2: {  	s0 =	stileid.u32;
	s4 =	rddreg [dreg:$0x0]  }
0x3: {  	s2 =	rddreg [dreg:$0x1];
	s3 =	simm.s32 $0x0;
	s8 =	simm.s32 $0x1  }
0x4: {  	s9 =	simm.s32 $0x2780;
	s5 =	sand.u32 $0x1, s1;
	s30 =	sshll.u32 s0, $0x1  }
0x5: {  	s10 =	simm.s32 $0x4F00;
	s6 =	sor.u32 s5, s30;
	s5 =	ssub.s32 $0x2, s5  }
0x6: {  	s1 =	rddreg [dreg:$0x2];
	s6 =	smul.u32 $0x4E2, s6;
	s31 =	sshrl.u32 s5, $0x1  }
0x7: {  	s11 =	simm.s32 $0x0;
	[smem:$0x7FF] =	sst s3;
	s7 =	ssub.s32 s5, s31  }
0x8: {  	_ =	strace $0x8000004D;
	s6 =	sadd.s32 s6, s4;
	s7 =	smax.u32 s7, $0x1  }
0x9: {  	s4 =	sadd.s32 $0x3A00, s6;
	s5 =	sadd.s32 $0x7BA00, s6;
	s6 =	sadd.s32 $0xD800, s6  }
.LBB2_1:
0xa: {  	[tilespmem:s3], [sflag:$0x1] =	stream.linear.gather [hbm4b:s2+s3], $0x2780, $0x38;
	[tilespmem:$0x7680] =	vst v63  }
0xb: {  	_ =	swait.ge [sflag:s8], $0x2780  }
0xc: {  	[sflag:s8] =	ssyncset.done $0x0  }
0xd: {  	[sflag:s8] =	ssyncadd.s32 $0xFFFFD880  }
0xe: {  	[tilespmem:s9], [sflag:$0x1] =	stream.linear.gather [hbm4b:s4+s3], $0x2710, $0x38;
	[tilespmem:$0x7680] =	vst v63  }
0xf: {  	_ =	swait.ge [sflag:s8], $0x2710  }
0x10: {  	[sflag:s8] =	ssyncset.done $0x0  }
0x11: {  	[sflag:s8] =	ssyncadd.s32 $0xFFFFD8F0  }
0x12: {  	[tilespmem:s10], [sflag:$0x1] =	stream.linear.gather [hbm4b:s5+s3], $0x2710, $0x38;
	[tilespmem:$0x7680] =	vst v63  }
0x13: {  	_ =	swait.ge [sflag:s8], $0x2710  }
0x14: {  	[sflag:s8] =	ssyncset.done $0x0  }
0x15: {  	s12 =	simm.s32 $0x0;
	[sflag:s8] =	ssyncadd.s32 $0xFFFFD8F0  }
0x16: {  	v0 =	vld [tilespmem:s12+$0x2780];
	_ =	sdelay $0x7  }
0x17: {  	v0 =	vld.idx.msk [tilespmem:v0+s3+$0x0], $0xffff;
	_ =	sdelay $0x4  }
0x18: {  	(erf) = vrcp.f32 v0;
	_ =	sdelay $0x2  }
0x19: {  	s13 =	simm.s32 $0x10  }
0x1a: {  	s14 =	simm.s32 $0x80;
	v0 =	vld [tilespmem:s13+$0x2780]  }
.LBB2_2:
0x1b: {  	p0 =	sne.s32 s14, $0x9C00;
	v1 =	vld [tilespmem:s12+$0x4F00];
	_ =	sdelay $0x3  }
0x1c: {  	v2 =	vpop (erf)  }
0x1d: {  	v1 =	vmul.f32 v2, v1;
	_ =	sdelay $0x1  }
0x1e: {  	[tilespmem:s12+$0x4F00] =	vst v1;
	s12 =	smov.u32 s13  }
0x1f: {  	v0 =	vld.idx.msk [tilespmem:v0+s3+$0x0], $0xffff;
	_ =	sdelay $0x5  }
.Ltmp0:
0x20: {  	(erf) = vrcp.f32 v0;
	(pc) =	sbr.rel @p0 .LBB2_2-.Ltmp0, $3  }
0x21: {  	_ =	sdelay $0x1  }
0x22: {  	s13 =	sshra.s32 s14, $0x2  }
0x23: {  	s14 =	sadd.s32 $0x40, s14;
	v0 =	vld [tilespmem:s13+$0x2780]  }
0x24: {  	v1 =	vld [tilespmem:s12+$0x4F00];
	_ =	sdelay $0x3  }
0x25: {  	v2 =	vpop (erf)  }
0x26: {  	v1 =	vmul.f32 v2, v1;
	_ =	sdelay $0x1  }
0x27: {  	[tilespmem:s12+$0x4F00] =	vst v1  }
0x28: {  	v0 =	vld.idx.msk [tilespmem:v0+s3+$0x0], $0xffff;
	_ =	sdelay $0x4  }
0x29: {  	(erf) = vrcp.f32 v0;
	_ =	sdelay $0x4  }
0x2a: {  	v62 =	vld [tilespmem:s13+$0x4F00];
	_ =	sdelay $0x3  }
0x2b: {  	v63 =	vpop (erf)  }
0x2c: {  	s11 =	sadd.s32 $0x1, s11;
	v0 =	vmul.f32 v63, v62  }
0x2d: {  	p0 =	sne.s32 s11, s7  }
.Ltmp1:
0x2e: {  	[tilespmem:s13+$0x4F00] =	vst v0;
	(pc) =	sbr.rel @p0 .LBB2_1-.Ltmp1, $4  }
0x2f: {  	[hbm4b:s6+s3] =	stream.linear.scatter [tilespmem:s10], [sflag:$0x1], $0x2710, $0x38;
	[tilespmem:$0x7680] =	vst v63  }
0x30: {  	_ =	swait.ge [sflag:s8], $0x2710  }
0x31: {  	[sflag:s8] =	ssyncset.done $0x0  }
0x32: {  	[sflag:s8] =	ssyncadd.s32 $0xFFFFD8F0  }
0x33: {  	_ =	sfence.sel $0x180000  }
0x34: {  	[bflag:$0x0] =	sbarrier.arrive $0xFFFF  }
0x35: {  	p0 =	sne.s32 s0, $0x0;
	_ =	strace $0x9000004D  }
0x36: {  	s0 =	sadd.s32 @!p0 $0x100000, s1;
	[bflag:$0x2] =	sbarrier.arrive $0xFFFF  }
0x37: {  	[sflag:s0] =	ssyncadd.tile.s32 @!p0 $0x1;
	_ =	shalt  }
.Lfunc_end2:
_tile_overlayer_lowered:
.L_overlay_start_2:
0x38: {  	(tag) =	ssettag $0x2  }
0x39: {  	s0 =	rddreg [dreg:$0x0];
	s2 =	stileid.u32  }
0x3a: {  	s1 =	rddreg [dreg:$0x1];
	p0 =	sne.s32 s2, $0x0  }
0x3b: {  	s3 =	rddreg [dreg:$0x2];
	[bflag:$0x3] =	sbarrier.arrive $0xFFFF;
	s2 =	simm.s32 @!p0 $0x1C01  }
0x3c: {  	[timem:s3], [sflag:s2] =	dma.local @!p0 [hbm:s0], s1  }
0x3d: {  	s0 =	simm.s32 @!p0 $0x1  }
0x3e: {  	_ =	swait.ge @!p0 [sflag:s0], s1  }
0x3f: {  	s1 =	ssub.s32 @!p0 $0x0, s1;
	[sflag:s0] =	ssyncset.done @!p0 $0x0  }
0x40: {  	[sflag:s0] =	ssyncadd.s32 @!p0 s1  }
0x41: {  	[bflag:$0x3] =	sbarrier.arrive $0xFFFF  }
0x42: {  	_ =	shalt  }

// kernel: kernel.8.cloned.1.call-start
scs
__scs_entry_jumppad:
0x0: {  	(pc) =	sbr.rel $0x88, $3  }
0x1: {  	(tag) =	ssettag $0x0;
	lr =	simm.s32 $0x1  }
0x2: {  	[smem:$0x3F8D] =	sst lr;
	_ =	strace $0xD0000000  }
0x3: {  	_ = 	snop  }
0x4: {  	_ = 	snop  }
0x5: {  	_ = 	snop  }
0x6: {  	_ = 	snop  }
0x7: {  	_ = 	snop  }
__scs_overlays_trampoline_lowered:
0x8: {  	[smem:$0x3F9C] =	sst s0  }
0x9: {  	[smem:$0x3F9D] =	sst s1  }
0xa: {  	[smem:$0x3F9E] =	sst s2  }
0xb: {  	[smem:$0x3F9F] =	sst s3  }
0xc: {  	[smem:$0x3FA0] =	sst s4  }
0xd: {  	[smem:$0x3FA1] =	sst s5  }
0xe: {  	[smem:$0x3FA2] =	sst s6  }
0xf: {  	[smem:$0x3FA3] =	sst s7  }
0x10: {  	[smem:$0x3FA4] =	sst s8  }
0x11: {  	[smem:$0x3FA5] =	sst s9;
	s0 =	simm.s32 @!p0 $0x0  }
0x12: {  	s1 =	sld [smem:$0x3F8B];
	s0 =	simm.s32 @p0 $0x1  }
0x13: {  	[smem:$0x3FA6] =	sst s0;
	s0 =	simm.s32 @!p1 $0x0  }
0x14: {  	s2 =	sld [smem:$0x3F8A];
	s0 =	simm.s32 @p1 $0x1  }
0x15: {  	[smem:$0x3FA7] =	sst s0;
	s0 =	simm.s32 @!p2 $0x0  }
0x16: {  	s3 =	sld [smem:$0x3FDB];
	s0 =	simm.s32 @p2 $0x1  }
0x17: {  	s4 =	simm.s32 $0x1BF5;
	[smem:$0x3FA9] =	sst s0  }
0x18: {  	s0 =	sld [smem:$0x3F8C];
	_ =	swait.ge [sflag:s4], $0x0  }
0x19: {  	s7 =	sld [smem:$0x3F8D]  }
0x1a: {  	s8 =	sadd.s32 $0xFFFFE003, lr  }
0x1b: {  	s9 =	sadd.s32 $0xFFFFFEF7, lr;
	s5 =	simm.s32 $0xFFFFFFFF;
	p2 =	slt.u32 s8, $0xFFFFF086  }
0x1c: {  	p1 =	slt.u32 s9, $0xF7A;
	s5 =	simm.s32 @!p2 $0x0  }
0x1d: {  	s5 =	simm.s32 @p1 $0x1;
	p0 =	seq.s32 s7, s2  }
0x1e: {  	s7 =	smul.u32 @!p0 $0xF7A, s2;
	p2 =	seq.s32 @!p0 s5, $0x0  }
0x1f: {  	s9 =	smul.u32 $0xF7A, s1;
	s8 =	simm.s32 @!p0 $0x1BF5;
	p2 =	por !p2, p0  }
0x20: {  	[sflag:s8] =	ssyncset.s32 @!p0 $0xFFFFF086;
	s6 =	sadd.s32 @!p0 s3, s7;
	s7 =	simm.s32 @!p0 $0x108  }
0x21: {  	s3 =	sadd.s32 s3, s9;
	s6 =	sadd.s32 @!p0 $0x88, s6;
	s7 =	simm.s32 @p2 $0x1082  }
0x22: {  	[simem:s7], [sflag:s8] =	dma.local @!p0 [hbm:s6], $0xF7A  }
0x23: {  	s9 =	sor.u32 $0xD0000000, s2;
	s6 =	simm.s32 $0x108;
	_ =	swait.ge @!p0 [sflag:s8], $0x0  }
0x24: {  	s3 =	sadd.s32 $0x88, s3;
	s6 =	simm.s32 @!p1 $0x1082;
	[sflag:s4] =	ssyncset.s32 $0xFFFFF086  }
0x25: {  	[simem:s6], [sflag:s4] =	dma.local [hbm:s3], $0xF7A  }
0x26: {  	[smem:$0x3F8D] =	sst s1;
	(tag) =	ssettag s2;
	_ =	strace s9  }
0x27: {  	s1 =	sld [smem:$0x3F9D]  }
0x28: {  	s2 =	sld [smem:$0x3F9E]  }
0x29: {  	s4 =	sld [smem:$0x3FA0]  }
0x2a: {  	p0 =	seq.s32 s5, $0x0;
	s5 =	sld [smem:$0x3FA1]  }
0x2b: {  	s6 =	sld [smem:$0x3FA2]  }
0x2c: {  	s7 =	sld [smem:$0x3FA3]  }
0x2d: {  	s3 =	simm.s32 $0x108;
	s8 =	sld [smem:$0x3FA4]  }
0x2e: {  	s3 =	simm.s32 @!p0 $0x1082;
	s9 =	sld [smem:$0x3FA5]  }
0x2f: {  	lr =	sadd.s32 s0, s3;
	s0 =	sld [smem:$0x3F9C]  }
0x30: {  	s3 =	sld [smem:$0x3F9F]  }
0x31: {  	[smem:$0x3FA8] =	sst s10  }
0x32: {  	s10 =	sld [smem:$0x3FA6];
	_ =	sdelay $0x3  }
0x33: {  	p0 =	seq.s32 s10, $0x1;
	s10 =	sld [smem:$0x3FA8];
	_ =	sdelay $0x3  }
0x34: {  	[smem:$0x3FA8] =	sst s10  }
0x35: {  	s10 =	sld [smem:$0x3FA7];
	_ =	sdelay $0x3  }
0x36: {  	p1 =	seq.s32 s10, $0x1;
	s10 =	sld [smem:$0x3FA8];
	_ =	sdelay $0x3  }
0x37: {  	[smem:$0x3FA8] =	sst s10  }
0x38: {  	s10 =	sld [smem:$0x3FA9]  }
0x39: {  	_ = 	snop;
	(pc) =	sbr.ind lr, $3  }
0x3a: {  	_ = 	snop  }
0x3b: {  	_ = 	snop  }
0x3c: {  	p2 =	seq.s32 s10, $0x1;
	s10 =	sld [smem:$0x3FA8]  }
0x3d: {  	_ =	shalt  }
0x3e: {  	_ =	shalt  }
0x3f: {  	_ =	shalt  }
0x40: {  	_ =	shalt  }
0x41: {  	_ =	shalt  }
0x42: {  	_ =	shalt  }
0x43: {  	_ =	shalt  }
0x44: {  	_ =	shalt  }
0x45: {  	_ =	shalt  }
0x46: {  	_ =	shalt  }
0x47: {  	_ =	shalt  }
0x48: {  	_ =	shalt  }
0x49: {  	_ =	shalt  }
0x4a: {  	_ =	shalt  }
0x4b: {  	_ =	shalt  }
0x4c: {  	_ =	shalt  }
0x4d: {  	_ =	shalt  }
0x4e: {  	_ =	shalt  }
0x4f: {  	_ =	shalt  }
0x50: {  	_ =	shalt  }
0x51: {  	_ =	shalt  }
0x52: {  	_ =	shalt  }
0x53: {  	_ =	shalt  }
0x54: {  	_ =	shalt  }
0x55: {  	_ =	shalt  }
0x56: {  	_ =	shalt  }
0x57: {  	_ =	shalt  }
0x58: {  	_ =	shalt  }
0x59: {  	_ =	shalt  }
0x5a: {  	_ =	shalt  }
0x5b: {  	_ =	shalt  }
0x5c: {  	_ =	shalt  }
0x5d: {  	_ =	shalt  }
0x5e: {  	_ =	shalt  }
0x5f: {  	_ =	shalt  }
0x60: {  	_ =	shalt  }
0x61: {  	_ =	shalt  }
0x62: {  	_ =	shalt  }
0x63: {  	_ =	shalt  }
0x64: {  	_ =	shalt  }
0x65: {  	_ =	shalt  }
0x66: {  	_ =	shalt  }
0x67: {  	_ =	shalt  }
0x68: {  	_ =	shalt  }
0x69: {  	_ =	shalt  }
0x6a: {  	_ =	shalt  }
0x6b: {  	_ =	shalt  }
0x6c: {  	_ =	shalt  }
0x6d: {  	_ =	shalt  }
0x6e: {  	_ =	shalt  }
0x6f: {  	_ =	shalt  }
0x70: {  	_ =	shalt  }
0x71: {  	_ =	shalt  }
0x72: {  	_ =	shalt  }
0x73: {  	_ =	shalt  }
0x74: {  	_ =	shalt  }
0x75: {  	_ =	shalt  }
0x76: {  	_ =	shalt  }
0x77: {  	_ =	shalt  }
0x78: {  	_ =	shalt  }
0x79: {  	_ =	shalt  }
0x7a: {  	_ =	shalt  }
0x7b: {  	_ =	shalt  }
0x7c: {  	_ =	shalt  }
0x7d: {  	_ =	shalt  }
0x7e: {  	_ =	shalt  }
0x7f: {  	_ =	shalt  }
0x80: {  	_ =	shalt  }
0x81: {  	_ =	shalt  }
0x82: {  	_ =	shalt  }
0x83: {  	_ =	shalt  }
0x84: {  	_ =	shalt  }
0x85: {  	_ =	shalt  }
0x86: {  	_ =	shalt  }
0x87: {  	_ =	shalt  }
.Lfunc_end0:
.L_simem_size_0:
called_computation_lowered:
.L_overlay_start_0:
0x88: {  	s2 =	sld [smem:$0x3FD9]  }
0x89: {  	s3 =	sld [smem:$0x3FFE];
	_ =	sdelay $0x1  }
0x8a: {  	s1 =	srdreg.scid  }
0x8b: {  	s0 =	sand.u32 $0x1, s1  }
0x8c: {  	s14 =	sshll.u32 s0, $0xA;
	s2 =	sadd.s32 s3, s2  }
0x8d: {  	s2 =	sadd.s32 s2, s14  }
0x8e: {  	[smem:$0x3FB4] =	sst s2  }
0x8f: {  	_ = 	snop  }
0x90: {  	s2 =	sld [smem:$0x3FD0];
	_ =	sdelay $0x2  }
0x91: {  	s15 =	simm.s32 $0xA;
	s4 =	simm.s32 $0x10  }
0x92: {  	[smem:s4], [sflag:s15] =	dma.local [hbm:s2], $0x1  }
0x93: {  	_ =	swait.eq [sflag:s15], $0x1  }
0x94: {  	[sflag:s15] =	ssyncset.done $0x0  }
0x95: {  	s16 =	sld [smem:$0x10];
	[sflag:s15] =	ssyncadd.s32 $0xFFFFFFFF  }
0x96: {  	s17 =	sld [smem:$0x11];
	(tm) =	ssettm $0x1  }
0x97: {  	s18 =	sld [smem:$0x3FFB];
	_ =	sdelay $0x3  }
0x98: {  	_ =	strace s18  }
0x99: {  	s4 =	sld [smem:$0x3FFC];
	_ =	sdelay $0x3  }
0x9a: {  	_ =	strace s4  }
0x9b: {  	s4 =	sld [smem:$0x3FFD];
	_ =	sdelay $0x3  }
0x9c: {  	_ =	strace s4  }
0x9d: {  	_ =	strace $0x8FFFFFFF  }
0x9e: {  	s19 =	sld [smem:$0x3FDB];
	_ =	sdelay $0x1  }
0x9f: {  	s5 =	simm.s32 $_scs_section_size  }
0xa0: {  	s6 =	simm.s32 $_size__tile_overlayer_lowered;
	s7 =	simm.s32 $_tile_overlayer_lowered  }
0xa1: {  	s22 =	simm.s32 $0x1BFF;
	s21 =	sshll.u32 s7, $0x1;
	s4 =	sadd.s32 s5, s19  }
0xa2: {  	s8 =	simm.s32 $0x0;
	s20 =	sshll.u32 s6, $0x1;
	s6 =	sadd.s32 s21, s4  }
0xa3: {  	[timem:s8], [sflag:s22] =	dma.local [hbm:s6], s20  }
0xa4: {  	_ =	swait.ge [sflag:s22], s20  }
0xa5: {  	s5 =	ssub.s32 $0x0, s20;
	[sflag:s22] =	ssyncset.done $0x0  }
0xa6: {  	[sflag:s22] =	ssyncadd.s32 s5;
	_ =	sdelay $0x1  }
0xa7: {  	s23 =	simm.s32 $0x1B8B  }
0xa8: {  	_ =	swait.ge [sflag:s23], $0x1  }
0xa9: {  	[sflag:s23] =	ssyncset.done $0x0  }
0xaa: {  	s25 =	simm.s32 $0x1B8E;
	s24 =	sld [smem:$0x3FFE];
	[sflag:s23] =	ssyncadd.s32 $0xFFFFFFFF  }
0xab: {  	s26 =	simm.s32 $execute0_lowered;
	[smem:$0x3FD2] =	sst s25  }
0xac: {  	s6 =	sshll.u32 s26, $0x1;
	_ =	strace $0x80000046;
	[dreg:$0x1] =	wrdreg $0xFFFFFFFF  }
0xad: {  	s28 =	simm.s32 $_size_execute0_lowered;
	s4 =	sadd.s32 s4, s6;
	[dreg:$0x0] =	wrdreg $0x0  }
0xae: {  	s6 =	sshll.u32 s28, $0x1;
	[dreg:$0x2] =	wrdreg s4  }
0xaf: {  	[dreg:$0x3] =	wrdreg s6  }
0xb0: {  	[dreg:$0x4] =	wrdreg $0xC0  }
0xb1: {  	_ =	task [dreg:s8], $0x5FFFF  }
0xb2: {  	[dreg:$0x1] =	wrdreg $0xFFFFFFFF  }
0xb3: {  	[dreg:$0x0] =	wrdreg $0x60  }
0xb4: {  	[dreg:$0x2] =	wrdreg s16  }
0xb5: {  	[dreg:$0x3] =	wrdreg s24  }
0xb6: {  	[dreg:$0x4] =	wrdreg s17  }
0xb7: {  	[dreg:$0x5] =	wrdreg $0x9  }
0xb8: {  	_ =	task.clear_ibuf [dreg:s8], $0x6FFFF;
	_ =	strace $0x90000046  }
0xb9: {  	s29 =	simm.s32 $0x9;
	_ =	strace $0x80000048  }
0xba: {  	_ =	swait.ge [sflag:s29], $0x1  }
0xbb: {  	[sflag:s29] =	ssyncadd.s32 $0xFFFFFFFF  }
0xbc: {  	_ =	strace $0x90000048  }
0xbd: {  	_ =	sfence  }
0xbe: {  	s30 =	sld [smem:$0x0];
	_ =	sdelay $0x2  }
0xbf: {  	s31 =	sshll.u32 s1, $0xD;
	s1 =	sshrl.u32 s1, $0x2  }
0xc0: {  	s3 =	sand.u32 $0x4000, s31;
	s1 =	sadd.s32 s1, s30  }
0xc1: {  	s0 =	sor.u32 s3, s0;
	s1 =	sshll.u32 s1, $0x11  }
0xc2: {  	s0 =	sor.u32 s1, s0  }
0xc3: {  	s0 =	sadd.s32 $0x8F2B, s0  }
0xc4: {  	[sflag:s0] =	ssyncadd.remote.s32 $0x1  }
0xc5: {  	_ =	sfence.sel $0xFFFF  }
0xc6: {  	[dreg:$0x0] =	wrdreg $0xFFFFFFFF;
	(pc) =	sbr.abs _section_cstart, $3  }
0xc7: {  	[dreg:$0x1] =	wrdreg $0xFFFFFFFF  }
0xc8: {  	_ =	task.clear_ibuf [dreg:s8], $0x2FFFF;
	_ =	strace $0x9FFFFFFF  }
0xc9: {  	(tm) =	ssettm $0x7FFFFFFF  }
tec
execute0_lowered:
.L_overlay_start_1:
0x0: {  	(tag) =	ssettag $0x1  }
0x1: {  	s1 =	rddreg [dreg:$0x0]  }
0x2: {  	s0 =	rddreg [dreg:$0x1];
	s4 =	simm.s32 $0x0;
	s2 =	srdreg.scid  }
0x3: {  	s3 =	stileid.u32;
	s12 =	simm.s32 $0x17900;
	s13 =	simm.s32 $0x7  }
0x4: {  	s14 =	simm.s32 $0x8000;
	s15 =	simm.s32 $0x28;
	s22 =	simm.s32 $0x1  }
0x5: {  	s23 =	simm.s32 $0x2;
	s24 =	simm.s32 $0x15000;
	s25 =	simm.s32 $0x17800  }
0x6: {  	s28 =	simm.s32 $0x4;
	s29 =	simm.s32 $0x16400;
	s30 =	simm.s32 $0x17880  }
0x7: {  	s31 =	simm.s32 $0x5;
	[smem:$0x7FF] =	sst s4;
	s2 =	sand.u32 $0x1, s2  }
0x8: {  	s3 =	sshll.u32 s3, $0x1;
	s5 =	sadd.s32 $0x4D800, s0;
	s7 =	sadd.s32 $0x74A00, s0  }
0x9: {  	_ =	strace $0x80000047;
	s3 =	sor.u32 s2, s3;
	s2 =	ssub.s32 $0x2, s2  }
0xa: {  	s6 =	sshll.u32 s3, $0xC;
	s8 =	sshrl.u32 s2, $0x1;
	s10 =	smul.u32 $0x2710, s3  }
0xb: {  	s9 =	sadd.s32 s6, s0;
	s6 =	sadd.s32 $0x7E800, s0;
	s26 =	ssub.s32 s2, s8  }
0xc: {  	s0 =	simm.s32 $0x6;
	s2 =	simm.s32 $0x0;
	s8 =	sadd.s32 $0x2D800, s9  }
0xd: {  	s9 =	sadd.s32 $0xD800, s9;
	s11 =	smax.u32 s26, $0x1;
	s26 =	simm.s32 $0x3  }
.LBB2_1:
0xe: {  	s3 =	rddreg [dreg:$0x2]  }
0xf: {  	[tilespmem:s12], [sflag:$0x7] =	stream.linear.gather [hbm4b:s3+s4], $0x7580, $0x38;
	[tilespmem:$0x1EE80] =	vst v63  }
0x10: {  	_ =	swait.ge [sflag:s13], $0x7580  }
0x11: {  	[sflag:s13] =	ssyncset.done $0x0  }
0x12: {  	[sflag:s13] =	ssyncadd.s32 $0xFFFF8A80  }
0x13: {  	[tilespmem:s4], [sflag:$0x7] =	stream.linear.gather [hbm4b:s8+s4], $0x7D00, $0x38;
	[tilespmem:$0x1EE80] =	vst v63  }
0x14: {  	_ =	swait.ge [sflag:s13], $0x7D00  }
0x15: {  	[sflag:s13] =	ssyncset.done $0x0  }
0x16: {  	[sflag:s13] =	ssyncadd.s32 $0xFFFF8300  }
0x17: {  	[tilespmem:s14], [sflag:$0x7] =	stream.linear.gather [hbm4b:s9+s4], $0x7D00, $0x38;
	[tilespmem:$0x1EE80] =	vst v63  }
0x18: {  	_ =	swait.ge [sflag:s13], $0x7D00  }
0x19: {  	[sflag:s13] =	ssyncset.done $0x0  }
0x1a: {  	s17 =	simm.s32 $0x10000;
	[sflag:s13] =	ssyncadd.s32 $0xFFFF8300  }
0x1b: {  	[tilespmem:s17], [sflag:$0x1] =	stream.indirect.gather [hbm4b:s1+s15], $0x80, s4, s15, $0xb8;
	[tilespmem:$0x1EE80] =	vst v63  }
0x1c: {  	s18 =	simm.s32 $0x11400  }
0x1d: {  	[tilespmem:s18], [sflag:$0x2] =	stream.indirect.gather [hbm4b:s5+s15], $0x80, s14, s15, $0xb8;
	[tilespmem:$0x1EE80] =	vst v63  }
0x1e: {  	s19 =	simm.s32 $0x80;
	s16 =	simm.s32 $0x12800  }
0x1f: {  	[tilespmem:s16], [sflag:$0x3] =	stream.indirect.gather [hbm4b:s1+s15], $0x80, s19, s15, $0xb8;
	[tilespmem:$0x1EE80] =	vst v63  }
0x20: {  	s20 =	simm.s32 $0x8080;
	s21 =	simm.s32 $0x13C00;
	s3 =	simm.s32 $0x0  }
0x21: {  	[tilespmem:s21], [sflag:$0x4] =	stream.indirect.gather [hbm4b:s5+s15], $0x80, s20, s15, $0xb8;
	[tilespmem:$0x1EE80] =	vst v63  }
.LBB2_2:
0x22: {  	p0 =	seq.s32 s3, $0x0  }
0x23: {  	s16 =	simm.s32 @!p0 $0x5  }
0x24: {  	_ =	swait.ge @!p0 [sflag:s16], $0x1400  }
0x25: {  	[sflag:s16] =	ssyncset.done @!p0 $0x0  }
0x26: {  	[sflag:s16] =	ssyncadd.s32 @!p0 $0xFFFFEC00  }
0x27: {  	_ =	swait.ge @!p0 [sflag:s16], $0x28  }
0x28: {  	[sflag:s16] =	ssyncset.done @!p0 $0x0  }
0x29: {  	[sflag:s16] =	ssyncadd.s32 @!p0 $0xFFFFFFD8;
	s16 =	sshll.u32 s3, $0x8  }
0x2a: {  	v0 =	vld [tilespmem:s16+$0x0]  }
0x2b: {  	v1 =	vld [tilespmem:s16+$0x8000];
	_ =	sdelay $0x3  }
0x2c: {  	v0 =	vmul.u32 $0x3, v0  }
0x2d: {  	v1 =	vmul.u32 $0x3, v1;
	_ =	sdelay $0x1  }
0x2e: {  	v2 =	vadd.s32 $0x1, v0  }
0x2f: {  	v3 =	vadd.s32 $0x1, v1  }
0x30: {  	v4 =	vadd.s32 $0x2, v0  }
0x31: {  	v5 =	vadd.s32 $0x2, v1;
	v0 =	vld.idx.msk [tilespmem:v0+s12+$0x0], $0xffff  }
0x32: {  	v1 =	vld.idx.msk [tilespmem:v1+s12+$0x0], $0xffff  }
0x33: {  	v2 =	vld.idx.msk [tilespmem:v2+s12+$0x0], $0xffff  }
0x34: {  	v3 =	vld.idx.msk [tilespmem:v3+s12+$0x0], $0xffff  }
0x35: {  	v4 =	vld.idx.msk [tilespmem:v4+s12+$0x0], $0xffff  }
0x36: {  	v5 =	vld.idx.msk [tilespmem:v5+s12+$0x0], $0xffff;
	_ =	sdelay $0x2  }
0x37: {  	v0 =	vsub.f32 v0, v1;
	v1 =	vsub.f32 v2, v3;
	_ =	sdelay $0x1  }
0x38: {  	v2 =	vsub.f32 v4, v5;
	v0 =	vmul.f32 v0, v0;
	v1 =	vmul.f32 v1, v1;
	_ =	sdelay $0x1  }
0x39: {  	v0 =	vadd.f32 v1, v0;
	v1 =	vmul.f32 v2, v2;
	_ =	sdelay $0x1  }
0x3a: {  	v0 =	vadd.f32 v1, v0;
	_ =	sdelay $0x1  }
0x3b: {  	[tilespmem:$0x17800] =	vst v0  }
0x3c: {  	v0 =	vld [tilespmem:s16+$0x10]  }
0x3d: {  	v1 =	vld [tilespmem:s16+$0x8010];
	_ =	sdelay $0x3  }
0x3e: {  	v0 =	vmul.u32 $0x3, v0  }
0x3f: {  	v1 =	vmul.u32 $0x3, v1;
	_ =	sdelay $0x1  }
0x40: {  	v2 =	vadd.s32 $0x1, v0  }
0x41: {  	v3 =	vadd.s32 $0x1, v1  }
0x42: {  	v4 =	vadd.s32 $0x2, v0  }
0x43: {  	v5 =	vadd.s32 $0x2, v1;
	v0 =	vld.idx.msk [tilespmem:v0+s12+$0x0], $0xffff  }
0x44: {  	v1 =	vld.idx.msk [tilespmem:v1+s12+$0x0], $0xffff  }
0x45: {  	v2 =	vld.idx.msk [tilespmem:v2+s12+$0x0], $0xffff  }
0x46: {  	v3 =	vld.idx.msk [tilespmem:v3+s12+$0x0], $0xffff  }
0x47: {  	v4 =	vld.idx.msk [tilespmem:v4+s12+$0x0], $0xffff  }
0x48: {  	v5 =	vld.idx.msk [tilespmem:v5+s12+$0x0], $0xffff;
	_ =	sdelay $0x2  }
0x49: {  	v0 =	vsub.f32 v0, v1;
	v1 =	vsub.f32 v2, v3;
	_ =	sdelay $0x1  }
0x4a: {  	v2 =	vsub.f32 v4, v5;
	v0 =	vmul.f32 v0, v0;
	v1 =	vmul.f32 v1, v1;
	_ =	sdelay $0x1  }
0x4b: {  	v0 =	vadd.f32 v1, v0;
	v1 =	vmul.f32 v2, v2;
	_ =	sdelay $0x1  }
0x4c: {  	v0 =	vadd.f32 v1, v0;
	_ =	sdelay $0x1  }
0x4d: {  	[tilespmem:$0x17810] =	vst v0  }
0x4e: {  	v0 =	vld [tilespmem:s16+$0x18]  }
0x4f: {  	v1 =	vld [tilespmem:s16+$0x8018];
	_ =	sdelay $0x3  }
0x50: {  	v0 =	vmul.u32 $0x3, v0  }
0x51: {  	v1 =	vmul.u32 $0x3, v1;
	_ =	sdelay $0x1  }
0x52: {  	v2 =	vadd.s32 $0x1, v0  }
0x53: {  	v3 =	vadd.s32 $0x1, v1  }
0x54: {  	v4 =	vadd.s32 $0x2, v0  }
0x55: {  	v5 =	vadd.s32 $0x2, v1;
	v0 =	vld.idx.msk [tilespmem:v0+s12+$0x0], $0xffff  }
0x56: {  	v1 =	vld.idx.msk [tilespmem:v1+s12+$0x0], $0xffff  }
0x57: {  	v2 =	vld.idx.msk [tilespmem:v2+s12+$0x0], $0xffff  }
0x58: {  	v3 =	vld.idx.msk [tilespmem:v3+s12+$0x0], $0xffff  }
0x59: {  	v4 =	vld.idx.msk [tilespmem:v4+s12+$0x0], $0xffff  }
0x5a: {  	v5 =	vld.idx.msk [tilespmem:v5+s12+$0x0], $0xffff;
	_ =	sdelay $0x2  }
0x5b: {  	v0 =	vsub.f32 v0, v1;
	v1 =	vsub.f32 v2, v3;
	_ =	sdelay $0x1  }
0x5c: {  	v2 =	vsub.f32 v4, v5;
	v0 =	vmul.f32 v0, v0;
	v1 =	vmul.f32 v1, v1;
	_ =	sdelay $0x1  }
0x5d: {  	v0 =	vadd.f32 v1, v0;
	v1 =	vmul.f32 v2, v2;
	_ =	sdelay $0x1  }
0x5e: {  	v0 =	vadd.f32 v1, v0;
	_ =	sdelay $0x1  }
0x5f: {  	[tilespmem:$0x17818] =	vst v0  }
0x60: {  	_ =	swait.ge [sflag:s22], $0x1400  }
0x61: {  	[sflag:s22] =	ssyncset.done $0x0  }
0x62: {  	[sflag:s22] =	ssyncadd.s32 $0xFFFFEC00  }
0x63: {  	_ =	swait.ge [sflag:s23], $0x1400  }
0x64: {  	[sflag:s23] =	ssyncset.done $0x0  }
0x65: {  	s19 =	simm.s32 $0x0;
	[sflag:s23] =	ssyncadd.s32 $0xFFFFEC00  }
0x66: {  	v0 =	vld [tilespmem:s19+$0x10070]  }
0x67: {  	v1 =	vld [tilespmem:s19+$0x11470]  }
0x68: {  	v2 =	vld [tilespmem:s19+$0x10000]  }
0x69: {  	v3 =	vld [tilespmem:s19+$0x11400]  }
0x6a: {  	v4 =	vld [tilespmem:s19+$0x10010]  }
0x6b: {  	v5 =	vld [tilespmem:s19+$0x11410]  }
0x6c: {  	v6 =	vld [tilespmem:s19+$0x10020]  }
0x6d: {  	v7 =	vld [tilespmem:s19+$0x10030]  }
0x6e: {  	v0 =	vadd.f32 v1, v0;
	v1 =	vld [tilespmem:s19+$0x11420]  }
0x6f: {  	v8 =	vld [tilespmem:s19+$0x11430]  }
0x70: {  	v9 =	vld [tilespmem:s19+$0x11440]  }
0x71: {  	[tilespmem:s19+$0x15070] =	vst v0;
	v0 =	vadd.f32 v5, v4;
	v5 =	vld [tilespmem:s19+$0x10040]  }
0x72: {  	v2 =	vadd.f32 v3, v2;
	v3 =	vld [tilespmem:s19+$0x11450]  }
0x73: {  	[tilespmem:s19+$0x15010] =	vst v0;
	v0 =	vadd.f32 v1, v6;
	v1 =	vld [tilespmem:s19+$0x10050]  }
0x74: {  	s18 =	smul.u32 $0x50, s3;
	[tilespmem:s19+$0x15000] =	vst v2;
	v4 =	vld [tilespmem:s19+$0x11460];
	v6 =	vadd.f32 v8, v7  }
0x75: {  	s20 =	simm.s32 $0x80;
	[tilespmem:s19+$0x15020] =	vst v0;
	v0 =	vld [tilespmem:s19+$0x10060]  }
0x76: {  	s17 =	sshll.u32 s3, $0x1;
	s21 =	simm.s32 $0x400;
	s18 =	sadd.s32 s10, s18;
	v5 =	vadd.f32 v9, v5;
	v2 =	vld [tilespmem:s20+$0x10070];
	[tilespmem:s19+$0x15030] =	vst v6  }
.LBB2_3:
0x77: {  	p1 =	sne.s32 s21, $0x4E00;
	v6 =	vld [tilespmem:s20+$0x11470]  }
0x78: {  	v7 =	vld [tilespmem:s20+$0x10000];
	[tilespmem:s19+$0x15040] =	vst v5;
	v1 =	vadd.f32 v3, v1  }
0x79: {  	v3 =	vld [tilespmem:s20+$0x11400]  }
0x7a: {  	v5 =	vld [tilespmem:s20+$0x10010];
	[tilespmem:s19+$0x15050] =	vst v1;
	v0 =	vadd.f32 v4, v0  }
0x7b: {  	v1 =	vld [tilespmem:s20+$0x11410]  }
0x7c: {  	v4 =	vld [tilespmem:s20+$0x10020];
	v2 =	vadd.f32 v6, v2;
	[tilespmem:s19+$0x15060] =	vst v0;
	s19 =	smov.u32 s20  }
0x7d: {  	v0 =	vld [tilespmem:s19+$0x11420]  }
0x7e: {  	v3 =	vadd.f32 v3, v7;
	v6 =	vld [tilespmem:s19+$0x10030];
	[tilespmem:s19+$0x15070] =	vst v2  }
0x7f: {  	v2 =	vld [tilespmem:s19+$0x11430]  }
0x80: {  	[tilespmem:s19+$0x15000] =	vst v3;
	v1 =	vadd.f32 v1, v5;
	v5 =	vld [tilespmem:s19+$0x10040]  }
0x81: {  	v7 =	vld [tilespmem:s19+$0x11440]  }
.Ltmp0:
0x82: {  	[tilespmem:s19+$0x15010] =	vst v1;
	v0 =	vadd.f32 v0, v4;
	v1 =	vld [tilespmem:s19+$0x10050];
	(pc) =	sbr.rel @p1 .LBB2_3-.Ltmp0, $4  }
0x83: {  	v3 =	vld [tilespmem:s19+$0x11450]  }
0x84: {  	[tilespmem:s19+$0x15020] =	vst v0;
	v6 =	vadd.f32 v2, v6;
	v0 =	vld [tilespmem:s19+$0x10060]  }
0x85: {  	s20 =	sshra.s32 s21, $0x2;
	v4 =	vld [tilespmem:s19+$0x11460]  }
0x86: {  	s21 =	sadd.s32 $0x200, s21;
	v2 =	vld [tilespmem:s20+$0x10070];
	[tilespmem:s19+$0x15030] =	vst v6;
	v5 =	vadd.f32 v7, v5  }
0x87: {  	v6 =	vld [tilespmem:s20+$0x11470]  }
0x88: {  	v7 =	vld [tilespmem:s20+$0x10000];
	[tilespmem:s19+$0x15040] =	vst v5;
	v1 =	vadd.f32 v3, v1  }
0x89: {  	v3 =	vld [tilespmem:s20+$0x11400]  }
0x8a: {  	v5 =	vld [tilespmem:s20+$0x10010];
	[tilespmem:s19+$0x15050] =	vst v1;
	v0 =	vadd.f32 v4, v0  }
0x8b: {  	v1 =	vld [tilespmem:s20+$0x11410]  }
0x8c: {  	v4 =	vld [tilespmem:s20+$0x10020];
	[tilespmem:s19+$0x15060] =	vst v0  }
0x8d: {  	v0 =	vadd.f32 v6, v2;
	v2 =	vld [tilespmem:s20+$0x11420]  }
0x8e: {  	v6 =	vld [tilespmem:s20+$0x10030]  }
0x8f: {  	v3 =	vadd.f32 v3, v7;
	[tilespmem:s20+$0x15070] =	vst v0;
	v0 =	vld [tilespmem:s20+$0x11430]  }
0x90: {  	v7 =	vld [tilespmem:s20+$0x11460]  }
0x91: {  	[tilespmem:s20+$0x15000] =	vst v3;
	v1 =	vadd.f32 v1, v5;
	v3 =	vld [tilespmem:s20+$0x10040]  }
0x92: {  	v5 =	vld [tilespmem:s20+$0x11440]  }
0x93: {  	[tilespmem:s20+$0x15010] =	vst v1;
	v1 =	vadd.f32 v2, v4;
	v2 =	vld [tilespmem:s20+$0x10050]  }
0x94: {  	v4 =	vld [tilespmem:s20+$0x11450]  }
0x95: {  	[tilespmem:s20+$0x15020] =	vst v1;
	v1 =	vld [tilespmem:s20+$0x10060];
	_ =	sdelay $0x1  }
0x96: {  	v0 =	vadd.f32 v0, v6  }
0x97: {  	v3 =	vadd.f32 v5, v3  }
0x98: {  	[tilespmem:s20+$0x15030] =	vst v0;
	v0 =	vadd.f32 v4, v2  }
0x99: {  	[tilespmem:s20+$0x15040] =	vst v3;
	v1 =	vadd.f32 v7, v1  }
0x9a: {  	p1 =	seq.s32 s3, $0x7C;
	[tilespmem:s20+$0x15050] =	vst v0  }
0x9b: {  	s21 =	simm.s32 @!p1 $0x10000;
	s19 =	sadd.s32 @!p1 $0x100, s16;
	[tilespmem:s20+$0x15060] =	vst v1;
	s20 =	simm.s32 @!p1 $0x28  }
0x9c: {  	[tilespmem:s21], [sflag:$0x1] =	stream.indirect.gather @!p1 [hbm4b:s1+s20], $0x80, s19, s20, $0xb8;
	[tilespmem:$0x1EE80] =	vst v63  }
0x9d: {  	s19 =	sadd.s32 @!p1 $0x8100, s16;
	s21 =	simm.s32 @!p1 $0x11400  }
0x9e: {  	[tilespmem:s21], [sflag:$0x2] =	stream.indirect.gather @!p1 [hbm4b:s5+s20], $0x80, s19, s20, $0xb8;
	[tilespmem:$0x1EE80] =	vst v63  }
0x9f: {  	s21 =	sshll.u32 s18, $0x4  }
0xa0: {  	s20 =	sshrl.u32 s18, $0x3;
	s19 =	sadd.s32 s6, s21  }
0xa1: {  	[hbm4b:s19+s4] =	stream.linear.scatter [tilespmem:s24], [sflag:$0x5], $0x1400, $0x38;
	[tilespmem:$0x1EE80] =	vst v63  }
0xa2: {  	s18 =	sadd.s32 s7, s20  }
0xa3: {  	[hbm4b:s18+s4] =	stream.linear.scatter [tilespmem:s25], [sflag:$0x5], $0x28, $0x38;
	[tilespmem:$0x1EE80] =	vst v63  }
0xa4: {  	s18 =	simm.s32 @!p0 $0x6  }
0xa5: {  	_ =	swait.ge @!p0 [sflag:s18], $0x1400  }
0xa6: {  	[sflag:s18] =	ssyncset.done @!p0 $0x0  }
0xa7: {  	[sflag:s18] =	ssyncadd.s32 @!p0 $0xFFFFEC00  }
0xa8: {  	_ =	swait.ge @!p0 [sflag:s18], $0x28  }
0xa9: {  	s17 =	sor.u32 $0x1, s17;
	[sflag:s18] =	ssyncset.done @!p0 $0x0  }
0xaa: {  	s21 =	sshll.u32 s17, $0x7;
	[sflag:s18] =	ssyncadd.s32 @!p0 $0xFFFFFFD8  }
0xab: {  	v0 =	vld [tilespmem:s21+$0x0]  }
0xac: {  	v1 =	vld [tilespmem:s21+$0x8000];
	_ =	sdelay $0x3  }
0xad: {  	v0 =	vmul.u32 $0x3, v0  }
0xae: {  	v1 =	vmul.u32 $0x3, v1;
	_ =	sdelay $0x1  }
0xaf: {  	v2 =	vadd.s32 $0x1, v0  }
0xb0: {  	v3 =	vadd.s32 $0x1, v1  }
0xb1: {  	v4 =	vadd.s32 $0x2, v0  }
0xb2: {  	v5 =	vadd.s32 $0x2, v1;
	v0 =	vld.idx.msk [tilespmem:v0+s12+$0x0], $0xffff  }
0xb3: {  	v1 =	vld.idx.msk [tilespmem:v1+s12+$0x0], $0xffff  }
0xb4: {  	v2 =	vld.idx.msk [tilespmem:v2+s12+$0x0], $0xffff  }
0xb5: {  	v3 =	vld.idx.msk [tilespmem:v3+s12+$0x0], $0xffff  }
0xb6: {  	v4 =	vld.idx.msk [tilespmem:v4+s12+$0x0], $0xffff  }
0xb7: {  	v5 =	vld.idx.msk [tilespmem:v5+s12+$0x0], $0xffff;
	_ =	sdelay $0x2  }
0xb8: {  	v0 =	vsub.f32 v0, v1;
	v1 =	vsub.f32 v2, v3;
	_ =	sdelay $0x1  }
0xb9: {  	v2 =	vsub.f32 v4, v5;
	v0 =	vmul.f32 v0, v0;
	v1 =	vmul.f32 v1, v1;
	_ =	sdelay $0x1  }
0xba: {  	v0 =	vadd.f32 v1, v0;
	v1 =	vmul.f32 v2, v2;
	_ =	sdelay $0x1  }
0xbb: {  	v0 =	vadd.f32 v1, v0;
	_ =	sdelay $0x1  }
0xbc: {  	[tilespmem:$0x17880] =	vst v0  }
0xbd: {  	v0 =	vld [tilespmem:s21+$0x10]  }
0xbe: {  	v1 =	vld [tilespmem:s21+$0x8010];
	_ =	sdelay $0x3  }
0xbf: {  	v0 =	vmul.u32 $0x3, v0  }
0xc0: {  	v1 =	vmul.u32 $0x3, v1;
	_ =	sdelay $0x1  }
0xc1: {  	v2 =	vadd.s32 $0x1, v0  }
0xc2: {  	v3 =	vadd.s32 $0x1, v1  }
0xc3: {  	v4 =	vadd.s32 $0x2, v0  }
0xc4: {  	v5 =	vadd.s32 $0x2, v1;
	v0 =	vld.idx.msk [tilespmem:v0+s12+$0x0], $0xffff  }
0xc5: {  	v1 =	vld.idx.msk [tilespmem:v1+s12+$0x0], $0xffff  }
0xc6: {  	v2 =	vld.idx.msk [tilespmem:v2+s12+$0x0], $0xffff  }
0xc7: {  	v3 =	vld.idx.msk [tilespmem:v3+s12+$0x0], $0xffff  }
0xc8: {  	v4 =	vld.idx.msk [tilespmem:v4+s12+$0x0], $0xffff  }
0xc9: {  	v5 =	vld.idx.msk [tilespmem:v5+s12+$0x0], $0xffff;
	_ =	sdelay $0x2  }
0xca: {  	v0 =	vsub.f32 v0, v1;
	v1 =	vsub.f32 v2, v3;
	_ =	sdelay $0x1  }
0xcb: {  	v2 =	vsub.f32 v4, v5;
	v0 =	vmul.f32 v0, v0;
	v1 =	vmul.f32 v1, v1;
	_ =	sdelay $0x1  }
0xcc: {  	v0 =	vadd.f32 v1, v0;
	v1 =	vmul.f32 v2, v2;
	_ =	sdelay $0x1  }
0xcd: {  	v0 =	vadd.f32 v1, v0;
	_ =	sdelay $0x1  }
0xce: {  	[tilespmem:$0x17890] =	vst v0  }
0xcf: {  	v0 =	vld [tilespmem:s21+$0x18]  }
0xd0: {  	v1 =	vld [tilespmem:s21+$0x8018];
	_ =	sdelay $0x3  }
0xd1: {  	v0 =	vmul.u32 $0x3, v0  }
0xd2: {  	v1 =	vmul.u32 $0x3, v1;
	_ =	sdelay $0x1  }
0xd3: {  	v2 =	vadd.s32 $0x1, v0  }
0xd4: {  	v3 =	vadd.s32 $0x1, v1  }
0xd5: {  	v4 =	vadd.s32 $0x2, v0  }
0xd6: {  	v5 =	vadd.s32 $0x2, v1;
	v0 =	vld.idx.msk [tilespmem:v0+s12+$0x0], $0xffff  }
0xd7: {  	v1 =	vld.idx.msk [tilespmem:v1+s12+$0x0], $0xffff  }
0xd8: {  	v2 =	vld.idx.msk [tilespmem:v2+s12+$0x0], $0xffff  }
0xd9: {  	v3 =	vld.idx.msk [tilespmem:v3+s12+$0x0], $0xffff  }
0xda: {  	v4 =	vld.idx.msk [tilespmem:v4+s12+$0x0], $0xffff  }
0xdb: {  	v5 =	vld.idx.msk [tilespmem:v5+s12+$0x0], $0xffff;
	_ =	sdelay $0x2  }
0xdc: {  	v0 =	vsub.f32 v0, v1;
	v1 =	vsub.f32 v2, v3;
	_ =	sdelay $0x1  }
0xdd: {  	v2 =	vsub.f32 v4, v5;
	v0 =	vmul.f32 v0, v0;
	v1 =	vmul.f32 v1, v1;
	_ =	sdelay $0x1  }
0xde: {  	v0 =	vadd.f32 v1, v0;
	v1 =	vmul.f32 v2, v2;
	_ =	sdelay $0x1  }
0xdf: {  	v0 =	vadd.f32 v1, v0;
	_ =	sdelay $0x1  }
0xe0: {  	[tilespmem:$0x17898] =	vst v0  }
0xe1: {  	_ =	swait.ge [sflag:s26], $0x1400  }
0xe2: {  	[sflag:s26] =	ssyncset.done $0x0  }
0xe3: {  	[sflag:s26] =	ssyncadd.s32 $0xFFFFEC00  }
0xe4: {  	_ =	swait.ge [sflag:s28], $0x1400  }
0xe5: {  	[sflag:s28] =	ssyncset.done $0x0  }
0xe6: {  	s18 =	simm.s32 $0x0;
	[sflag:s28] =	ssyncadd.s32 $0xFFFFEC00  }
0xe7: {  	v0 =	vld [tilespmem:s18+$0x12870]  }
0xe8: {  	v1 =	vld [tilespmem:s18+$0x13C70]  }
0xe9: {  	v2 =	vld [tilespmem:s18+$0x12800]  }
0xea: {  	v3 =	vld [tilespmem:s18+$0x13C00]  }
0xeb: {  	v4 =	vld [tilespmem:s18+$0x12810]  }
0xec: {  	v5 =	vld [tilespmem:s18+$0x13C10]  }
0xed: {  	v6 =	vld [tilespmem:s18+$0x12820]  }
0xee: {  	v7 =	vld [tilespmem:s18+$0x12830]  }
0xef: {  	v0 =	vadd.f32 v1, v0;
	v1 =	vld [tilespmem:s18+$0x13C20]  }
0xf0: {  	v8 =	vld [tilespmem:s18+$0x13C30]  }
0xf1: {  	v9 =	vld [tilespmem:s18+$0x13C40]  }
0xf2: {  	[tilespmem:s18+$0x16470] =	vst v0;
	v0 =	vadd.f32 v5, v4;
	v5 =	vld [tilespmem:s18+$0x12840]  }
0xf3: {  	v2 =	vadd.f32 v3, v2;
	v3 =	vld [tilespmem:s18+$0x13C50]  }
0xf4: {  	[tilespmem:s18+$0x16410] =	vst v0;
	v0 =	vadd.f32 v1, v6;
	v1 =	vld [tilespmem:s18+$0x12850]  }
0xf5: {  	s17 =	smul.u32 $0x28, s17;
	[tilespmem:s18+$0x16400] =	vst v2;
	v4 =	vld [tilespmem:s18+$0x13C60];
	v6 =	vadd.f32 v8, v7  }
0xf6: {  	s19 =	simm.s32 $0x80;
	[tilespmem:s18+$0x16420] =	vst v0;
	v0 =	vld [tilespmem:s18+$0x12860]  }
0xf7: {  	s20 =	simm.s32 $0x400;
	s17 =	sadd.s32 s10, s17;
	v5 =	vadd.f32 v9, v5;
	v2 =	vld [tilespmem:s19+$0x12870];
	[tilespmem:s18+$0x16430] =	vst v6  }
.LBB2_5:
0xf8: {  	p0 =	sne.s32 s20, $0x4E00;
	v6 =	vld [tilespmem:s19+$0x13C70]  }
0xf9: {  	v7 =	vld [tilespmem:s19+$0x12800];
	[tilespmem:s18+$0x16440] =	vst v5;
	v1 =	vadd.f32 v3, v1  }
0xfa: {  	v3 =	vld [tilespmem:s19+$0x13C00]  }
0xfb: {  	v5 =	vld [tilespmem:s19+$0x12810];
	[tilespmem:s18+$0x16450] =	vst v1;
	v0 =	vadd.f32 v4, v0  }
0xfc: {  	v1 =	vld [tilespmem:s19+$0x13C10]  }
0xfd: {  	v4 =	vld [tilespmem:s19+$0x12820];
	v2 =	vadd.f32 v6, v2;
	[tilespmem:s18+$0x16460] =	vst v0;
	s18 =	smov.u32 s19  }
0xfe: {  	v0 =	vld [tilespmem:s18+$0x13C20]  }
0xff: {  	v3 =	vadd.f32 v3, v7;
	v6 =	vld [tilespmem:s18+$0x12830];
	[tilespmem:s18+$0x16470] =	vst v2  }
0x100: {  	v2 =	vld [tilespmem:s18+$0x13C30]  }
0x101: {  	[tilespmem:s18+$0x16400] =	vst v3;
	v1 =	vadd.f32 v1, v5;
	v5 =	vld [tilespmem:s18+$0x12840]  }
0x102: {  	v7 =	vld [tilespmem:s18+$0x13C40]  }
.Ltmp1:
0x103: {  	[tilespmem:s18+$0x16410] =	vst v1;
	v0 =	vadd.f32 v0, v4;
	v1 =	vld [tilespmem:s18+$0x12850];
	(pc) =	sbr.rel @p0 .LBB2_5-.Ltmp1, $4  }
0x104: {  	v3 =	vld [tilespmem:s18+$0x13C50]  }
0x105: {  	[tilespmem:s18+$0x16420] =	vst v0;
	v6 =	vadd.f32 v2, v6;
	v0 =	vld [tilespmem:s18+$0x12860]  }
0x106: {  	s19 =	sshra.s32 s20, $0x2;
	v4 =	vld [tilespmem:s18+$0x13C60]  }
0x107: {  	s20 =	sadd.s32 $0x200, s20;
	v2 =	vld [tilespmem:s19+$0x12870];
	[tilespmem:s18+$0x16430] =	vst v6;
	v5 =	vadd.f32 v7, v5  }
0x108: {  	v6 =	vld [tilespmem:s19+$0x13C70]  }
0x109: {  	v7 =	vld [tilespmem:s19+$0x12800];
	[tilespmem:s18+$0x16440] =	vst v5;
	v1 =	vadd.f32 v3, v1  }
0x10a: {  	v50 =	vld [tilespmem:s19+$0x13C00]  }
0x10b: {  	v5 =	vld [tilespmem:s19+$0x12810];
	[tilespmem:s18+$0x16450] =	vst v1;
	v0 =	vadd.f32 v4, v0  }
0x10c: {  	v1 =	vld [tilespmem:s19+$0x13C10]  }
0x10d: {  	v51 =	vld [tilespmem:s19+$0x12820];
	[tilespmem:s18+$0x16460] =	vst v0  }
0x10e: {  	v53 =	vld [tilespmem:s19+$0x13C20]  }
0x10f: {  	v54 =	vld [tilespmem:s19+$0x12830]  }
0x110: {  	v55 =	vld [tilespmem:s19+$0x13C30]  }
0x111: {  	v56 =	vld [tilespmem:s19+$0x12840]  }
0x112: {  	v57 =	vld [tilespmem:s19+$0x13C40]  }
0x113: {  	v59 =	vld [tilespmem:s19+$0x12850]  }
0x114: {  	v52 =	vadd.f32 v6, v2;
	v60 =	vld [tilespmem:s19+$0x13C50]  }
0x115: {  	v61 =	vld [tilespmem:s19+$0x12860];
	v3 =	vadd.f32 v50, v7  }
0x116: {  	v62 =	vld [tilespmem:s19+$0x13C60];
	[tilespmem:s19+$0x16470] =	vst v52;
	v1 =	vadd.f32 v1, v5  }
0x117: {  	[tilespmem:s19+$0x16400] =	vst v3;
	v58 =	vadd.f32 v53, v51  }
0x118: {  	[tilespmem:s19+$0x16410] =	vst v1;
	v0 =	vadd.f32 v55, v54  }
0x119: {  	v3 =	vadd.f32 v57, v56;
	[tilespmem:s19+$0x16420] =	vst v58  }
0x11a: {  	v63 =	vadd.f32 v60, v59;
	[tilespmem:s19+$0x16430] =	vst v0  }
0x11b: {  	v1 =	vadd.f32 v62, v61;
	[tilespmem:s19+$0x16440] =	vst v3  }
0x11c: {  	s20 =	simm.s32 @!p1 $0x12800;
	[tilespmem:s19+$0x16450] =	vst v63  }
0x11d: {  	s3 =	sadd.s32 $0x1, s3;
	s18 =	sadd.s32 @!p1 $0x180, s16;
	[tilespmem:s19+$0x16460] =	vst v1;
	s19 =	simm.s32 @!p1 $0x28  }
0x11e: {  	[tilespmem:s20], [sflag:$0x3] =	stream.indirect.gather @!p1 [hbm4b:s1+s19], $0x80, s18, s19, $0xb8;
	[tilespmem:$0x1EE80] =	vst v63  }
0x11f: {  	p0 =	sne.s32 s3, $0x7D;
	s16 =	sadd.s32 @!p1 $0x8180, s16;
	s18 =	simm.s32 @!p1 $0x13C00  }
0x120: {  	[tilespmem:s18], [sflag:$0x4] =	stream.indirect.gather @!p1 [hbm4b:s5+s19], $0x80, s16, s19, $0xb8;
	[tilespmem:$0x1EE80] =	vst v63  }
.Ltmp2:
0x121: {  	s20 =	sshll.u32 s17, $0x4;
	(pc) =	sbr.rel @p0 .LBB2_2-.Ltmp2, $4  }
0x122: {  	s21 =	sshrl.u32 s17, $0x3;
	s16 =	sadd.s32 s6, s20  }
0x123: {  	[hbm4b:s16+s4] =	stream.linear.scatter [tilespmem:s29], [sflag:$0x6], $0x1400, $0x38;
	[tilespmem:$0x1EE80] =	vst v63  }
0x124: {  	s16 =	sadd.s32 s7, s21  }
0x125: {  	[hbm4b:s16+s4] =	stream.linear.scatter [tilespmem:s30], [sflag:$0x6], $0x28, $0x38;
	[tilespmem:$0x1EE80] =	vst v63  }
0x126: {  	_ =	swait.ge [sflag:s31], $0x1400  }
0x127: {  	[sflag:s31] =	ssyncset.done $0x0  }
0x128: {  	[sflag:s31] =	ssyncadd.s32 $0xFFFFEC00  }
0x129: {  	_ =	swait.ge [sflag:s31], $0x28  }
0x12a: {  	[sflag:s31] =	ssyncset.done $0x0  }
0x12b: {  	s2 =	sadd.s32 $0x1, s2;
	[sflag:s31] =	ssyncadd.s32 $0xFFFFFFD8  }
0x12c: {  	p0 =	sne.s32 s2, s11;
	_ =	swait.ge [sflag:s0], $0x1400  }
.Ltmp3:
0x12d: {  	[sflag:s0] =	ssyncset.done $0x0;
	(pc) =	sbr.rel @p0 .LBB2_1-.Ltmp3, $4  }
0x12e: {  	[sflag:s0] =	ssyncadd.s32 $0xFFFFEC00  }
0x12f: {  	_ =	swait.ge [sflag:s0], $0x28  }
0x130: {  	[sflag:s0] =	ssyncset.done $0x0  }
0x131: {  	[sflag:s0] =	ssyncadd.s32 $0xFFFFFFD8  }
0x132: {  	_ =	sfence.sel $0x180000  }
0x133: {  	[bflag:$0x0] =	sbarrier.arrive $0xFFFF  }
0x134: {  	_ =	strace $0x90000047  }
0x135: {  	s0 =	stileid.u32;
	[bflag:$0x2] =	sbarrier.arrive $0xFFFF  }
0x136: {  	p0 =	sne.s32 s0, $0x0;
	s0 =	rddreg [dreg:$0x3]  }
0x137: {  	s0 =	sadd.s32 @!p0 $0x100000, s0  }
0x138: {  	[sflag:s0] =	ssyncadd.tile.s32 @!p0 $0x1;
	_ =	shalt  }
.Lfunc_end2:
_tile_overlayer_lowered:
.L_overlay_start_2:
0x139: {  	(tag) =	ssettag $0x2  }
0x13a: {  	s0 =	rddreg [dreg:$0x0];
	s2 =	stileid.u32  }
0x13b: {  	s1 =	rddreg [dreg:$0x1];
	p0 =	sne.s32 s2, $0x0  }
0x13c: {  	s3 =	rddreg [dreg:$0x2];
	[bflag:$0x3] =	sbarrier.arrive $0xFFFF;
	s2 =	simm.s32 @!p0 $0x1C07  }
0x13d: {  	[timem:s3], [sflag:s2] =	dma.local @!p0 [hbm:s0], s1  }
0x13e: {  	s0 =	simm.s32 @!p0 $0x7  }
0x13f: {  	_ =	swait.ge @!p0 [sflag:s0], s1  }
0x140: {  	s1 =	ssub.s32 @!p0 $0x0, s1;
	[sflag:s0] =	ssyncset.done @!p0 $0x0  }
0x141: {  	[sflag:s0] =	ssyncadd.s32 @!p0 s1  }
0x142: {  	[bflag:$0x3] =	sbarrier.arrive $0xFFFF  }
0x143: {  	_ =	shalt  }

</sc_bundles>
